<compile_context>
chip_gen: v7x
topology: tpu7x:2x2x1
jax: 0.10.2.dev20260603
libtpu: 0.0.44.dev20260713+nightly
codegen_flags: <defaults>
</compile_context>

<pallas_src>
import functools

import jax
import jax.numpy as jnp
from jax import lax
from jax.experimental import pallas as pl
from jax.experimental.pallas import tpu as pltpu
from jax.experimental.pallas import tpu_sc as plsc

N_NODES = 10000
N_EDGES = 320000
IN_CH = 128
HID = 128
OUT_CH = 40
OUT_P = 64

NC = 2
NS = 16
NW = NC * NS
CHUNK = 128
ROWS_PER_TILE = 640
NACC = NS * ROWS_PER_TILE
ITERS = 80
EPW = ITERS * CHUNK
E_PAD = NW * EPW
TOTAL_CHUNKS = E_PAD // CHUNK
NBUF = 2
DEG_NBUF = 4
CA = 80
CB = 160 - CA

ROW_BLK = 1000
GRID = N_NODES // ROW_BLK

_MESH = dict(core_axis_name="c", subcore_axis_name="s",
             num_cores=NC, num_subcores=NS)



DEG_W = 32


@functools.lru_cache(maxsize=None)
def _make_deg():
    @functools.partial(
        pl.kernel,
        out_type=jax.ShapeDtypeStruct((NC, NACC, DEG_W), jnp.float32),
        mesh=plsc.VectorSubcoreMesh(**_MESH),
        compiler_params=pltpu.CompilerParams(use_tc_tiling_on_sc=False),
        scratch_types=[
            pltpu.VMEM_SHARED((NACC, DEG_W), jnp.float32),
            pltpu.VMEM((CHUNK, DEG_W), jnp.float32),
            pltpu.VMEM((ITERS, CHUNK), jnp.int32),
            [pltpu.SemaphoreType.DMA] * DEG_NBUF,
        ],
    )
    def _deg_call(dst_hbm, deg_hbm, acc_s, ones_v, didx, sems):
        c = lax.axis_index("c")
        s = lax.axis_index("s")

        def fill(val):
            def row(i, carry):
                for k in range(DEG_W // 16):
                    ones_v[i, pl.ds(k * 16, 16)] = jnp.full((16,), val,
                                                            jnp.float32)
                return carry
            lax.fori_loop(0, CHUNK, row, 0)

        fill(0.0)
        for t in range(ROWS_PER_TILE // CHUNK):
            pltpu.sync_copy(
                ones_v, acc_s.at[pl.ds(s * ROWS_PER_TILE + t * CHUNK, CHUNK)])
        fill(1.0)
        plsc.subcore_barrier()

        w = c * NS + s
        pltpu.sync_copy(dst_hbm.at[pl.ds(w * ITERS, ITERS)], didx)

        for b in range(DEG_NBUF):
            pltpu.async_copy(ones_v, acc_s.at[didx.at[b]], sems[b], add=True)

        def body(j, carry):
            b = lax.rem(j, DEG_NBUF)
            for bb in range(DEG_NBUF):
                @pl.when(b == bb)
                def _():
                    pltpu.make_async_copy(ones_v, acc_s.at[didx.at[j]],
                                          sems[bb]).wait()
                    jn = j + DEG_NBUF

                    @pl.when(jn < ITERS)
                    def _():
                        pltpu.async_copy(ones_v, acc_s.at[didx.at[jn]],
                                         sems[bb], add=True)
            return carry

        lax.fori_loop(0, ITERS, body, 0)
        plsc.subcore_barrier()
        pltpu.sync_copy(
            acc_s.at[pl.ds(s * ROWS_PER_TILE, ROWS_PER_TILE)],
            deg_hbm.at[c, pl.ds(s * ROWS_PER_TILE, ROWS_PER_TILE)])

    return _deg_call


@functools.lru_cache(maxsize=None)
def _make_agg(D, tc_tiling=True, nbuf=NBUF):

    @functools.partial(
        pl.kernel,
        out_type=jax.ShapeDtypeStruct((NC, NACC, D), jnp.float32),
        mesh=plsc.VectorSubcoreMesh(**_MESH),
        compiler_params=pltpu.CompilerParams(use_tc_tiling_on_sc=tc_tiling),
        scratch_types=[
            pltpu.VMEM_SHARED((NACC, D), jnp.float32),
            [pltpu.VMEM((CHUNK, D), jnp.float32)] * nbuf,
            [pltpu.VMEM((CHUNK,), jnp.int32)] * nbuf,
            [pltpu.VMEM((CHUNK,), jnp.int32)] * nbuf,
            [pltpu.SemaphoreType.DMA] * nbuf,
            [pltpu.SemaphoreType.DMA] * nbuf,
            [pltpu.SemaphoreType.DMA] * nbuf,
            [pltpu.SemaphoreType.DMA] * nbuf,
        ],
    )
    def agg(h_hbm, src_hbm, dst_hbm, out_hbm, acc_s, bufs, isrc, idst,
            gsems, ssems, xsems, dsems):
        c = lax.axis_index("c")
        s = lax.axis_index("s")

        def zrow(i, carry):
            for k in range(D // 16):
                bufs[0][i, pl.ds(k * 16, 16)] = jnp.zeros((16,), jnp.float32)
            return carry

        lax.fori_loop(0, CHUNK, zrow, 0)
        for t in range(ROWS_PER_TILE // CHUNK):
            pltpu.sync_copy(
                bufs[0],
                acc_s.at[pl.ds(s * ROWS_PER_TILE + t * CHUNK, CHUNK)])

        nch = jnp.where(c == 0, CA, CB)
        base = jnp.where(c == 0, s * CA, NS * CA + s * CB)
        plsc.subcore_barrier()

        for b in range(nbuf):
            pltpu.async_copy(src_hbm.at[base + b], isrc[b], xsems[b])
            pltpu.async_copy(dst_hbm.at[base + b], idst[b], dsems[b])
        for b in range(nbuf):
            pltpu.make_async_copy(src_hbm.at[base + b], isrc[b],
                                  xsems[b]).wait()
            pltpu.async_copy(h_hbm.at[isrc[b]], bufs[b], gsems[b])

        def body(jj, carry):
            j0 = jj * nbuf
            for b in range(nbuf):
                j = j0 + b
                jn = j + nbuf
                pltpu.make_async_copy(h_hbm.at[isrc[b]], bufs[b],
                                      gsems[b]).wait()

                @pl.when(jn < nch)
                def _():
                    pltpu.async_copy(src_hbm.at[base + jn], isrc[b], xsems[b])

                pltpu.make_async_copy(dst_hbm.at[base + j], idst[b],
                                      dsems[b]).wait()
                pltpu.async_copy(bufs[b], acc_s.at[idst[b]], ssems[b],
                                 add=True)
            for b in range(nbuf):
                jn = j0 + b + nbuf
                pltpu.make_async_copy(bufs[b], acc_s.at[idst[b]],
                                      ssems[b]).wait()

                @pl.when(jn < nch)
                def _():
                    pltpu.async_copy(dst_hbm.at[base + jn], idst[b], dsems[b])
                    pltpu.make_async_copy(src_hbm.at[base + jn], isrc[b],
                                          xsems[b]).wait()
                    pltpu.async_copy(h_hbm.at[isrc[b]], bufs[b], gsems[b])

            return carry

        lax.fori_loop(0, nch // nbuf, body, 0)
        plsc.subcore_barrier()
        pltpu.sync_copy(acc_s.at[pl.ds(s * ROWS_PER_TILE, ROWS_PER_TILE)],
                        out_hbm.at[c, pl.ds(s * ROWS_PER_TILE, ROWS_PER_TILE)])

    return agg



def _dinv_block(degp_ref):
    deg = degp_ref[0, :, 0:1] + degp_ref[1, :, 0:1] + 1.0
    return lax.rsqrt(deg)


def _mm1_body(x_ref, w1_ref, degp_ref, h1p_ref):
    h0 = jnp.dot(x_ref[...], w1_ref[...], preferred_element_type=jnp.float32)
    h1p_ref[...] = h0 * _dinv_block(degp_ref)


def _prebn_body(accp_ref, h1p_ref, degp_ref, b1_ref, t_ref, sums_ref):
    i = pl.program_id(0)
    t = (accp_ref[0] + accp_ref[1] + h1p_ref[...]) * _dinv_block(degp_ref) \
        + b1_ref[...]
    t_ref[...] = t

    @pl.when(i == 0)
    def _():
        sums_ref[...] = jnp.zeros_like(sums_ref)

    sums_ref[...] += jnp.concatenate(
        [jnp.sum(t, axis=0, keepdims=True),
         jnp.sum(t * t, axis=0, keepdims=True)], axis=0)


def _bnmm2_body(t_ref, sums_ref, gamma_ref, beta_ref, w2_ref, degp_ref,
                h2p_ref):
    n = float(N_NODES)
    mean = sums_ref[0:1, :] / n
    var = sums_ref[1:2, :] / n - mean * mean
    scale = gamma_ref[...] * lax.rsqrt(var + 1e-5)
    h1 = jnp.maximum((t_ref[...] - mean) * scale + beta_ref[...], 0.0)
    h2 = jnp.dot(h1, w2_ref[...], preferred_element_type=jnp.float32)
    h2p_ref[...] = h2 * _dinv_block(degp_ref)


def _out_body(accp2_ref, h2p_ref, degp_ref, b2_ref, o_ref):
    logits = (accp2_ref[0] + accp2_ref[1] + h2p_ref[...]) \
        * _dinv_block(degp_ref) + b2_ref[...]
    mask = lax.broadcasted_iota(jnp.int32, (ROW_BLK, OUT_P), 1) < OUT_CH
    neg = jnp.where(mask, logits, -1e30)
    m = jnp.max(neg, axis=1, keepdims=True)
    e = jnp.where(mask, jnp.exp(logits - m), 0.0)
    lse = jnp.log(jnp.sum(e, axis=1, keepdims=True))
    o_ref[...] = logits - m - lse


def _row_spec(d):
    return pl.BlockSpec((ROW_BLK, d), lambda i: (i, 0))


def _acc_spec(d):
    return pl.BlockSpec((2, ROW_BLK, d), lambda i: (0, i, 0))


def _full_spec(shape):
    nd = len(shape)
    return pl.BlockSpec(shape, lambda i, _n=nd: (0,) * _n)


_DEG_SPEC = pl.BlockSpec((2, ROW_BLK, DEG_W), lambda i: (0, i, 0))


def _mm1(x, W1, degp):
    return pl.pallas_call(
        _mm1_body,
        grid=(GRID,),
        in_specs=[_row_spec(IN_CH), _full_spec((IN_CH, HID)), _DEG_SPEC],
        out_specs=_row_spec(HID),
        out_shape=jax.ShapeDtypeStruct((N_NODES, HID), jnp.float32),
    )(x, W1, degp)


def _prebn(accp, h1p, degp, b1r):
    return pl.pallas_call(
        _prebn_body,
        grid=(GRID,),
        in_specs=[_acc_spec(HID), _row_spec(HID), _DEG_SPEC,
                  _full_spec((1, HID))],
        out_specs=[_row_spec(HID), pl.BlockSpec((2, HID), lambda i: (0, 0))],
        out_shape=[jax.ShapeDtypeStruct((N_NODES, HID), jnp.float32),
                   jax.ShapeDtypeStruct((2, HID), jnp.float32)],
    )(accp, h1p, degp, b1r)


def _bnmm2(t, sums, gammar, betar, W2p, degp):
    return pl.pallas_call(
        _bnmm2_body,
        grid=(GRID,),
        in_specs=[_row_spec(HID), _full_spec((2, HID)), _full_spec((1, HID)),
                  _full_spec((1, HID)), _full_spec((HID, OUT_P)), _DEG_SPEC],
        out_specs=_row_spec(OUT_P),
        out_shape=jax.ShapeDtypeStruct((N_NODES, OUT_P), jnp.float32),
    )(t, sums, gammar, betar, W2p, degp)


def _final(accp2, h2p, degp, b2p):
    return pl.pallas_call(
        _out_body,
        grid=(GRID,),
        in_specs=[_acc_spec(OUT_P), _row_spec(OUT_P), _DEG_SPEC,
                  _full_spec((1, OUT_P))],
        out_specs=_row_spec(OUT_P),
        out_shape=jax.ShapeDtypeStruct((N_NODES, OUT_P), jnp.float32),
    )(accp2, h2p, degp, b2p)



def kernel(x, edge_index, W1, b1, gamma, beta, W2, b2):
    src = edge_index[0].astype(jnp.int32)
    dst = edge_index[1].astype(jnp.int32)
    pad = E_PAD - N_EDGES
    psrc = jnp.arange(pad, dtype=jnp.int32) % N_NODES
    src_p = jnp.concatenate([src, psrc]).reshape(TOTAL_CHUNKS, CHUNK)
    sink = N_NODES + jnp.arange(pad, dtype=jnp.int32) % (NACC - N_NODES)
    dst_p = jnp.concatenate([dst, sink]).reshape(TOTAL_CHUNKS, CHUNK)
    W2p = jnp.zeros((HID, OUT_P), jnp.float32).at[:, :OUT_CH].set(W2)
    b2p = jnp.zeros((1, OUT_P), jnp.float32).at[0, :OUT_CH].set(b2)
    b1r = b1.reshape(1, HID)
    gammar = gamma.reshape(1, HID)
    betar = beta.reshape(1, HID)

    degp = _make_deg()(dst_p)
    h1p = _mm1(x, W1, degp)
    accp = _make_agg(HID)(h1p, src_p, dst_p)
    t, sums = _prebn(accp, h1p, degp, b1r)
    h2p = _bnmm2(t, sums, gammar, betar, W2p, degp)
    accp2 = _make_agg(OUT_P, False, 4)(h2p, src_p, dst_p)
    out = _final(accp2, h2p, degp, b2p)
    return out[:, :OUT_CH]

# --- scband reference (transcript-rebuilt; emitter-appended) ---
"""Pipeline reference for scband-gnnclassifier-18193481466334 (READ-ONLY COPY).

The authoritative reference and input builder live on the scoring server;
editing this copy changes nothing except your own understanding.
"""

import jax, jax.numpy as jnp
import numpy as np

N_NODES = 10000
N_EDGES = 320000
IN_CH = 128
HID = 128
OUT_CH = 40


def gcn_conv(x, edge_index, W, b, num_nodes):
    # linear transform first (PyG GCNConv semantics)
    x = x @ W
    src = edge_index[0]
    dst = edge_index[1]
    # add self-loops
    loop = jnp.arange(num_nodes, dtype=edge_index.dtype)
    src = jnp.concatenate([src, loop])
    dst = jnp.concatenate([dst, loop])
    # symmetric normalization deg^{-1/2} A deg^{-1/2}
    deg = jnp.zeros((num_nodes,), dtype=x.dtype).at[dst].add(1.0)
    dinv = jnp.where(deg > 0, jax.lax.rsqrt(deg), 0.0)
    norm = dinv[src] * dinv[dst]
    # gather messages from src, scale, scatter-add to dst
    msgs = norm[:, None] * jnp.take(x, src, axis=0)
    out = jnp.zeros((num_nodes, x.shape[1]), dtype=x.dtype).at[dst].add(msgs)
    return out + b


def batch_norm(x, gamma, beta, eps=1e-5):
    mean = jnp.mean(x, axis=0)
    var = jnp.var(x, axis=0)
    return gamma * (x - mean) * jax.lax.rsqrt(var + eps) + beta


def setup_inputs(seed: int = 0) -> dict:
    key = jax.random.key(seed)
    ks = jax.random.split(key, 8)
    x = jax.random.normal(ks[0], (N_NODES, IN_CH), dtype=jnp.float32)
    edge_index = jax.random.randint(ks[1], (2, N_EDGES), 0, N_NODES, dtype=jnp.int64)
    W1 = jax.random.normal(ks[2], (IN_CH, HID), dtype=jnp.float32) * (1.0 / np.sqrt(IN_CH))
    b1 = jnp.zeros((HID,), dtype=jnp.float32)
    gamma = jnp.ones((HID,), dtype=jnp.float32)
    beta = jnp.zeros((HID,), dtype=jnp.float32)
    W2 = jax.random.normal(ks[3], (HID, OUT_CH), dtype=jnp.float32) * (1.0 / np.sqrt(HID))
    b2 = jnp.zeros((OUT_CH,), dtype=jnp.float32)
    return {"x": x, "edge_index": edge_index, "W1": W1, "b1": b1, "gamma": gamma, "beta": beta, "W2": W2, "b2": b2}


def reference(x, edge_index, W1, b1, gamma, beta, W2, b2):
    h = gcn_conv(x, edge_index, W1, b1, N_NODES)
    h = batch_norm(h, gamma, beta)
    h = jax.nn.relu(h)
    # dropout is identity in eval-style reference
    h = gcn_conv(h, edge_index, W2, b2, N_NODES)
    return jax.nn.log_softmax(h, axis=1)

if __name__ == "__main__":
    import jax
    _d = setup_inputs()
    print(jax.jit(kernel)(*tuple(_d.values())))

</pallas_src>

<mosaic_0001>
#map = affine_map<(d0, d1) -> (0, 0)>
#map1 = affine_map<(d0, d1) -> (0, 0, 0)>
module attributes {stable_mosaic.version = 14 : i64} {
  func.func @agg(%arg0: i32, %arg1: i32, %arg2: memref<10000x128xf32, #tpu.memory_space<hbm>>, %arg3: memref<2560x128xi32, #tpu.memory_space<hbm>>, %arg4: memref<2560x128xi32, #tpu.memory_space<hbm>>, %arg5: memref<2x10240x128xf32, #tpu.memory_space<hbm>>, %arg6: memref<10240x128xf32, #tpu.memory_space<vmem_shared>>, %arg7: memref<128x128xf32, #tpu.memory_space<vmem>>, %arg8: memref<128x128xf32, #tpu.memory_space<vmem>>, %arg9: memref<128xi32, #tpu.memory_space<vmem>>, %arg10: memref<128xi32, #tpu.memory_space<vmem>>, %arg11: memref<128xi32, #tpu.memory_space<vmem>>, %arg12: memref<128xi32, #tpu.memory_space<vmem>>, %arg13: memref<!tpu.dma_semaphore, #tpu.memory_space<semaphore_mem>>, %arg14: memref<!tpu.dma_semaphore, #tpu.memory_space<semaphore_mem>>, %arg15: memref<!tpu.dma_semaphore, #tpu.memory_space<semaphore_mem>>, %arg16: memref<!tpu.dma_semaphore, #tpu.memory_space<semaphore_mem>>, %arg17: memref<!tpu.dma_semaphore, #tpu.memory_space<semaphore_mem>>, %arg18: memref<!tpu.dma_semaphore, #tpu.memory_space<semaphore_mem>>, %arg19: memref<!tpu.dma_semaphore, #tpu.memory_space<semaphore_mem>>, %arg20: memref<!tpu.dma_semaphore, #tpu.memory_space<semaphore_mem>>) attributes {dimension_semantics = [#tpu.dimension_semantics<core_parallel>, #tpu.dimension_semantics<subcore_parallel>], iteration_bounds = array<i64: 2, 16>, scalar_prefetch = 0 : i64, scratch_operands = 15 : i64, tpu.core_type = #tpu.core_type<sc_vector_subcore>, window_params = [{transform_indices = #map}, {transform_indices = #map}, {transform_indices = #map}, {transform_indices = #map1}]} {
    %scan3A = arith.constant 0 : i32
    %scan3A_0 = arith.constant 0 : i32
    %scan3A_1 = arith.constant 128 : i32
    %scan3A_2 = arith.addi %scan3A_0, %scan3A_1 : i32
    %scan3A_3 = arith.constant 1 : i32
    scf.for %scan3A_118 = %scan3A_0 to %scan3A_2 step %scan3A_3  : i32 {
      %broadcast_in_dim3A = arith.constant 0.000000e+00 : f32
      %broadcast_in_dim3A_119 = vector.broadcast %broadcast_in_dim3A : f32 to vector<16xf32>
      %swap3A = arith.index_cast %scan3A_118 : i32 to index
      %swap3A_120 = arith.constant 0 : index
      %swap3A_121 = tpu.vector_load %arg7[%swap3A, %swap3A_120] {strides = array<i32>} : memref<128x128xf32, #tpu.memory_space<vmem>>, vector<1x16xf32>,
      %swap3A_122 = vector.shape_cast %swap3A_121 : vector<1x16xf32> to vector<16xf32>
      %swap3A_123 = vector.shape_cast %broadcast_in_dim3A_119 : vector<16xf32> to vector<1x16xf32>
      tpu.vector_store %arg7[%swap3A, %swap3A_120], %swap3A_123 {strides = array<i32>} : memref<128x128xf32, #tpu.memory_space<vmem>>, vector<1x16xf32>,
      %broadcast_in_dim3A_124 = arith.constant 0.000000e+00 : f32
      %broadcast_in_dim3A_125 = vector.broadcast %broadcast_in_dim3A_124 : f32 to vector<16xf32>
      %swap3A_126 = arith.index_cast %scan3A_118 : i32 to index
      %swap3A_127 = arith.constant 16 : index
      %swap3A_128 = tpu.vector_load %arg7[%swap3A_126, %swap3A_127] {strides = array<i32>} : memref<128x128xf32, #tpu.memory_space<vmem>>, vector<1x16xf32>,
      %swap3A_129 = vector.shape_cast %swap3A_128 : vector<1x16xf32> to vector<16xf32>
      %swap3A_130 = vector.shape_cast %broadcast_in_dim3A_125 : vector<16xf32> to vector<1x16xf32>
      tpu.vector_store %arg7[%swap3A_126, %swap3A_127], %swap3A_130 {strides = array<i32>} : memref<128x128xf32, #tpu.memory_space<vmem>>, vector<1x16xf32>,
      %broadcast_in_dim3A_131 = arith.constant 0.000000e+00 : f32
      %broadcast_in_dim3A_132 = vector.broadcast %broadcast_in_dim3A_131 : f32 to vector<16xf32>
      %swap3A_133 = arith.index_cast %scan3A_118 : i32 to index
      %swap3A_134 = arith.constant 32 : index
      %swap3A_135 = tpu.vector_load %arg7[%swap3A_133, %swap3A_134] {strides = array<i32>} : memref<128x128xf32, #tpu.memory_space<vmem>>, vector<1x16xf32>,
      %swap3A_136 = vector.shape_cast %swap3A_135 : vector<1x16xf32> to vector<16xf32>
      %swap3A_137 = vector.shape_cast %broadcast_in_dim3A_132 : vector<16xf32> to vector<1x16xf32>
      tpu.vector_store %arg7[%swap3A_133, %swap3A_134], %swap3A_137 {strides = array<i32>} : memref<128x128xf32, #tpu.memory_space<vmem>>, vector<1x16xf32>,
      %broadcast_in_dim3A_138 = arith.constant 0.000000e+00 : f32
      %broadcast_in_dim3A_139 = vector.broadcast %broadcast_in_dim3A_138 : f32 to vector<16xf32>
      %swap3A_140 = arith.index_cast %scan3A_118 : i32 to index
      %swap3A_141 = arith.constant 48 : index
      %swap3A_142 = tpu.vector_load %arg7[%swap3A_140, %swap3A_141] {strides = array<i32>} : memref<128x128xf32, #tpu.memory_space<vmem>>, vector<1x16xf32>,
      %swap3A_143 = vector.shape_cast %swap3A_142 : vector<1x16xf32> to vector<16xf32>
      %swap3A_144 = vector.shape_cast %broadcast_in_dim3A_139 : vector<16xf32> to vector<1x16xf32>
      tpu.vector_store %arg7[%swap3A_140, %swap3A_141], %swap3A_144 {strides = array<i32>} : memref<128x128xf32, #tpu.memory_space<vmem>>, vector<1x16xf32>,
      %broadcast_in_dim3A_145 = arith.constant 0.000000e+00 : f32
      %broadcast_in_dim3A_146 = vector.broadcast %broadcast_in_dim3A_145 : f32 to vector<16xf32>
      %swap3A_147 = arith.index_cast %scan3A_118 : i32 to index
      %swap3A_148 = arith.constant 64 : index
      %swap3A_149 = tpu.vector_load %arg7[%swap3A_147, %swap3A_148] {strides = array<i32>} : memref<128x128xf32, #tpu.memory_space<vmem>>, vector<1x16xf32>,
      %swap3A_150 = vector.shape_cast %swap3A_149 : vector<1x16xf32> to vector<16xf32>
      %swap3A_151 = vector.shape_cast %broadcast_in_dim3A_146 : vector<16xf32> to vector<1x16xf32>
      tpu.vector_store %arg7[%swap3A_147, %swap3A_148], %swap3A_151 {strides = array<i32>} : memref<128x128xf32, #tpu.memory_space<vmem>>, vector<1x16xf32>,
      %broadcast_in_dim3A_152 = arith.constant 0.000000e+00 : f32
      %broadcast_in_dim3A_153 = vector.broadcast %broadcast_in_dim3A_152 : f32 to vector<16xf32>
      %swap3A_154 = arith.index_cast %scan3A_118 : i32 to index
      %swap3A_155 = arith.constant 80 : index
      %swap3A_156 = tpu.vector_load %arg7[%swap3A_154, %swap3A_155] {strides = array<i32>} : memref<128x128xf32, #tpu.memory_space<vmem>>, vector<1x16xf32>,
      %swap3A_157 = vector.shape_cast %swap3A_156 : vector<1x16xf32> to vector<16xf32>
      %swap3A_158 = vector.shape_cast %broadcast_in_dim3A_153 : vector<16xf32> to vector<1x16xf32>
      tpu.vector_store %arg7[%swap3A_154, %swap3A_155], %swap3A_158 {strides = array<i32>} : memref<128x128xf32, #tpu.memory_space<vmem>>, vector<1x16xf32>,
      %broadcast_in_dim3A_159 = arith.constant 0.000000e+00 : f32
      %broadcast_in_dim3A_160 = vector.broadcast %broadcast_in_dim3A_159 : f32 to vector<16xf32>
      %swap3A_161 = arith.index_cast %scan3A_118 : i32 to index
      %swap3A_162 = arith.constant 96 : index
      %swap3A_163 = tpu.vector_load %arg7[%swap3A_161, %swap3A_162] {strides = array<i32>} : memref<128x128xf32, #tpu.memory_space<vmem>>, vector<1x16xf32>,
      %swap3A_164 = vector.shape_cast %swap3A_163 : vector<1x16xf32> to vector<16xf32>
      %swap3A_165 = vector.shape_cast %broadcast_in_dim3A_160 : vector<16xf32> to vector<1x16xf32>
      tpu.vector_store %arg7[%swap3A_161, %swap3A_162], %swap3A_165 {strides = array<i32>} : memref<128x128xf32, #tpu.memory_space<vmem>>, vector<1x16xf32>,
      %broadcast_in_dim3A_166 = arith.constant 0.000000e+00 : f32
      %broadcast_in_dim3A_167 = vector.broadcast %broadcast_in_dim3A_166 : f32 to vector<16xf32>
      %swap3A_168 = arith.index_cast %scan3A_118 : i32 to index
      %swap3A_169 = arith.constant 112 : index
      %swap3A_170 = tpu.vector_load %arg7[%swap3A_168, %swap3A_169] {strides = array<i32>} : memref<128x128xf32, #tpu.memory_space<vmem>>, vector<1x16xf32>,
      %swap3A_171 = vector.shape_cast %swap3A_170 : vector<1x16xf32> to vector<16xf32>
      %swap3A_172 = vector.shape_cast %broadcast_in_dim3A_167 : vector<16xf32> to vector<1x16xf32>
      tpu.vector_store %arg7[%swap3A_168, %swap3A_169], %swap3A_172 {strides = array<i32>} : memref<128x128xf32, #tpu.memory_space<vmem>>, vector<1x16xf32>,
    }
    %scan3A_4 = arith.constant 128 : i32
    %mul3A = arith.constant 640 : i32
    %mul3A_5 = arith.muli %arg1, %mul3A : i32
    %add3A = arith.constant 0 : i32
    %add3A_6 = arith.addi %mul3A_5, %add3A : i32
    "tpu.region"() ({
      %run_scoped3A = tpu.sem_alloc : memref<!tpu.dma_semaphore, #tpu.memory_space<semaphore_mem>>
      %dma_start3A_118 = arith.constant 0 : i32
      %dma_start3A_119 = tpu.memref_slice %arg6[%add3A_6, %dma_start3A_118] : memref<10240x128xf32, #tpu.memory_space<vmem_shared>> -> memref<128x128xf32, #tpu.memory_space<vmem_shared>>
      %dma_start3A_120 = arith.constant 0 : i32
      %dma_start3A_121 = tpu.memref_slice %arg6[%add3A_6, %dma_start3A_120] : memref<10240x128xf32, #tpu.memory_space<vmem_shared>> -> memref<128x128xf32, #tpu.memory_space<vmem_shared>>
      tpu.enqueue_dma source(%arg7 : memref<128x128xf32, #tpu.memory_space<vmem>>) target(%dma_start3A_121 : memref<128x128xf32, #tpu.memory_space<vmem_shared>>) target_semaphore(%run_scoped3A : memref<!tpu.dma_semaphore, #tpu.memory_space<semaphore_mem>>)
      %dma_wait3A_122 = arith.constant 0 : i32
      %dma_wait3A_123 = tpu.memref_slice %arg6[%add3A_6, %dma_wait3A_122] : memref<10240x128xf32, #tpu.memory_space<vmem_shared>> -> memref<128x128xf32, #tpu.memory_space<vmem_shared>>
      %dma_wait3A_124 = arith.constant 0 : i32
      %dma_wait3A_125 = tpu.memref_slice %arg6[%add3A_6, %dma_wait3A_124] : memref<10240x128xf32, #tpu.memory_space<vmem_shared>> -> memref<128x128xf32, #tpu.memory_space<vmem_shared>>
      tpu.wait_dma2 semaphore(%run_scoped3A : memref<!tpu.dma_semaphore, #tpu.memory_space<semaphore_mem>>) src(%arg7 : memref<128x128xf32, #tpu.memory_space<vmem>>) dst(%dma_wait3A_125 : memref<128x128xf32, #tpu.memory_space<vmem_shared>>)
      tpu.yield
    }) : () -> ()
    %mul3A_7 = arith.constant 640 : i32
    %mul3A_8 = arith.muli %arg1, %mul3A_7 : i32
    %add3A_9 = arith.constant 128 : i32
    %add3A_10 = arith.addi %mul3A_8, %add3A_9 : i32
    "tpu.region"() ({
      %run_scoped3A = tpu.sem_alloc : memref<!tpu.dma_semaphore, #tpu.memory_space<semaphore_mem>>
      %dma_start3A_118 = arith.constant 0 : i32
      %dma_start3A_119 = tpu.memref_slice %arg6[%add3A_10, %dma_start3A_118] : memref<10240x128xf32, #tpu.memory_space<vmem_shared>> -> memref<128x128xf32, #tpu.memory_space<vmem_shared>>
      %dma_start3A_120 = arith.constant 0 : i32
      %dma_start3A_121 = tpu.memref_slice %arg6[%add3A_10, %dma_start3A_120] : memref<10240x128xf32, #tpu.memory_space<vmem_shared>> -> memref<128x128xf32, #tpu.memory_space<vmem_shared>>
      tpu.enqueue_dma source(%arg7 : memref<128x128xf32, #tpu.memory_space<vmem>>) target(%dma_start3A_121 : memref<128x128xf32, #tpu.memory_space<vmem_shared>>) target_semaphore(%run_scoped3A : memref<!tpu.dma_semaphore, #tpu.memory_space<semaphore_mem>>)
      %dma_wait3A_122 = arith.constant 0 : i32
      %dma_wait3A_123 = tpu.memref_slice %arg6[%add3A_10, %dma_wait3A_122] : memref<10240x128xf32, #tpu.memory_space<vmem_shared>> -> memref<128x128xf32, #tpu.memory_space<vmem_shared>>
      %dma_wait3A_124 = arith.constant 0 : i32
      %dma_wait3A_125 = tpu.memref_slice %arg6[%add3A_10, %dma_wait3A_124] : memref<10240x128xf32, #tpu.memory_space<vmem_shared>> -> memref<128x128xf32, #tpu.memory_space<vmem_shared>>
      tpu.wait_dma2 semaphore(%run_scoped3A : memref<!tpu.dma_semaphore, #tpu.memory_space<semaphore_mem>>) src(%arg7 : memref<128x128xf32, #tpu.memory_space<vmem>>) dst(%dma_wait3A_125 : memref<128x128xf32, #tpu.memory_space<vmem_shared>>)
      tpu.yield
    }) : () -> ()
    %mul3A_11 = arith.constant 640 : i32
    %mul3A_12 = arith.muli %arg1, %mul3A_11 : i32
    %add3A_13 = arith.constant 256 : i32
    %add3A_14 = arith.addi %mul3A_12, %add3A_13 : i32
    "tpu.region"() ({
      %run_scoped3A = tpu.sem_alloc : memref<!tpu.dma_semaphore, #tpu.memory_space<semaphore_mem>>
      %dma_start3A_118 = arith.constant 0 : i32
      %dma_start3A_119 = tpu.memref_slice %arg6[%add3A_14, %dma_start3A_118] : memref<10240x128xf32, #tpu.memory_space<vmem_shared>> -> memref<128x128xf32, #tpu.memory_space<vmem_shared>>
      %dma_start3A_120 = arith.constant 0 : i32
      %dma_start3A_121 = tpu.memref_slice %arg6[%add3A_14, %dma_start3A_120] : memref<10240x128xf32, #tpu.memory_space<vmem_shared>> -> memref<128x128xf32, #tpu.memory_space<vmem_shared>>
      tpu.enqueue_dma source(%arg7 : memref<128x128xf32, #tpu.memory_space<vmem>>) target(%dma_start3A_121 : memref<128x128xf32, #tpu.memory_space<vmem_shared>>) target_semaphore(%run_scoped3A : memref<!tpu.dma_semaphore, #tpu.memory_space<semaphore_mem>>)
      %dma_wait3A_122 = arith.constant 0 : i32
      %dma_wait3A_123 = tpu.memref_slice %arg6[%add3A_14, %dma_wait3A_122] : memref<10240x128xf32, #tpu.memory_space<vmem_shared>> -> memref<128x128xf32, #tpu.memory_space<vmem_shared>>
      %dma_wait3A_124 = arith.constant 0 : i32
      %dma_wait3A_125 = tpu.memref_slice %arg6[%add3A_14, %dma_wait3A_124] : memref<10240x128xf32, #tpu.memory_space<vmem_shared>> -> memref<128x128xf32, #tpu.memory_space<vmem_shared>>
      tpu.wait_dma2 semaphore(%run_scoped3A : memref<!tpu.dma_semaphore, #tpu.memory_space<semaphore_mem>>) src(%arg7 : memref<128x128xf32, #tpu.memory_space<vmem>>) dst(%dma_wait3A_125 : memref<128x128xf32, #tpu.memory_space<vmem_shared>>)
      tpu.yield
    }) : () -> ()
    %mul3A_15 = arith.constant 640 : i32
    %mul3A_16 = arith.muli %arg1, %mul3A_15 : i32
    %add3A_17 = arith.constant 384 : i32
    %add3A_18 = arith.addi %mul3A_16, %add3A_17 : i32
    "tpu.region"() ({
      %run_scoped3A = tpu.sem_alloc : memref<!tpu.dma_semaphore, #tpu.memory_space<semaphore_mem>>
      %dma_start3A_118 = arith.constant 0 : i32
      %dma_start3A_119 = tpu.memref_slice %arg6[%add3A_18, %dma_start3A_118] : memref<10240x128xf32, #tpu.memory_space<vmem_shared>> -> memref<128x128xf32, #tpu.memory_space<vmem_shared>>
      %dma_start3A_120 = arith.constant 0 : i32
      %dma_start3A_121 = tpu.memref_slice %arg6[%add3A_18, %dma_start3A_120] : memref<10240x128xf32, #tpu.memory_space<vmem_shared>> -> memref<128x128xf32, #tpu.memory_space<vmem_shared>>
      tpu.enqueue_dma source(%arg7 : memref<128x128xf32, #tpu.memory_space<vmem>>) target(%dma_start3A_121 : memref<128x128xf32, #tpu.memory_space<vmem_shared>>) target_semaphore(%run_scoped3A : memref<!tpu.dma_semaphore, #tpu.memory_space<semaphore_mem>>)
      %dma_wait3A_122 = arith.constant 0 : i32
      %dma_wait3A_123 = tpu.memref_slice %arg6[%add3A_18, %dma_wait3A_122] : memref<10240x128xf32, #tpu.memory_space<vmem_shared>> -> memref<128x128xf32, #tpu.memory_space<vmem_shared>>
      %dma_wait3A_124 = arith.constant 0 : i32
      %dma_wait3A_125 = tpu.memref_slice %arg6[%add3A_18, %dma_wait3A_124] : memref<10240x128xf32, #tpu.memory_space<vmem_shared>> -> memref<128x128xf32, #tpu.memory_space<vmem_shared>>
      tpu.wait_dma2 semaphore(%run_scoped3A : memref<!tpu.dma_semaphore, #tpu.memory_space<semaphore_mem>>) src(%arg7 : memref<128x128xf32, #tpu.memory_space<vmem>>) dst(%dma_wait3A_125 : memref<128x128xf32, #tpu.memory_space<vmem_shared>>)
      tpu.yield
    }) : () -> ()
    %mul3A_19 = arith.constant 640 : i32
    %mul3A_20 = arith.muli %arg1, %mul3A_19 : i32
    %add3A_21 = arith.constant 512 : i32
    %add3A_22 = arith.addi %mul3A_20, %add3A_21 : i32
    "tpu.region"() ({
      %run_scoped3A = tpu.sem_alloc : memref<!tpu.dma_semaphore, #tpu.memory_space<semaphore_mem>>
      %dma_start3A_118 = arith.constant 0 : i32
      %dma_start3A_119 = tpu.memref_slice %arg6[%add3A_22, %dma_start3A_118] : memref<10240x128xf32, #tpu.memory_space<vmem_shared>> -> memref<128x128xf32, #tpu.memory_space<vmem_shared>>
      %dma_start3A_120 = arith.constant 0 : i32
      %dma_start3A_121 = tpu.memref_slice %arg6[%add3A_22, %dma_start3A_120] : memref<10240x128xf32, #tpu.memory_space<vmem_shared>> -> memref<128x128xf32, #tpu.memory_space<vmem_shared>>
      tpu.enqueue_dma source(%arg7 : memref<128x128xf32, #tpu.memory_space<vmem>>) target(%dma_start3A_121 : memref<128x128xf32, #tpu.memory_space<vmem_shared>>) target_semaphore(%run_scoped3A : memref<!tpu.dma_semaphore, #tpu.memory_space<semaphore_mem>>)
      %dma_wait3A_122 = arith.constant 0 : i32
      %dma_wait3A_123 = tpu.memref_slice %arg6[%add3A_22, %dma_wait3A_122] : memref<10240x128xf32, #tpu.memory_space<vmem_shared>> -> memref<128x128xf32, #tpu.memory_space<vmem_shared>>
      %dma_wait3A_124 = arith.constant 0 : i32
      %dma_wait3A_125 = tpu.memref_slice %arg6[%add3A_22, %dma_wait3A_124] : memref<10240x128xf32, #tpu.memory_space<vmem_shared>> -> memref<128x128xf32, #tpu.memory_space<vmem_shared>>
      tpu.wait_dma2 semaphore(%run_scoped3A : memref<!tpu.dma_semaphore, #tpu.memory_space<semaphore_mem>>) src(%arg7 : memref<128x128xf32, #tpu.memory_space<vmem>>) dst(%dma_wait3A_125 : memref<128x128xf32, #tpu.memory_space<vmem_shared>>)
      tpu.yield
    }) : () -> ()
    %eq3A = arith.constant 0 : i32
    %eq3A_23 = arith.cmpi eq, %arg0, %eq3A : i32
    %jit3A = arith.constant 80 : i32
    %jit3A_24 = arith.constant 80 : i32
    %select_n3A = arith.select %eq3A_23, %jit3A, %jit3A_24 : i32
    %eq3A_25 = arith.constant 0 : i32
    %eq3A_26 = arith.cmpi eq, %arg0, %eq3A_25 : i32
    %mul3A_27 = arith.constant 80 : i32
    %mul3A_28 = arith.muli %arg1, %mul3A_27 : i32
    %mul3A_29 = arith.constant 80 : i32
    %mul3A_30 = arith.muli %arg1, %mul3A_29 : i32
    %add3A_31 = arith.constant 1280 : i32
    %add3A_32 = arith.addi %add3A_31, %mul3A_30 : i32
    %select_n3A_33 = arith.select %eq3A_26, %mul3A_28, %add3A_32 : i32
    %barrier3A = arith.constant 0 : index
    tpu.barrier barrier_id(%barrier3A)
    %add3A_34 = arith.constant 0 : i32
    %add3A_35 = arith.addi %select_n3A_33, %add3A_34 : i32
    %dma_start3A = arith.constant 0 : i32
    %dma_start3A_36 = tpu.memref_slice %arg3[%add3A_35, %dma_start3A] : memref<2560x128xi32, #tpu.memory_space<hbm>> -> memref<1x128xi32, #tpu.memory_space<hbm>>
    %dma_start3A_37 = tpu.memref_squeeze %dma_start3A_36 : memref<1x128xi32, #tpu.memory_space<hbm>> -> memref<128xi32, #tpu.memory_space<hbm>>
    %dma_start3A_38 = arith.constant 0 : i32
    %dma_start3A_39 = tpu.memref_slice %arg3[%add3A_35, %dma_start3A_38] : memref<2560x128xi32, #tpu.memory_space<hbm>> -> memref<1x128xi32, #tpu.memory_space<hbm>>
    %dma_start3A_40 = tpu.memref_squeeze %dma_start3A_39 : memref<1x128xi32, #tpu.memory_space<hbm>> -> memref<128xi32, #tpu.memory_space<hbm>>
    tpu.enqueue_dma source(%dma_start3A_40 : memref<128xi32, #tpu.memory_space<hbm>>) target(%arg9 : memref<128xi32, #tpu.memory_space<vmem>>) target_semaphore(%arg17 : memref<!tpu.dma_semaphore, #tpu.memory_space<semaphore_mem>>)
    %add3A_41 = arith.constant 0 : i32
    %add3A_42 = arith.addi %select_n3A_33, %add3A_41 : i32
    %dma_start3A_43 = arith.constant 0 : i32
    %dma_start3A_44 = tpu.memref_slice %arg4[%add3A_42, %dma_start3A_43] : memref<2560x128xi32, #tpu.memory_space<hbm>> -> memref<1x128xi32, #tpu.memory_space<hbm>>
    %dma_start3A_45 = tpu.memref_squeeze %dma_start3A_44 : memref<1x128xi32, #tpu.memory_space<hbm>> -> memref<128xi32, #tpu.memory_space<hbm>>
    %dma_start3A_46 = arith.constant 0 : i32
    %dma_start3A_47 = tpu.memref_slice %arg4[%add3A_42, %dma_start3A_46] : memref<2560x128xi32, #tpu.memory_space<hbm>> -> memref<1x128xi32, #tpu.memory_space<hbm>>
    %dma_start3A_48 = tpu.memref_squeeze %dma_start3A_47 : memref<1x128xi32, #tpu.memory_space<hbm>> -> memref<128xi32, #tpu.memory_space<hbm>>
    tpu.enqueue_dma source(%dma_start3A_48 : memref<128xi32, #tpu.memory_space<hbm>>) target(%arg11 : memref<128xi32, #tpu.memory_space<vmem>>) target_semaphore(%arg19 : memref<!tpu.dma_semaphore, #tpu.memory_space<semaphore_mem>>)
    %add3A_49 = arith.constant 1 : i32
    %add3A_50 = arith.addi %select_n3A_33, %add3A_49 : i32
    %dma_start3A_51 = arith.constant 0 : i32
    %dma_start3A_52 = tpu.memref_slice %arg3[%add3A_50, %dma_start3A_51] : memref<2560x128xi32, #tpu.memory_space<hbm>> -> memref<1x128xi32, #tpu.memory_space<hbm>>
    %dma_start3A_53 = tpu.memref_squeeze %dma_start3A_52 : memref<1x128xi32, #tpu.memory_space<hbm>> -> memref<128xi32, #tpu.memory_space<hbm>>
    %dma_start3A_54 = arith.constant 0 : i32
    %dma_start3A_55 = tpu.memref_slice %arg3[%add3A_50, %dma_start3A_54] : memref<2560x128xi32, #tpu.memory_space<hbm>> -> memref<1x128xi32, #tpu.memory_space<hbm>>
    %dma_start3A_56 = tpu.memref_squeeze %dma_start3A_55 : memref<1x128xi32, #tpu.memory_space<hbm>> -> memref<128xi32, #tpu.memory_space<hbm>>
    tpu.enqueue_dma source(%dma_start3A_56 : memref<128xi32, #tpu.memory_space<hbm>>) target(%arg10 : memref<128xi32, #tpu.memory_space<vmem>>) target_semaphore(%arg18 : memref<!tpu.dma_semaphore, #tpu.memory_space<semaphore_mem>>)
    %add3A_57 = arith.constant 1 : i32
    %add3A_58 = arith.addi %select_n3A_33, %add3A_57 : i32
    %dma_start3A_59 = arith.constant 0 : i32
    %dma_start3A_60 = tpu.memref_slice %arg4[%add3A_58, %dma_start3A_59] : memref<2560x128xi32, #tpu.memory_space<hbm>> -> memref<1x128xi32, #tpu.memory_space<hbm>>
    %dma_start3A_61 = tpu.memref_squeeze %dma_start3A_60 : memref<1x128xi32, #tpu.memory_space<hbm>> -> memref<128xi32, #tpu.memory_space<hbm>>
    %dma_start3A_62 = arith.constant 0 : i32
    %dma_start3A_63 = tpu.memref_slice %arg4[%add3A_58, %dma_start3A_62] : memref<2560x128xi32, #tpu.memory_space<hbm>> -> memref<1x128xi32, #tpu.memory_space<hbm>>
    %dma_start3A_64 = tpu.memref_squeeze %dma_start3A_63 : memref<1x128xi32, #tpu.memory_space<hbm>> -> memref<128xi32, #tpu.memory_space<hbm>>
    tpu.enqueue_dma source(%dma_start3A_64 : memref<128xi32, #tpu.memory_space<hbm>>) target(%arg12 : memref<128xi32, #tpu.memory_space<vmem>>) target_semaphore(%arg20 : memref<!tpu.dma_semaphore, #tpu.memory_space<semaphore_mem>>)
    %add3A_65 = arith.constant 0 : i32
    %add3A_66 = arith.addi %select_n3A_33, %add3A_65 : i32
    %dma_wait3A = arith.constant 0 : i32
    %dma_wait3A_67 = tpu.memref_slice %arg3[%add3A_66, %dma_wait3A] : memref<2560x128xi32, #tpu.memory_space<hbm>> -> memref<1x128xi32, #tpu.memory_space<hbm>>
    %dma_wait3A_68 = tpu.memref_squeeze %dma_wait3A_67 : memref<1x128xi32, #tpu.memory_space<hbm>> -> memref<128xi32, #tpu.memory_space<hbm>>
    %dma_wait3A_69 = arith.constant 0 : i32
    %dma_wait3A_70 = tpu.memref_slice %arg3[%add3A_66, %dma_wait3A_69] : memref<2560x128xi32, #tpu.memory_space<hbm>> -> memref<1x128xi32, #tpu.memory_space<hbm>>
    %dma_wait3A_71 = tpu.memref_squeeze %dma_wait3A_70 : memref<1x128xi32, #tpu.memory_space<hbm>> -> memref<128xi32, #tpu.memory_space<hbm>>
    tpu.wait_dma2 semaphore(%arg17 : memref<!tpu.dma_semaphore, #tpu.memory_space<semaphore_mem>>) src(%dma_wait3A_71 : memref<128xi32, #tpu.memory_space<hbm>>) dst(%arg9 : memref<128xi32, #tpu.memory_space<vmem>>)
    %dma_start3A_72 = arith.constant 0 : i32
    %dma_start3A_73 = arith.constant 0 : i32
    %dma_start3A_74 = tpu.memref_slice %arg2[%dma_start3A_72, %dma_start3A_73] : memref<10000x128xf32, #tpu.memory_space<hbm>> -> memref<10000x128xf32, #tpu.memory_space<hbm>>
    tpu.enqueue_indirect_dma source(%dma_start3A_74 : memref<10000x128xf32, #tpu.memory_space<hbm>>) target(%arg7 : memref<128x128xf32, #tpu.memory_space<vmem>>) offsets(%arg9 : memref<128xi32, #tpu.memory_space<vmem>>) semaphore(%arg13 : memref<!tpu.dma_semaphore, #tpu.memory_space<semaphore_mem>>)
    %add3A_75 = arith.constant 1 : i32
    %add3A_76 = arith.addi %select_n3A_33, %add3A_75 : i32
    %dma_wait3A_77 = arith.constant 0 : i32
    %dma_wait3A_78 = tpu.memref_slice %arg3[%add3A_76, %dma_wait3A_77] : memref<2560x128xi32, #tpu.memory_space<hbm>> -> memref<1x128xi32, #tpu.memory_space<hbm>>
    %dma_wait3A_79 = tpu.memref_squeeze %dma_wait3A_78 : memref<1x128xi32, #tpu.memory_space<hbm>> -> memref<128xi32, #tpu.memory_space<hbm>>
    %dma_wait3A_80 = arith.constant 0 : i32
    %dma_wait3A_81 = tpu.memref_slice %arg3[%add3A_76, %dma_wait3A_80] : memref<2560x128xi32, #tpu.memory_space<hbm>> -> memref<1x128xi32, #tpu.memory_space<hbm>>
    %dma_wait3A_82 = tpu.memref_squeeze %dma_wait3A_81 : memref<1x128xi32, #tpu.memory_space<hbm>> -> memref<128xi32, #tpu.memory_space<hbm>>
    tpu.wait_dma2 semaphore(%arg18 : memref<!tpu.dma_semaphore, #tpu.memory_space<semaphore_mem>>) src(%dma_wait3A_82 : memref<128xi32, #tpu.memory_space<hbm>>) dst(%arg10 : memref<128xi32, #tpu.memory_space<vmem>>)
    %dma_start3A_83 = arith.constant 0 : i32
    %dma_start3A_84 = arith.constant 0 : i32
    %dma_start3A_85 = tpu.memref_slice %arg2[%dma_start3A_83, %dma_start3A_84] : memref<10000x128xf32, #tpu.memory_space<hbm>> -> memref<10000x128xf32, #tpu.memory_space<hbm>>
    tpu.enqueue_indirect_dma source(%dma_start3A_85 : memref<10000x128xf32, #tpu.memory_space<hbm>>) target(%arg8 : memref<128x128xf32, #tpu.memory_space<vmem>>) offsets(%arg10 : memref<128xi32, #tpu.memory_space<vmem>>) semaphore(%arg14 : memref<!tpu.dma_semaphore, #tpu.memory_space<semaphore_mem>>)
    %jit3A_86 = arith.constant 2 : i32
    %div3A = arith.divsi %select_n3A, %jit3A_86 : i32
    %sign3A = arith.constant 0 : i32
    %sign3A_87 = arith.cmpi sgt, %select_n3A, %sign3A : i32
    %sign3A_88 = arith.extui %sign3A_87 : i1 to i32
    %sign3A_89 = arith.constant 0 : i32
    %sign3A_90 = arith.cmpi slt, %select_n3A, %sign3A_89 : i32
    %sign3A_91 = arith.extui %sign3A_90 : i1 to i32
    %sign3A_92 = arith.subi %sign3A_88, %sign3A_91 : i32
    %sign3A_93 = arith.constant 0 : i32
    %sign3A_94 = arith.cmpi sgt, %jit3A_86, %sign3A_93 : i32
    %sign3A_95 = arith.extui %sign3A_94 : i1 to i32
    %sign3A_96 = arith.constant 0 : i32
    %sign3A_97 = arith.cmpi slt, %jit3A_86, %sign3A_96 : i32
    %sign3A_98 = arith.extui %sign3A_97 : i1 to i32
    %sign3A_99 = arith.subi %sign3A_95, %sign3A_98 : i32
    %ne3A = arith.cmpi ne, %sign3A_92, %sign3A_99 : i32
    %rem3A = arith.remsi %select_n3A, %jit3A_86 : i32
    %ne3A_100 = arith.constant 0 : i32
    %ne3A_101 = arith.cmpi ne, %rem3A, %ne3A_100 : i32
    %and3A = arith.andi %ne3A, %ne3A_101 : i1
    %sub3A = arith.constant 1 : i32
    %sub3A_102 = arith.subi %div3A, %sub3A : i32
    %select_n3A_103 = arith.select %and3A, %sub3A_102, %div3A : i32
    %while3A = arith.constant 0 : i32
    %while3A_104 = arith.constant 0 : i32
    %while3A_105 = arith.subi %select_n3A_103, %while3A_104 : i32
    %while3A_106 = arith.addi %while3A_104, %while3A_105 : i32
    %while3A_107 = arith.constant 1 : i32
    %while3A_108 = arith.divsi %while3A_105, %while3A_107 : i32
    %while3A_109 = arith.muli %while3A_108, %while3A_107 : i32
    %while3A_110 = arith.addi %while3A_104, %while3A_109 : i32
    %while3A_111 = arith.constant 1 : i32
    scf.for %while3A_118 = %while3A_104 to %while3A_110 step %while3A_111  : i32 {
      %mul3A_119 = arith.constant 2 : i32
      %mul3A_120 = arith.muli %while3A_118, %mul3A_119 : i32
      %add3A_121 = arith.constant 0 : i32
      %add3A_122 = arith.addi %mul3A_120, %add3A_121 : i32
      %add3A_123 = arith.constant 2 : i32
      %add3A_124 = arith.addi %add3A_122, %add3A_123 : i32
      %dma_wait3A_125 = arith.constant 0 : i32
      %dma_wait3A_126 = arith.constant 0 : i32
      %dma_wait3A_127 = tpu.memref_slice %arg2[%dma_wait3A_125, %dma_wait3A_126] : memref<10000x128xf32, #tpu.memory_space<hbm>> -> memref<10000x128xf32, #tpu.memory_space<hbm>>
      tpu.wait_indirect_dma semaphore(%arg13 : memref<!tpu.dma_semaphore, #tpu.memory_space<semaphore_mem>>) src(%dma_wait3A_127 : memref<10000x128xf32, #tpu.memory_space<hbm>>) dst(%arg7 : memref<128x128xf32, #tpu.memory_space<vmem>>)
      %lt3A = arith.cmpi slt, %add3A_124, %select_n3A : i32
      %convert_element_type3A = arith.extui %lt3A : i1 to i32
      %cond3A = arith.constant 0 : i32
      %cond3A_128 = arith.cmpi ne, %convert_element_type3A, %cond3A : i32
      scf.if %cond3A_128 {
        %add3A_182 = arith.addi %select_n3A_33, %add3A_124 : i32
        %dma_start3A_183 = arith.constant 0 : i32
        %dma_start3A_184 = tpu.memref_slice %arg3[%add3A_182, %dma_start3A_183] : memref<2560x128xi32, #tpu.memory_space<hbm>> -> memref<1x128xi32, #tpu.memory_space<hbm>>
        %dma_start3A_185 = tpu.memref_squeeze %dma_start3A_184 : memref<1x128xi32, #tpu.memory_space<hbm>> -> memref<128xi32, #tpu.memory_space<hbm>>
        %dma_start3A_186 = arith.constant 0 : i32
        %dma_start3A_187 = tpu.memref_slice %arg3[%add3A_182, %dma_start3A_186] : memref<2560x128xi32, #tpu.memory_space<hbm>> -> memref<1x128xi32, #tpu.memory_space<hbm>>
        %dma_start3A_188 = tpu.memref_squeeze %dma_start3A_187 : memref<1x128xi32, #tpu.memory_space<hbm>> -> memref<128xi32, #tpu.memory_space<hbm>>
        tpu.enqueue_dma source(%dma_start3A_188 : memref<128xi32, #tpu.memory_space<hbm>>) target(%arg9 : memref<128xi32, #tpu.memory_space<vmem>>) target_semaphore(%arg17 : memref<!tpu.dma_semaphore, #tpu.memory_space<semaphore_mem>>)
      } else {
      }
      %add3A_129 = arith.addi %select_n3A_33, %add3A_122 : i32
      %dma_wait3A_130 = arith.constant 0 : i32
      %dma_wait3A_131 = tpu.memref_slice %arg4[%add3A_129, %dma_wait3A_130] : memref<2560x128xi32, #tpu.memory_space<hbm>> -> memref<1x128xi32, #tpu.memory_space<hbm>>
      %dma_wait3A_132 = tpu.memref_squeeze %dma_wait3A_131 : memref<1x128xi32, #tpu.memory_space<hbm>> -> memref<128xi32, #tpu.memory_space<hbm>>
      %dma_wait3A_133 = arith.constant 0 : i32
      %dma_wait3A_134 = tpu.memref_slice %arg4[%add3A_129, %dma_wait3A_133] : memref<2560x128xi32, #tpu.memory_space<hbm>> -> memref<1x128xi32, #tpu.memory_space<hbm>>
      %dma_wait3A_135 = tpu.memref_squeeze %dma_wait3A_134 : memref<1x128xi32, #tpu.memory_space<hbm>> -> memref<128xi32, #tpu.memory_space<hbm>>
      tpu.wait_dma2 semaphore(%arg19 : memref<!tpu.dma_semaphore, #tpu.memory_space<semaphore_mem>>) src(%dma_wait3A_135 : memref<128xi32, #tpu.memory_space<hbm>>) dst(%arg11 : memref<128xi32, #tpu.memory_space<vmem>>)
      %dma_start3A_136 = arith.constant 0 : i32
      %dma_start3A_137 = arith.constant 0 : i32
      %dma_start3A_138 = tpu.memref_slice %arg6[%dma_start3A_136, %dma_start3A_137] : memref<10240x128xf32, #tpu.memory_space<vmem_shared>> -> memref<10240x128xf32, #tpu.memory_space<vmem_shared>>
      tpu.enqueue_indirect_dma source(%arg7 : memref<128x128xf32, #tpu.memory_space<vmem>>) target(%dma_start3A_138 : memref<10240x128xf32, #tpu.memory_space<vmem_shared>>) offsets(%arg11 : memref<128xi32, #tpu.memory_space<vmem>>) semaphore(%arg15 : memref<!tpu.dma_semaphore, #tpu.memory_space<semaphore_mem>>) {add = true}
      %add3A_139 = arith.constant 1 : i32
      %add3A_140 = arith.addi %mul3A_120, %add3A_139 : i32
      %add3A_141 = arith.constant 2 : i32
      %add3A_142 = arith.addi %add3A_140, %add3A_141 : i32
      %dma_wait3A_143 = arith.constant 0 : i32
      %dma_wait3A_144 = arith.constant 0 : i32
      %dma_wait3A_145 = tpu.memref_slice %arg2[%dma_wait3A_143, %dma_wait3A_144] : memref<10000x128xf32, #tpu.memory_space<hbm>> -> memref<10000x128xf32, #tpu.memory_space<hbm>>
      tpu.wait_indirect_dma semaphore(%arg14 : memref<!tpu.dma_semaphore, #tpu.memory_space<semaphore_mem>>) src(%dma_wait3A_145 : memref<10000x128xf32, #tpu.memory_space<hbm>>) dst(%arg8 : memref<128x128xf32, #tpu.memory_space<vmem>>)
      %lt3A_146 = arith.cmpi slt, %add3A_142, %select_n3A : i32
      %convert_element_type3A_147 = arith.extui %lt3A_146 : i1 to i32
      %cond3A_148 = arith.constant 0 : i32
      %cond3A_149 = arith.cmpi ne, %convert_element_type3A_147, %cond3A_148 : i32
      scf.if %cond3A_149 {
        %add3A_182 = arith.addi %select_n3A_33, %add3A_142 : i32
        %dma_start3A_183 = arith.constant 0 : i32
        %dma_start3A_184 = tpu.memref_slice %arg3[%add3A_182, %dma_start3A_183] : memref<2560x128xi32, #tpu.memory_space<hbm>> -> memref<1x128xi32, #tpu.memory_space<hbm>>
        %dma_start3A_185 = tpu.memref_squeeze %dma_start3A_184 : memref<1x128xi32, #tpu.memory_space<hbm>> -> memref<128xi32, #tpu.memory_space<hbm>>
        %dma_start3A_186 = arith.constant 0 : i32
        %dma_start3A_187 = tpu.memref_slice %arg3[%add3A_182, %dma_start3A_186] : memref<2560x128xi32, #tpu.memory_space<hbm>> -> memref<1x128xi32, #tpu.memory_space<hbm>>
        %dma_start3A_188 = tpu.memref_squeeze %dma_start3A_187 : memref<1x128xi32, #tpu.memory_space<hbm>> -> memref<128xi32, #tpu.memory_space<hbm>>
        tpu.enqueue_dma source(%dma_start3A_188 : memref<128xi32, #tpu.memory_space<hbm>>) target(%arg10 : memref<128xi32, #tpu.memory_space<vmem>>) target_semaphore(%arg18 : memref<!tpu.dma_semaphore, #tpu.memory_space<semaphore_mem>>)
      } else {
      }
      %add3A_150 = arith.addi %select_n3A_33, %add3A_140 : i32
      %dma_wait3A_151 = arith.constant 0 : i32
      %dma_wait3A_152 = tpu.memref_slice %arg4[%add3A_150, %dma_wait3A_151] : memref<2560x128xi32, #tpu.memory_space<hbm>> -> memref<1x128xi32, #tpu.memory_space<hbm>>
      %dma_wait3A_153 = tpu.memref_squeeze %dma_wait3A_152 : memref<1x128xi32, #tpu.memory_space<hbm>> -> memref<128xi32, #tpu.memory_space<hbm>>
      %dma_wait3A_154 = arith.constant 0 : i32
      %dma_wait3A_155 = tpu.memref_slice %arg4[%add3A_150, %dma_wait3A_154] : memref<2560x128xi32, #tpu.memory_space<hbm>> -> memref<1x128xi32, #tpu.memory_space<hbm>>
      %dma_wait3A_156 = tpu.memref_squeeze %dma_wait3A_155 : memref<1x128xi32, #tpu.memory_space<hbm>> -> memref<128xi32, #tpu.memory_space<hbm>>
      tpu.wait_dma2 semaphore(%arg20 : memref<!tpu.dma_semaphore, #tpu.memory_space<semaphore_mem>>) src(%dma_wait3A_156 : memref<128xi32, #tpu.memory_space<hbm>>) dst(%arg12 : memref<128xi32, #tpu.memory_space<vmem>>)
      %dma_start3A_157 = arith.constant 0 : i32
      %dma_start3A_158 = arith.constant 0 : i32
      %dma_start3A_159 = tpu.memref_slice %arg6[%dma_start3A_157, %dma_start3A_158] : memref<10240x128xf32, #tpu.memory_space<vmem_shared>> -> memref<10240x128xf32, #tpu.memory_space<vmem_shared>>
      tpu.enqueue_indirect_dma source(%arg8 : memref<128x128xf32, #tpu.memory_space<vmem>>) target(%dma_start3A_159 : memref<10240x128xf32, #tpu.memory_space<vmem_shared>>) offsets(%arg12 : memref<128xi32, #tpu.memory_space<vmem>>) semaphore(%arg16 : memref<!tpu.dma_semaphore, #tpu.memory_space<semaphore_mem>>) {add = true}
      %add3A_160 = arith.constant 0 : i32
      %add3A_161 = arith.addi %mul3A_120, %add3A_160 : i32
      %add3A_162 = arith.constant 2 : i32
      %add3A_163 = arith.addi %add3A_161, %add3A_162 : i32
      %dma_wait3A_164 = arith.constant 0 : i32
      %dma_wait3A_165 = arith.constant 0 : i32
      %dma_wait3A_166 = tpu.memref_slice %arg6[%dma_wait3A_164, %dma_wait3A_165] : memref<10240x128xf32, #tpu.memory_space<vmem_shared>> -> memref<10240x128xf32, #tpu.memory_space<vmem_shared>>
      tpu.wait_indirect_dma semaphore(%arg15 : memref<!tpu.dma_semaphore, #tpu.memory_space<semaphore_mem>>) src(%arg7 : memref<128x128xf32, #tpu.memory_space<vmem>>) dst(%dma_wait3A_166 : memref<10240x128xf32, #tpu.memory_space<vmem_shared>>)
      %lt3A_167 = arith.cmpi slt, %add3A_163, %select_n3A : i32
      %convert_element_type3A_168 = arith.extui %lt3A_167 : i1 to i32
      %cond3A_169 = arith.constant 0 : i32
      %cond3A_170 = arith.cmpi ne, %convert_element_type3A_168, %cond3A_169 : i32
      scf.if %cond3A_170 {
        %add3A_182 = arith.addi %select_n3A_33, %add3A_163 : i32
        %dma_start3A_183 = arith.constant 0 : i32
        %dma_start3A_184 = tpu.memref_slice %arg4[%add3A_182, %dma_start3A_183] : memref<2560x128xi32, #tpu.memory_space<hbm>> -> memref<1x128xi32, #tpu.memory_space<hbm>>
        %dma_start3A_185 = tpu.memref_squeeze %dma_start3A_184 : memref<1x128xi32, #tpu.memory_space<hbm>> -> memref<128xi32, #tpu.memory_space<hbm>>
        %dma_start3A_186 = arith.constant 0 : i32
        %dma_start3A_187 = tpu.memref_slice %arg4[%add3A_182, %dma_start3A_186] : memref<2560x128xi32, #tpu.memory_space<hbm>> -> memref<1x128xi32, #tpu.memory_space<hbm>>
        %dma_start3A_188 = tpu.memref_squeeze %dma_start3A_187 : memref<1x128xi32, #tpu.memory_space<hbm>> -> memref<128xi32, #tpu.memory_space<hbm>>
        tpu.enqueue_dma source(%dma_start3A_188 : memref<128xi32, #tpu.memory_space<hbm>>) target(%arg11 : memref<128xi32, #tpu.memory_space<vmem>>) target_semaphore(%arg19 : memref<!tpu.dma_semaphore, #tpu.memory_space<semaphore_mem>>)
        %add3A_189 = arith.addi %select_n3A_33, %add3A_163 : i32
        %dma_wait3A_190 = arith.constant 0 : i32
        %dma_wait3A_191 = tpu.memref_slice %arg3[%add3A_189, %dma_wait3A_190] : memref<2560x128xi32, #tpu.memory_space<hbm>> -> memref<1x128xi32, #tpu.memory_space<hbm>>
        %dma_wait3A_192 = tpu.memref_squeeze %dma_wait3A_191 : memref<1x128xi32, #tpu.memory_space<hbm>> -> memref<128xi32, #tpu.memory_space<hbm>>
        %dma_wait3A_193 = arith.constant 0 : i32
        %dma_wait3A_194 = tpu.memref_slice %arg3[%add3A_189, %dma_wait3A_193] : memref<2560x128xi32, #tpu.memory_space<hbm>> -> memref<1x128xi32, #tpu.memory_space<hbm>>
        %dma_wait3A_195 = tpu.memref_squeeze %dma_wait3A_194 : memref<1x128xi32, #tpu.memory_space<hbm>> -> memref<128xi32, #tpu.memory_space<hbm>>
        tpu.wait_dma2 semaphore(%arg17 : memref<!tpu.dma_semaphore, #tpu.memory_space<semaphore_mem>>) src(%dma_wait3A_195 : memref<128xi32, #tpu.memory_space<hbm>>) dst(%arg9 : memref<128xi32, #tpu.memory_space<vmem>>)
        %dma_start3A_196 = arith.constant 0 : i32
        %dma_start3A_197 = arith.constant 0 : i32
        %dma_start3A_198 = tpu.memref_slice %arg2[%dma_start3A_196, %dma_start3A_197] : memref<10000x128xf32, #tpu.memory_space<hbm>> -> memref<10000x128xf32, #tpu.memory_space<hbm>>
        tpu.enqueue_indirect_dma source(%dma_start3A_198 : memref<10000x128xf32, #tpu.memory_space<hbm>>) target(%arg7 : memref<128x128xf32, #tpu.memory_space<vmem>>) offsets(%arg9 : memref<128xi32, #tpu.memory_space<vmem>>) semaphore(%arg13 : memref<!tpu.dma_semaphore, #tpu.memory_space<semaphore_mem>>)
      } else {
      }
      %add3A_171 = arith.constant 1 : i32
      %add3A_172 = arith.addi %mul3A_120, %add3A_171 : i32
      %add3A_173 = arith.constant 2 : i32
      %add3A_174 = arith.addi %add3A_172, %add3A_173 : i32
      %dma_wait3A_175 = arith.constant 0 : i32
      %dma_wait3A_176 = arith.constant 0 : i32
      %dma_wait3A_177 = tpu.memref_slice %arg6[%dma_wait3A_175, %dma_wait3A_176] : memref<10240x128xf32, #tpu.memory_space<vmem_shared>> -> memref<10240x128xf32, #tpu.memory_space<vmem_shared>>
      tpu.wait_indirect_dma semaphore(%arg16 : memref<!tpu.dma_semaphore, #tpu.memory_space<semaphore_mem>>) src(%arg8 : memref<128x128xf32, #tpu.memory_space<vmem>>) dst(%dma_wait3A_177 : memref<10240x128xf32, #tpu.memory_space<vmem_shared>>)
      %lt3A_178 = arith.cmpi slt, %add3A_174, %select_n3A : i32
      %convert_element_type3A_179 = arith.extui %lt3A_178 : i1 to i32
      %cond3A_180 = arith.constant 0 : i32
      %cond3A_181 = arith.cmpi ne, %convert_element_type3A_179, %cond3A_180 : i32
      scf.if %cond3A_181 {
        %add3A_182 = arith.addi %select_n3A_33, %add3A_174 : i32
        %dma_start3A_183 = arith.constant 0 : i32
        %dma_start3A_184 = tpu.memref_slice %arg4[%add3A_182, %dma_start3A_183] : memref<2560x128xi32, #tpu.memory_space<hbm>> -> memref<1x128xi32, #tpu.memory_space<hbm>>
        %dma_start3A_185 = tpu.memref_squeeze %dma_start3A_184 : memref<1x128xi32, #tpu.memory_space<hbm>> -> memref<128xi32, #tpu.memory_space<hbm>>
        %dma_start3A_186 = arith.constant 0 : i32
        %dma_start3A_187 = tpu.memref_slice %arg4[%add3A_182, %dma_start3A_186] : memref<2560x128xi32, #tpu.memory_space<hbm>> -> memref<1x128xi32, #tpu.memory_space<hbm>>
        %dma_start3A_188 = tpu.memref_squeeze %dma_start3A_187 : memref<1x128xi32, #tpu.memory_space<hbm>> -> memref<128xi32, #tpu.memory_space<hbm>>
        tpu.enqueue_dma source(%dma_start3A_188 : memref<128xi32, #tpu.memory_space<hbm>>) target(%arg12 : memref<128xi32, #tpu.memory_space<vmem>>) target_semaphore(%arg20 : memref<!tpu.dma_semaphore, #tpu.memory_space<semaphore_mem>>)
        %add3A_189 = arith.addi %select_n3A_33, %add3A_174 : i32
        %dma_wait3A_190 = arith.constant 0 : i32
        %dma_wait3A_191 = tpu.memref_slice %arg3[%add3A_189, %dma_wait3A_190] : memref<2560x128xi32, #tpu.memory_space<hbm>> -> memref<1x128xi32, #tpu.memory_space<hbm>>
        %dma_wait3A_192 = tpu.memref_squeeze %dma_wait3A_191 : memref<1x128xi32, #tpu.memory_space<hbm>> -> memref<128xi32, #tpu.memory_space<hbm>>
        %dma_wait3A_193 = arith.constant 0 : i32
        %dma_wait3A_194 = tpu.memref_slice %arg3[%add3A_189, %dma_wait3A_193] : memref<2560x128xi32, #tpu.memory_space<hbm>> -> memref<1x128xi32, #tpu.memory_space<hbm>>
        %dma_wait3A_195 = tpu.memref_squeeze %dma_wait3A_194 : memref<1x128xi32, #tpu.memory_space<hbm>> -> memref<128xi32, #tpu.memory_space<hbm>>
        tpu.wait_dma2 semaphore(%arg18 : memref<!tpu.dma_semaphore, #tpu.memory_space<semaphore_mem>>) src(%dma_wait3A_195 : memref<128xi32, #tpu.memory_space<hbm>>) dst(%arg10 : memref<128xi32, #tpu.memory_space<vmem>>)
        %dma_start3A_196 = arith.constant 0 : i32
        %dma_start3A_197 = arith.constant 0 : i32
        %dma_start3A_198 = tpu.memref_slice %arg2[%dma_start3A_196, %dma_start3A_197] : memref<10000x128xf32, #tpu.memory_space<hbm>> -> memref<10000x128xf32, #tpu.memory_space<hbm>>
        tpu.enqueue_indirect_dma source(%dma_start3A_198 : memref<10000x128xf32, #tpu.memory_space<hbm>>) target(%arg8 : memref<128x128xf32, #tpu.memory_space<vmem>>) offsets(%arg10 : memref<128xi32, #tpu.memory_space<vmem>>) semaphore(%arg14 : memref<!tpu.dma_semaphore, #tpu.memory_space<semaphore_mem>>)
      } else {
      }
    }
    %while3A_112 = arith.constant 1 : i32
    scf.for %while3A_118 = %while3A_110 to %while3A_106 step %while3A_112  : i32 {
      %mul3A_119 = arith.constant 2 : i32
      %mul3A_120 = arith.muli %while3A_118, %mul3A_119 : i32
      %add3A_121 = arith.constant 0 : i32
      %add3A_122 = arith.addi %mul3A_120, %add3A_121 : i32
      %add3A_123 = arith.constant 2 : i32
      %add3A_124 = arith.addi %add3A_122, %add3A_123 : i32
      %dma_wait3A_125 = arith.constant 0 : i32
      %dma_wait3A_126 = arith.constant 0 : i32
      %dma_wait3A_127 = tpu.memref_slice %arg2[%dma_wait3A_125, %dma_wait3A_126] : memref<10000x128xf32, #tpu.memory_space<hbm>> -> memref<10000x128xf32, #tpu.memory_space<hbm>>
      tpu.wait_indirect_dma semaphore(%arg13 : memref<!tpu.dma_semaphore, #tpu.memory_space<semaphore_mem>>) src(%dma_wait3A_127 : memref<10000x128xf32, #tpu.memory_space<hbm>>) dst(%arg7 : memref<128x128xf32, #tpu.memory_space<vmem>>)
      %lt3A = arith.cmpi slt, %add3A_124, %select_n3A : i32
      %convert_element_type3A = arith.extui %lt3A : i1 to i32
      %cond3A = arith.constant 0 : i32
      %cond3A_128 = arith.cmpi ne, %convert_element_type3A, %cond3A : i32
      scf.if %cond3A_128 {
        %add3A_182 = arith.addi %select_n3A_33, %add3A_124 : i32
        %dma_start3A_183 = arith.constant 0 : i32
        %dma_start3A_184 = tpu.memref_slice %arg3[%add3A_182, %dma_start3A_183] : memref<2560x128xi32, #tpu.memory_space<hbm>> -> memref<1x128xi32, #tpu.memory_space<hbm>>
        %dma_start3A_185 = tpu.memref_squeeze %dma_start3A_184 : memref<1x128xi32, #tpu.memory_space<hbm>> -> memref<128xi32, #tpu.memory_space<hbm>>
        %dma_start3A_186 = arith.constant 0 : i32
        %dma_start3A_187 = tpu.memref_slice %arg3[%add3A_182, %dma_start3A_186] : memref<2560x128xi32, #tpu.memory_space<hbm>> -> memref<1x128xi32, #tpu.memory_space<hbm>>
        %dma_start3A_188 = tpu.memref_squeeze %dma_start3A_187 : memref<1x128xi32, #tpu.memory_space<hbm>> -> memref<128xi32, #tpu.memory_space<hbm>>
        tpu.enqueue_dma source(%dma_start3A_188 : memref<128xi32, #tpu.memory_space<hbm>>) target(%arg9 : memref<128xi32, #tpu.memory_space<vmem>>) target_semaphore(%arg17 : memref<!tpu.dma_semaphore, #tpu.memory_space<semaphore_mem>>)
      } else {
      }
      %add3A_129 = arith.addi %select_n3A_33, %add3A_122 : i32
      %dma_wait3A_130 = arith.constant 0 : i32
      %dma_wait3A_131 = tpu.memref_slice %arg4[%add3A_129, %dma_wait3A_130] : memref<2560x128xi32, #tpu.memory_space<hbm>> -> memref<1x128xi32, #tpu.memory_space<hbm>>
      %dma_wait3A_132 = tpu.memref_squeeze %dma_wait3A_131 : memref<1x128xi32, #tpu.memory_space<hbm>> -> memref<128xi32, #tpu.memory_space<hbm>>
      %dma_wait3A_133 = arith.constant 0 : i32
      %dma_wait3A_134 = tpu.memref_slice %arg4[%add3A_129, %dma_wait3A_133] : memref<2560x128xi32, #tpu.memory_space<hbm>> -> memref<1x128xi32, #tpu.memory_space<hbm>>
      %dma_wait3A_135 = tpu.memref_squeeze %dma_wait3A_134 : memref<1x128xi32, #tpu.memory_space<hbm>> -> memref<128xi32, #tpu.memory_space<hbm>>
      tpu.wait_dma2 semaphore(%arg19 : memref<!tpu.dma_semaphore, #tpu.memory_space<semaphore_mem>>) src(%dma_wait3A_135 : memref<128xi32, #tpu.memory_space<hbm>>) dst(%arg11 : memref<128xi32, #tpu.memory_space<vmem>>)
      %dma_start3A_136 = arith.constant 0 : i32
      %dma_start3A_137 = arith.constant 0 : i32
      %dma_start3A_138 = tpu.memref_slice %arg6[%dma_start3A_136, %dma_start3A_137] : memref<10240x128xf32, #tpu.memory_space<vmem_shared>> -> memref<10240x128xf32, #tpu.memory_space<vmem_shared>>
      tpu.enqueue_indirect_dma source(%arg7 : memref<128x128xf32, #tpu.memory_space<vmem>>) target(%dma_start3A_138 : memref<10240x128xf32, #tpu.memory_space<vmem_shared>>) offsets(%arg11 : memref<128xi32, #tpu.memory_space<vmem>>) semaphore(%arg15 : memref<!tpu.dma_semaphore, #tpu.memory_space<semaphore_mem>>) {add = true}
      %add3A_139 = arith.constant 1 : i32
      %add3A_140 = arith.addi %mul3A_120, %add3A_139 : i32
      %add3A_141 = arith.constant 2 : i32
      %add3A_142 = arith.addi %add3A_140, %add3A_141 : i32
      %dma_wait3A_143 = arith.constant 0 : i32
      %dma_wait3A_144 = arith.constant 0 : i32
      %dma_wait3A_145 = tpu.memref_slice %arg2[%dma_wait3A_143, %dma_wait3A_144] : memref<10000x128xf32, #tpu.memory_space<hbm>> -> memref<10000x128xf32, #tpu.memory_space<hbm>>
      tpu.wait_indirect_dma semaphore(%arg14 : memref<!tpu.dma_semaphore, #tpu.memory_space<semaphore_mem>>) src(%dma_wait3A_145 : memref<10000x128xf32, #tpu.memory_space<hbm>>) dst(%arg8 : memref<128x128xf32, #tpu.memory_space<vmem>>)
      %lt3A_146 = arith.cmpi slt, %add3A_142, %select_n3A : i32
      %convert_element_type3A_147 = arith.extui %lt3A_146 : i1 to i32
      %cond3A_148 = arith.constant 0 : i32
      %cond3A_149 = arith.cmpi ne, %convert_element_type3A_147, %cond3A_148 : i32
      scf.if %cond3A_149 {
        %add3A_182 = arith.addi %select_n3A_33, %add3A_142 : i32
        %dma_start3A_183 = arith.constant 0 : i32
        %dma_start3A_184 = tpu.memref_slice %arg3[%add3A_182, %dma_start3A_183] : memref<2560x128xi32, #tpu.memory_space<hbm>> -> memref<1x128xi32, #tpu.memory_space<hbm>>
        %dma_start3A_185 = tpu.memref_squeeze %dma_start3A_184 : memref<1x128xi32, #tpu.memory_space<hbm>> -> memref<128xi32, #tpu.memory_space<hbm>>
        %dma_start3A_186 = arith.constant 0 : i32
        %dma_start3A_187 = tpu.memref_slice %arg3[%add3A_182, %dma_start3A_186] : memref<2560x128xi32, #tpu.memory_space<hbm>> -> memref<1x128xi32, #tpu.memory_space<hbm>>
        %dma_start3A_188 = tpu.memref_squeeze %dma_start3A_187 : memref<1x128xi32, #tpu.memory_space<hbm>> -> memref<128xi32, #tpu.memory_space<hbm>>
        tpu.enqueue_dma source(%dma_start3A_188 : memref<128xi32, #tpu.memory_space<hbm>>) target(%arg10 : memref<128xi32, #tpu.memory_space<vmem>>) target_semaphore(%arg18 : memref<!tpu.dma_semaphore, #tpu.memory_space<semaphore_mem>>)
      } else {
      }
      %add3A_150 = arith.addi %select_n3A_33, %add3A_140 : i32
      %dma_wait3A_151 = arith.constant 0 : i32
      %dma_wait3A_152 = tpu.memref_slice %arg4[%add3A_150, %dma_wait3A_151] : memref<2560x128xi32, #tpu.memory_space<hbm>> -> memref<1x128xi32, #tpu.memory_space<hbm>>
      %dma_wait3A_153 = tpu.memref_squeeze %dma_wait3A_152 : memref<1x128xi32, #tpu.memory_space<hbm>> -> memref<128xi32, #tpu.memory_space<hbm>>
      %dma_wait3A_154 = arith.constant 0 : i32
      %dma_wait3A_155 = tpu.memref_slice %arg4[%add3A_150, %dma_wait3A_154] : memref<2560x128xi32, #tpu.memory_space<hbm>> -> memref<1x128xi32, #tpu.memory_space<hbm>>
      %dma_wait3A_156 = tpu.memref_squeeze %dma_wait3A_155 : memref<1x128xi32, #tpu.memory_space<hbm>> -> memref<128xi32, #tpu.memory_space<hbm>>
      tpu.wait_dma2 semaphore(%arg20 : memref<!tpu.dma_semaphore, #tpu.memory_space<semaphore_mem>>) src(%dma_wait3A_156 : memref<128xi32, #tpu.memory_space<hbm>>) dst(%arg12 : memref<128xi32, #tpu.memory_space<vmem>>)
      %dma_start3A_157 = arith.constant 0 : i32
      %dma_start3A_158 = arith.constant 0 : i32
      %dma_start3A_159 = tpu.memref_slice %arg6[%dma_start3A_157, %dma_start3A_158] : memref<10240x128xf32, #tpu.memory_space<vmem_shared>> -> memref<10240x128xf32, #tpu.memory_space<vmem_shared>>
      tpu.enqueue_indirect_dma source(%arg8 : memref<128x128xf32, #tpu.memory_space<vmem>>) target(%dma_start3A_159 : memref<10240x128xf32, #tpu.memory_space<vmem_shared>>) offsets(%arg12 : memref<128xi32, #tpu.memory_space<vmem>>) semaphore(%arg16 : memref<!tpu.dma_semaphore, #tpu.memory_space<semaphore_mem>>) {add = true}
      %add3A_160 = arith.constant 0 : i32
      %add3A_161 = arith.addi %mul3A_120, %add3A_160 : i32
      %add3A_162 = arith.constant 2 : i32
      %add3A_163 = arith.addi %add3A_161, %add3A_162 : i32
      %dma_wait3A_164 = arith.constant 0 : i32
      %dma_wait3A_165 = arith.constant 0 : i32
      %dma_wait3A_166 = tpu.memref_slice %arg6[%dma_wait3A_164, %dma_wait3A_165] : memref<10240x128xf32, #tpu.memory_space<vmem_shared>> -> memref<10240x128xf32, #tpu.memory_space<vmem_shared>>
      tpu.wait_indirect_dma semaphore(%arg15 : memref<!tpu.dma_semaphore, #tpu.memory_space<semaphore_mem>>) src(%arg7 : memref<128x128xf32, #tpu.memory_space<vmem>>) dst(%dma_wait3A_166 : memref<10240x128xf32, #tpu.memory_space<vmem_shared>>)
      %lt3A_167 = arith.cmpi slt, %add3A_163, %select_n3A : i32
      %convert_element_type3A_168 = arith.extui %lt3A_167 : i1 to i32
      %cond3A_169 = arith.constant 0 : i32
      %cond3A_170 = arith.cmpi ne, %convert_element_type3A_168, %cond3A_169 : i32
      scf.if %cond3A_170 {
        %add3A_182 = arith.addi %select_n3A_33, %add3A_163 : i32
        %dma_start3A_183 = arith.constant 0 : i32
        %dma_start3A_184 = tpu.memref_slice %arg4[%add3A_182, %dma_start3A_183] : memref<2560x128xi32, #tpu.memory_space<hbm>> -> memref<1x128xi32, #tpu.memory_space<hbm>>
        %dma_start3A_185 = tpu.memref_squeeze %dma_start3A_184 : memref<1x128xi32, #tpu.memory_space<hbm>> -> memref<128xi32, #tpu.memory_space<hbm>>
        %dma_start3A_186 = arith.constant 0 : i32
        %dma_start3A_187 = tpu.memref_slice %arg4[%add3A_182, %dma_start3A_186] : memref<2560x128xi32, #tpu.memory_space<hbm>> -> memref<1x128xi32, #tpu.memory_space<hbm>>
        %dma_start3A_188 = tpu.memref_squeeze %dma_start3A_187 : memref<1x128xi32, #tpu.memory_space<hbm>> -> memref<128xi32, #tpu.memory_space<hbm>>
        tpu.enqueue_dma source(%dma_start3A_188 : memref<128xi32, #tpu.memory_space<hbm>>) target(%arg11 : memref<128xi32, #tpu.memory_space<vmem>>) target_semaphore(%arg19 : memref<!tpu.dma_semaphore, #tpu.memory_space<semaphore_mem>>)
        %add3A_189 = arith.addi %select_n3A_33, %add3A_163 : i32
        %dma_wait3A_190 = arith.constant 0 : i32
        %dma_wait3A_191 = tpu.memref_slice %arg3[%add3A_189, %dma_wait3A_190] : memref<2560x128xi32, #tpu.memory_space<hbm>> -> memref<1x128xi32, #tpu.memory_space<hbm>>
        %dma_wait3A_192 = tpu.memref_squeeze %dma_wait3A_191 : memref<1x128xi32, #tpu.memory_space<hbm>> -> memref<128xi32, #tpu.memory_space<hbm>>
        %dma_wait3A_193 = arith.constant 0 : i32
        %dma_wait3A_194 = tpu.memref_slice %arg3[%add3A_189, %dma_wait3A_193] : memref<2560x128xi32, #tpu.memory_space<hbm>> -> memref<1x128xi32, #tpu.memory_space<hbm>>
        %dma_wait3A_195 = tpu.memref_squeeze %dma_wait3A_194 : memref<1x128xi32, #tpu.memory_space<hbm>> -> memref<128xi32, #tpu.memory_space<hbm>>
        tpu.wait_dma2 semaphore(%arg17 : memref<!tpu.dma_semaphore, #tpu.memory_space<semaphore_mem>>) src(%dma_wait3A_195 : memref<128xi32, #tpu.memory_space<hbm>>) dst(%arg9 : memref<128xi32, #tpu.memory_space<vmem>>)
        %dma_start3A_196 = arith.constant 0 : i32
        %dma_start3A_197 = arith.constant 0 : i32
        %dma_start3A_198 = tpu.memref_slice %arg2[%dma_start3A_196, %dma_start3A_197] : memref<10000x128xf32, #tpu.memory_space<hbm>> -> memref<10000x128xf32, #tpu.memory_space<hbm>>
        tpu.enqueue_indirect_dma source(%dma_start3A_198 : memref<10000x128xf32, #tpu.memory_space<hbm>>) target(%arg7 : memref<128x128xf32, #tpu.memory_space<vmem>>) offsets(%arg9 : memref<128xi32, #tpu.memory_space<vmem>>) semaphore(%arg13 : memref<!tpu.dma_semaphore, #tpu.memory_space<semaphore_mem>>)
      } else {
      }
      %add3A_171 = arith.constant 1 : i32
      %add3A_172 = arith.addi %mul3A_120, %add3A_171 : i32
      %add3A_173 = arith.constant 2 : i32
      %add3A_174 = arith.addi %add3A_172, %add3A_173 : i32
      %dma_wait3A_175 = arith.constant 0 : i32
      %dma_wait3A_176 = arith.constant 0 : i32
      %dma_wait3A_177 = tpu.memref_slice %arg6[%dma_wait3A_175, %dma_wait3A_176] : memref<10240x128xf32, #tpu.memory_space<vmem_shared>> -> memref<10240x128xf32, #tpu.memory_space<vmem_shared>>
      tpu.wait_indirect_dma semaphore(%arg16 : memref<!tpu.dma_semaphore, #tpu.memory_space<semaphore_mem>>) src(%arg8 : memref<128x128xf32, #tpu.memory_space<vmem>>) dst(%dma_wait3A_177 : memref<10240x128xf32, #tpu.memory_space<vmem_shared>>)
      %lt3A_178 = arith.cmpi slt, %add3A_174, %select_n3A : i32
      %convert_element_type3A_179 = arith.extui %lt3A_178 : i1 to i32
      %cond3A_180 = arith.constant 0 : i32
      %cond3A_181 = arith.cmpi ne, %convert_element_type3A_179, %cond3A_180 : i32
      scf.if %cond3A_181 {
        %add3A_182 = arith.addi %select_n3A_33, %add3A_174 : i32
        %dma_start3A_183 = arith.constant 0 : i32
        %dma_start3A_184 = tpu.memref_slice %arg4[%add3A_182, %dma_start3A_183] : memref<2560x128xi32, #tpu.memory_space<hbm>> -> memref<1x128xi32, #tpu.memory_space<hbm>>
        %dma_start3A_185 = tpu.memref_squeeze %dma_start3A_184 : memref<1x128xi32, #tpu.memory_space<hbm>> -> memref<128xi32, #tpu.memory_space<hbm>>
        %dma_start3A_186 = arith.constant 0 : i32
        %dma_start3A_187 = tpu.memref_slice %arg4[%add3A_182, %dma_start3A_186] : memref<2560x128xi32, #tpu.memory_space<hbm>> -> memref<1x128xi32, #tpu.memory_space<hbm>>
        %dma_start3A_188 = tpu.memref_squeeze %dma_start3A_187 : memref<1x128xi32, #tpu.memory_space<hbm>> -> memref<128xi32, #tpu.memory_space<hbm>>
        tpu.enqueue_dma source(%dma_start3A_188 : memref<128xi32, #tpu.memory_space<hbm>>) target(%arg12 : memref<128xi32, #tpu.memory_space<vmem>>) target_semaphore(%arg20 : memref<!tpu.dma_semaphore, #tpu.memory_space<semaphore_mem>>)
        %add3A_189 = arith.addi %select_n3A_33, %add3A_174 : i32
        %dma_wait3A_190 = arith.constant 0 : i32
        %dma_wait3A_191 = tpu.memref_slice %arg3[%add3A_189, %dma_wait3A_190] : memref<2560x128xi32, #tpu.memory_space<hbm>> -> memref<1x128xi32, #tpu.memory_space<hbm>>
        %dma_wait3A_192 = tpu.memref_squeeze %dma_wait3A_191 : memref<1x128xi32, #tpu.memory_space<hbm>> -> memref<128xi32, #tpu.memory_space<hbm>>
        %dma_wait3A_193 = arith.constant 0 : i32
        %dma_wait3A_194 = tpu.memref_slice %arg3[%add3A_189, %dma_wait3A_193] : memref<2560x128xi32, #tpu.memory_space<hbm>> -> memref<1x128xi32, #tpu.memory_space<hbm>>
        %dma_wait3A_195 = tpu.memref_squeeze %dma_wait3A_194 : memref<1x128xi32, #tpu.memory_space<hbm>> -> memref<128xi32, #tpu.memory_space<hbm>>
        tpu.wait_dma2 semaphore(%arg18 : memref<!tpu.dma_semaphore, #tpu.memory_space<semaphore_mem>>) src(%dma_wait3A_195 : memref<128xi32, #tpu.memory_space<hbm>>) dst(%arg10 : memref<128xi32, #tpu.memory_space<vmem>>)
        %dma_start3A_196 = arith.constant 0 : i32
        %dma_start3A_197 = arith.constant 0 : i32
        %dma_start3A_198 = tpu.memref_slice %arg2[%dma_start3A_196, %dma_start3A_197] : memref<10000x128xf32, #tpu.memory_space<hbm>> -> memref<10000x128xf32, #tpu.memory_space<hbm>>
        tpu.enqueue_indirect_dma source(%dma_start3A_198 : memref<10000x128xf32, #tpu.memory_space<hbm>>) target(%arg8 : memref<128x128xf32, #tpu.memory_space<vmem>>) offsets(%arg10 : memref<128xi32, #tpu.memory_space<vmem>>) semaphore(%arg14 : memref<!tpu.dma_semaphore, #tpu.memory_space<semaphore_mem>>)
      } else {
      }
    }
    %barrier3A_113 = arith.constant 0 : index
    tpu.barrier barrier_id(%barrier3A_113)
    %mul3A_114 = arith.constant 640 : i32
    %mul3A_115 = arith.muli %arg1, %mul3A_114 : i32
    %mul3A_116 = arith.constant 640 : i32
    %mul3A_117 = arith.muli %arg1, %mul3A_116 : i32
    "tpu.region"() ({
      %run_scoped3A = tpu.sem_alloc : memref<!tpu.dma_semaphore, #tpu.memory_space<semaphore_mem>>
      %dma_start3A_118 = arith.constant 0 : i32
      %dma_start3A_119 = tpu.memref_slice %arg5[%arg0, %mul3A_117, %dma_start3A_118] : memref<2x10240x128xf32, #tpu.memory_space<hbm>> -> memref<1x640x128xf32, #tpu.memory_space<hbm>>
      %dma_start3A_120 = tpu.memref_squeeze %dma_start3A_119 : memref<1x640x128xf32, #tpu.memory_space<hbm>> -> memref<640x128xf32, #tpu.memory_space<hbm>>
      %dma_start3A_121 = arith.constant 0 : i32
      %dma_start3A_122 = tpu.memref_slice %arg6[%mul3A_115, %dma_start3A_121] : memref<10240x128xf32, #tpu.memory_space<vmem_shared>> -> memref<640x128xf32, #tpu.memory_space<vmem_shared>>
      tpu.enqueue_dma source(%dma_start3A_122 : memref<640x128xf32, #tpu.memory_space<vmem_shared>>) target(%dma_start3A_120 : memref<640x128xf32, #tpu.memory_space<hbm>>) target_semaphore(%run_scoped3A : memref<!tpu.dma_semaphore, #tpu.memory_space<semaphore_mem>>)
      %dma_wait3A_123 = arith.constant 0 : i32
      %dma_wait3A_124 = tpu.memref_slice %arg5[%arg0, %mul3A_117, %dma_wait3A_123] : memref<2x10240x128xf32, #tpu.memory_space<hbm>> -> memref<1x640x128xf32, #tpu.memory_space<hbm>>
      %dma_wait3A_125 = tpu.memref_squeeze %dma_wait3A_124 : memref<1x640x128xf32, #tpu.memory_space<hbm>> -> memref<640x128xf32, #tpu.memory_space<hbm>>
      %dma_wait3A_126 = arith.constant 0 : i32
      %dma_wait3A_127 = tpu.memref_slice %arg6[%mul3A_115, %dma_wait3A_126] : memref<10240x128xf32, #tpu.memory_space<vmem_shared>> -> memref<640x128xf32, #tpu.memory_space<vmem_shared>>
      tpu.wait_dma2 semaphore(%run_scoped3A : memref<!tpu.dma_semaphore, #tpu.memory_space<semaphore_mem>>) src(%dma_wait3A_127 : memref<640x128xf32, #tpu.memory_space<vmem_shared>>) dst(%dma_wait3A_125 : memref<640x128xf32, #tpu.memory_space<hbm>>)
      tpu.yield
    }) : () -> ()
    return
  }
}

#map = affine_map<(d0, d1) -> (0, 0)>
#map1 = affine_map<(d0, d1) -> (0, 0, 0)>
module attributes {stable_mosaic.version = 14 : i64} {
  func.func @agg(%arg0: i32, %arg1: i32, %arg2: memref<10000x64xf32, #tpu.memory_space<hbm>>, %arg3: memref<2560x128xi32, #tpu.memory_space<hbm>>, %arg4: memref<2560x128xi32, #tpu.memory_space<hbm>>, %arg5: memref<2x10240x64xf32, #tpu.memory_space<hbm>>, %arg6: memref<10240x64xf32, #tpu.memory_space<vmem_shared>>, %arg7: memref<128x64xf32, #tpu.memory_space<vmem>>, %arg8: memref<128x64xf32, #tpu.memory_space<vmem>>, %arg9: memref<128x64xf32, #tpu.memory_space<vmem>>, %arg10: memref<128x64xf32, #tpu.memory_space<vmem>>, %arg11: memref<128xi32, #tpu.memory_space<vmem>>, %arg12: memref<128xi32, #tpu.memory_space<vmem>>, %arg13: memref<128xi32, #tpu.memory_space<vmem>>, %arg14: memref<128xi32, #tpu.memory_space<vmem>>, %arg15: memref<128xi32, #tpu.memory_space<vmem>>, %arg16: memref<128xi32, #tpu.memory_space<vmem>>, %arg17: memref<128xi32, #tpu.memory_space<vmem>>, %arg18: memref<128xi32, #tpu.memory_space<vmem>>, %arg19: memref<!tpu.dma_semaphore, #tpu.memory_space<semaphore_mem>>, %arg20: memref<!tpu.dma_semaphore, #tpu.memory_space<semaphore_mem>>, %arg21: memref<!tpu.dma_semaphore, #tpu.memory_space<semaphore_mem>>, %arg22: memref<!tpu.dma_semaphore, #tpu.memory_space<semaphore_mem>>, %arg23: memref<!tpu.dma_semaphore, #tpu.memory_space<semaphore_mem>>, %arg24: memref<!tpu.dma_semaphore, #tpu.memory_space<semaphore_mem>>, %arg25: memref<!tpu.dma_semaphore, #tpu.memory_space<semaphore_mem>>, %arg26: memref<!tpu.dma_semaphore, #tpu.memory_space<semaphore_mem>>, %arg27: memref<!tpu.dma_semaphore, #tpu.memory_space<semaphore_mem>>, %arg28: memref<!tpu.dma_semaphore, #tpu.memory_space<semaphore_mem>>, %arg29: memref<!tpu.dma_semaphore, #tpu.memory_space<semaphore_mem>>, %arg30: memref<!tpu.dma_semaphore, #tpu.memory_space<semaphore_mem>>, %arg31: memref<!tpu.dma_semaphore, #tpu.memory_space<semaphore_mem>>, %arg32: memref<!tpu.dma_semaphore, #tpu.memory_space<semaphore_mem>>, %arg33: memref<!tpu.dma_semaphore, #tpu.memory_space<semaphore_mem>>, %arg34: memref<!tpu.dma_semaphore, #tpu.memory_space<semaphore_mem>>) attributes {dimension_semantics = [#tpu.dimension_semantics<core_parallel>, #tpu.dimension_semantics<subcore_parallel>], iteration_bounds = array<i64: 2, 16>, scalar_prefetch = 0 : i64, scratch_operands = 29 : i64, tpu.core_type = #tpu.core_type<sc_vector_subcore>, window_params = [{transform_indices = #map}, {transform_indices = #map}, {transform_indices = #map}, {transform_indices = #map1}]} {
    %scan3A = arith.constant 0 : i32
    %scan3A_0 = arith.constant 0 : i32
    %scan3A_1 = arith.constant 128 : i32
    %scan3A_2 = arith.addi %scan3A_0, %scan3A_1 : i32
    %scan3A_3 = arith.constant 1 : i32
    scf.for %scan3A_172 = %scan3A_0 to %scan3A_2 step %scan3A_3  : i32 {
      %broadcast_in_dim3A = arith.constant 0.000000e+00 : f32
      %broadcast_in_dim3A_173 = vector.broadcast %broadcast_in_dim3A : f32 to vector<16xf32>
      %swap3A = arith.index_cast %scan3A_172 : i32 to index
      %swap3A_174 = arith.constant 0 : index
      %swap3A_175 = tpu.vector_load %arg7[%swap3A, %swap3A_174] {strides = array<i32>} : memref<128x64xf32, #tpu.memory_space<vmem>>, vector<1x16xf32>,
      %swap3A_176 = vector.shape_cast %swap3A_175 : vector<1x16xf32> to vector<16xf32>
      %swap3A_177 = vector.shape_cast %broadcast_in_dim3A_173 : vector<16xf32> to vector<1x16xf32>
      tpu.vector_store %arg7[%swap3A, %swap3A_174], %swap3A_177 {strides = array<i32>} : memref<128x64xf32, #tpu.memory_space<vmem>>, vector<1x16xf32>,
      %broadcast_in_dim3A_178 = arith.constant 0.000000e+00 : f32
      %broadcast_in_dim3A_179 = vector.broadcast %broadcast_in_dim3A_178 : f32 to vector<16xf32>
      %swap3A_180 = arith.index_cast %scan3A_172 : i32 to index
      %swap3A_181 = arith.constant 16 : index
      %swap3A_182 = tpu.vector_load %arg7[%swap3A_180, %swap3A_181] {strides = array<i32>} : memref<128x64xf32, #tpu.memory_space<vmem>>, vector<1x16xf32>,
      %swap3A_183 = vector.shape_cast %swap3A_182 : vector<1x16xf32> to vector<16xf32>
      %swap3A_184 = vector.shape_cast %broadcast_in_dim3A_179 : vector<16xf32> to vector<1x16xf32>
      tpu.vector_store %arg7[%swap3A_180, %swap3A_181], %swap3A_184 {strides = array<i32>} : memref<128x64xf32, #tpu.memory_space<vmem>>, vector<1x16xf32>,
      %broadcast_in_dim3A_185 = arith.constant 0.000000e+00 : f32
      %broadcast_in_dim3A_186 = vector.broadcast %broadcast_in_dim3A_185 : f32 to vector<16xf32>
      %swap3A_187 = arith.index_cast %scan3A_172 : i32 to index
      %swap3A_188 = arith.constant 32 : index
      %swap3A_189 = tpu.vector_load %arg7[%swap3A_187, %swap3A_188] {strides = array<i32>} : memref<128x64xf32, #tpu.memory_space<vmem>>, vector<1x16xf32>,
      %swap3A_190 = vector.shape_cast %swap3A_189 : vector<1x16xf32> to vector<16xf32>
      %swap3A_191 = vector.shape_cast %broadcast_in_dim3A_186 : vector<16xf32> to vector<1x16xf32>
      tpu.vector_store %arg7[%swap3A_187, %swap3A_188], %swap3A_191 {strides = array<i32>} : memref<128x64xf32, #tpu.memory_space<vmem>>, vector<1x16xf32>,
      %broadcast_in_dim3A_192 = arith.constant 0.000000e+00 : f32
      %broadcast_in_dim3A_193 = vector.broadcast %broadcast_in_dim3A_192 : f32 to vector<16xf32>
      %swap3A_194 = arith.index_cast %scan3A_172 : i32 to index
      %swap3A_195 = arith.constant 48 : index
      %swap3A_196 = tpu.vector_load %arg7[%swap3A_194, %swap3A_195] {strides = array<i32>} : memref<128x64xf32, #tpu.memory_space<vmem>>, vector<1x16xf32>,
      %swap3A_197 = vector.shape_cast %swap3A_196 : vector<1x16xf32> to vector<16xf32>
      %swap3A_198 = vector.shape_cast %broadcast_in_dim3A_193 : vector<16xf32> to vector<1x16xf32>
      tpu.vector_store %arg7[%swap3A_194, %swap3A_195], %swap3A_198 {strides = array<i32>} : memref<128x64xf32, #tpu.memory_space<vmem>>, vector<1x16xf32>,
    }
    %scan3A_4 = arith.constant 128 : i32
    %mul3A = arith.constant 640 : i32
    %mul3A_5 = arith.muli %arg1, %mul3A : i32
    %add3A = arith.constant 0 : i32
    %add3A_6 = arith.addi %mul3A_5, %add3A : i32
    "tpu.region"() ({
      %run_scoped3A = tpu.sem_alloc : memref<!tpu.dma_semaphore, #tpu.memory_space<semaphore_mem>>
      %dma_start3A_172 = arith.constant 0 : i32
      %dma_start3A_173 = tpu.memref_slice %arg6[%add3A_6, %dma_start3A_172] : memref<10240x64xf32, #tpu.memory_space<vmem_shared>> -> memref<128x64xf32, #tpu.memory_space<vmem_shared>>
      %dma_start3A_174 = arith.constant 0 : i32
      %dma_start3A_175 = tpu.memref_slice %arg6[%add3A_6, %dma_start3A_174] : memref<10240x64xf32, #tpu.memory_space<vmem_shared>> -> memref<128x64xf32, #tpu.memory_space<vmem_shared>>
      tpu.enqueue_dma source(%arg7 : memref<128x64xf32, #tpu.memory_space<vmem>>) target(%dma_start3A_175 : memref<128x64xf32, #tpu.memory_space<vmem_shared>>) target_semaphore(%run_scoped3A : memref<!tpu.dma_semaphore, #tpu.memory_space<semaphore_mem>>)
      %dma_wait3A_176 = arith.constant 0 : i32
      %dma_wait3A_177 = tpu.memref_slice %arg6[%add3A_6, %dma_wait3A_176] : memref<10240x64xf32, #tpu.memory_space<vmem_shared>> -> memref<128x64xf32, #tpu.memory_space<vmem_shared>>
      %dma_wait3A_178 = arith.constant 0 : i32
      %dma_wait3A_179 = tpu.memref_slice %arg6[%add3A_6, %dma_wait3A_178] : memref<10240x64xf32, #tpu.memory_space<vmem_shared>> -> memref<128x64xf32, #tpu.memory_space<vmem_shared>>
      tpu.wait_dma2 semaphore(%run_scoped3A : memref<!tpu.dma_semaphore, #tpu.memory_space<semaphore_mem>>) src(%arg7 : memref<128x64xf32, #tpu.memory_space<vmem>>) dst(%dma_wait3A_179 : memref<128x64xf32, #tpu.memory_space<vmem_shared>>)
      tpu.yield
    }) : () -> ()
    %mul3A_7 = arith.constant 640 : i32
    %mul3A_8 = arith.muli %arg1, %mul3A_7 : i32
    %add3A_9 = arith.constant 128 : i32
    %add3A_10 = arith.addi %mul3A_8, %add3A_9 : i32
    "tpu.region"() ({
      %run_scoped3A = tpu.sem_alloc : memref<!tpu.dma_semaphore, #tpu.memory_space<semaphore_mem>>
      %dma_start3A_172 = arith.constant 0 : i32
      %dma_start3A_173 = tpu.memref_slice %arg6[%add3A_10, %dma_start3A_172] : memref<10240x64xf32, #tpu.memory_space<vmem_shared>> -> memref<128x64xf32, #tpu.memory_space<vmem_shared>>
      %dma_start3A_174 = arith.constant 0 : i32
      %dma_start3A_175 = tpu.memref_slice %arg6[%add3A_10, %dma_start3A_174] : memref<10240x64xf32, #tpu.memory_space<vmem_shared>> -> memref<128x64xf32, #tpu.memory_space<vmem_shared>>
      tpu.enqueue_dma source(%arg7 : memref<128x64xf32, #tpu.memory_space<vmem>>) target(%dma_start3A_175 : memref<128x64xf32, #tpu.memory_space<vmem_shared>>) target_semaphore(%run_scoped3A : memref<!tpu.dma_semaphore, #tpu.memory_space<semaphore_mem>>)
      %dma_wait3A_176 = arith.constant 0 : i32
      %dma_wait3A_177 = tpu.memref_slice %arg6[%add3A_10, %dma_wait3A_176] : memref<10240x64xf32, #tpu.memory_space<vmem_shared>> -> memref<128x64xf32, #tpu.memory_space<vmem_shared>>
      %dma_wait3A_178 = arith.constant 0 : i32
      %dma_wait3A_179 = tpu.memref_slice %arg6[%add3A_10, %dma_wait3A_178] : memref<10240x64xf32, #tpu.memory_space<vmem_shared>> -> memref<128x64xf32, #tpu.memory_space<vmem_shared>>
      tpu.wait_dma2 semaphore(%run_scoped3A : memref<!tpu.dma_semaphore, #tpu.memory_space<semaphore_mem>>) src(%arg7 : memref<128x64xf32, #tpu.memory_space<vmem>>) dst(%dma_wait3A_179 : memref<128x64xf32, #tpu.memory_space<vmem_shared>>)
      tpu.yield
    }) : () -> ()
    %mul3A_11 = arith.constant 640 : i32
    %mul3A_12 = arith.muli %arg1, %mul3A_11 : i32
    %add3A_13 = arith.constant 256 : i32
    %add3A_14 = arith.addi %mul3A_12, %add3A_13 : i32
    "tpu.region"() ({
      %run_scoped3A = tpu.sem_alloc : memref<!tpu.dma_semaphore, #tpu.memory_space<semaphore_mem>>
      %dma_start3A_172 = arith.constant 0 : i32
      %dma_start3A_173 = tpu.memref_slice %arg6[%add3A_14, %dma_start3A_172] : memref<10240x64xf32, #tpu.memory_space<vmem_shared>> -> memref<128x64xf32, #tpu.memory_space<vmem_shared>>
      %dma_start3A_174 = arith.constant 0 : i32
      %dma_start3A_175 = tpu.memref_slice %arg6[%add3A_14, %dma_start3A_174] : memref<10240x64xf32, #tpu.memory_space<vmem_shared>> -> memref<128x64xf32, #tpu.memory_space<vmem_shared>>
      tpu.enqueue_dma source(%arg7 : memref<128x64xf32, #tpu.memory_space<vmem>>) target(%dma_start3A_175 : memref<128x64xf32, #tpu.memory_space<vmem_shared>>) target_semaphore(%run_scoped3A : memref<!tpu.dma_semaphore, #tpu.memory_space<semaphore_mem>>)
      %dma_wait3A_176 = arith.constant 0 : i32
      %dma_wait3A_177 = tpu.memref_slice %arg6[%add3A_14, %dma_wait3A_176] : memref<10240x64xf32, #tpu.memory_space<vmem_shared>> -> memref<128x64xf32, #tpu.memory_space<vmem_shared>>
      %dma_wait3A_178 = arith.constant 0 : i32
      %dma_wait3A_179 = tpu.memref_slice %arg6[%add3A_14, %dma_wait3A_178] : memref<10240x64xf32, #tpu.memory_space<vmem_shared>> -> memref<128x64xf32, #tpu.memory_space<vmem_shared>>
      tpu.wait_dma2 semaphore(%run_scoped3A : memref<!tpu.dma_semaphore, #tpu.memory_space<semaphore_mem>>) src(%arg7 : memref<128x64xf32, #tpu.memory_space<vmem>>) dst(%dma_wait3A_179 : memref<128x64xf32, #tpu.memory_space<vmem_shared>>)
      tpu.yield
    }) : () -> ()
    %mul3A_15 = arith.constant 640 : i32
    %mul3A_16 = arith.muli %arg1, %mul3A_15 : i32
    %add3A_17 = arith.constant 384 : i32
    %add3A_18 = arith.addi %mul3A_16, %add3A_17 : i32
    "tpu.region"() ({
      %run_scoped3A = tpu.sem_alloc : memref<!tpu.dma_semaphore, #tpu.memory_space<semaphore_mem>>
      %dma_start3A_172 = arith.constant 0 : i32
      %dma_start3A_173 = tpu.memref_slice %arg6[%add3A_18, %dma_start3A_172] : memref<10240x64xf32, #tpu.memory_space<vmem_shared>> -> memref<128x64xf32, #tpu.memory_space<vmem_shared>>
      %dma_start3A_174 = arith.constant 0 : i32
      %dma_start3A_175 = tpu.memref_slice %arg6[%add3A_18, %dma_start3A_174] : memref<10240x64xf32, #tpu.memory_space<vmem_shared>> -> memref<128x64xf32, #tpu.memory_space<vmem_shared>>
      tpu.enqueue_dma source(%arg7 : memref<128x64xf32, #tpu.memory_space<vmem>>) target(%dma_start3A_175 : memref<128x64xf32, #tpu.memory_space<vmem_shared>>) target_semaphore(%run_scoped3A : memref<!tpu.dma_semaphore, #tpu.memory_space<semaphore_mem>>)
      %dma_wait3A_176 = arith.constant 0 : i32
      %dma_wait3A_177 = tpu.memref_slice %arg6[%add3A_18, %dma_wait3A_176] : memref<10240x64xf32, #tpu.memory_space<vmem_shared>> -> memref<128x64xf32, #tpu.memory_space<vmem_shared>>
      %dma_wait3A_178 = arith.constant 0 : i32
      %dma_wait3A_179 = tpu.memref_slice %arg6[%add3A_18, %dma_wait3A_178] : memref<10240x64xf32, #tpu.memory_space<vmem_shared>> -> memref<128x64xf32, #tpu.memory_space<vmem_shared>>
      tpu.wait_dma2 semaphore(%run_scoped3A : memref<!tpu.dma_semaphore, #tpu.memory_space<semaphore_mem>>) src(%arg7 : memref<128x64xf32, #tpu.memory_space<vmem>>) dst(%dma_wait3A_179 : memref<128x64xf32, #tpu.memory_space<vmem_shared>>)
      tpu.yield
    }) : () -> ()
    %mul3A_19 = arith.constant 640 : i32
    %mul3A_20 = arith.muli %arg1, %mul3A_19 : i32
    %add3A_21 = arith.constant 512 : i32
    %add3A_22 = arith.addi %mul3A_20, %add3A_21 : i32
    "tpu.region"() ({
      %run_scoped3A = tpu.sem_alloc : memref<!tpu.dma_semaphore, #tpu.memory_space<semaphore_mem>>
      %dma_start3A_172 = arith.constant 0 : i32
      %dma_start3A_173 = tpu.memref_slice %arg6[%add3A_22, %dma_start3A_172] : memref<10240x64xf32, #tpu.memory_space<vmem_shared>> -> memref<128x64xf32, #tpu.memory_space<vmem_shared>>
      %dma_start3A_174 = arith.constant 0 : i32
      %dma_start3A_175 = tpu.memref_slice %arg6[%add3A_22, %dma_start3A_174] : memref<10240x64xf32, #tpu.memory_space<vmem_shared>> -> memref<128x64xf32, #tpu.memory_space<vmem_shared>>
      tpu.enqueue_dma source(%arg7 : memref<128x64xf32, #tpu.memory_space<vmem>>) target(%dma_start3A_175 : memref<128x64xf32, #tpu.memory_space<vmem_shared>>) target_semaphore(%run_scoped3A : memref<!tpu.dma_semaphore, #tpu.memory_space<semaphore_mem>>)
      %dma_wait3A_176 = arith.constant 0 : i32
      %dma_wait3A_177 = tpu.memref_slice %arg6[%add3A_22, %dma_wait3A_176] : memref<10240x64xf32, #tpu.memory_space<vmem_shared>> -> memref<128x64xf32, #tpu.memory_space<vmem_shared>>
      %dma_wait3A_178 = arith.constant 0 : i32
      %dma_wait3A_179 = tpu.memref_slice %arg6[%add3A_22, %dma_wait3A_178] : memref<10240x64xf32, #tpu.memory_space<vmem_shared>> -> memref<128x64xf32, #tpu.memory_space<vmem_shared>>
      tpu.wait_dma2 semaphore(%run_scoped3A : memref<!tpu.dma_semaphore, #tpu.memory_space<semaphore_mem>>) src(%arg7 : memref<128x64xf32, #tpu.memory_space<vmem>>) dst(%dma_wait3A_179 : memref<128x64xf32, #tpu.memory_space<vmem_shared>>)
      tpu.yield
    }) : () -> ()
    %eq3A = arith.constant 0 : i32
    %eq3A_23 = arith.cmpi eq, %arg0, %eq3A : i32
    %jit3A = arith.constant 80 : i32
    %jit3A_24 = arith.constant 80 : i32
    %select_n3A = arith.select %eq3A_23, %jit3A, %jit3A_24 : i32
    %eq3A_25 = arith.constant 0 : i32
    %eq3A_26 = arith.cmpi eq, %arg0, %eq3A_25 : i32
    %mul3A_27 = arith.constant 80 : i32
    %mul3A_28 = arith.muli %arg1, %mul3A_27 : i32
    %mul3A_29 = arith.constant 80 : i32
    %mul3A_30 = arith.muli %arg1, %mul3A_29 : i32
    %add3A_31 = arith.constant 1280 : i32
    %add3A_32 = arith.addi %add3A_31, %mul3A_30 : i32
    %select_n3A_33 = arith.select %eq3A_26, %mul3A_28, %add3A_32 : i32
    %barrier3A = arith.constant 0 : index
    tpu.barrier barrier_id(%barrier3A)
    %add3A_34 = arith.constant 0 : i32
    %add3A_35 = arith.addi %select_n3A_33, %add3A_34 : i32
    %dma_start3A = arith.constant 0 : i32
    %dma_start3A_36 = tpu.memref_slice %arg3[%add3A_35, %dma_start3A] : memref<2560x128xi32, #tpu.memory_space<hbm>> -> memref<1x128xi32, #tpu.memory_space<hbm>>
    %dma_start3A_37 = tpu.memref_squeeze %dma_start3A_36 : memref<1x128xi32, #tpu.memory_space<hbm>> -> memref<128xi32, #tpu.memory_space<hbm>>
    %dma_start3A_38 = arith.constant 0 : i32
    %dma_start3A_39 = tpu.memref_slice %arg3[%add3A_35, %dma_start3A_38] : memref<2560x128xi32, #tpu.memory_space<hbm>> -> memref<1x128xi32, #tpu.memory_space<hbm>>
    %dma_start3A_40 = tpu.memref_squeeze %dma_start3A_39 : memref<1x128xi32, #tpu.memory_space<hbm>> -> memref<128xi32, #tpu.memory_space<hbm>>
    tpu.enqueue_dma source(%dma_start3A_40 : memref<128xi32, #tpu.memory_space<hbm>>) target(%arg11 : memref<128xi32, #tpu.memory_space<vmem>>) target_semaphore(%arg27 : memref<!tpu.dma_semaphore, #tpu.memory_space<semaphore_mem>>)
    %add3A_41 = arith.constant 0 : i32
    %add3A_42 = arith.addi %select_n3A_33, %add3A_41 : i32
    %dma_start3A_43 = arith.constant 0 : i32
    %dma_start3A_44 = tpu.memref_slice %arg4[%add3A_42, %dma_start3A_43] : memref<2560x128xi32, #tpu.memory_space<hbm>> -> memref<1x128xi32, #tpu.memory_space<hbm>>
    %dma_start3A_45 = tpu.memref_squeeze %dma_start3A_44 : memref<1x128xi32, #tpu.memory_space<hbm>> -> memref<128xi32, #tpu.memory_space<hbm>>
    %dma_start3A_46 = arith.constant 0 : i32
    %dma_start3A_47 = tpu.memref_slice %arg4[%add3A_42, %dma_start3A_46] : memref<2560x128xi32, #tpu.memory_space<hbm>> -> memref<1x128xi32, #tpu.memory_space<hbm>>
    %dma_start3A_48 = tpu.memref_squeeze %dma_start3A_47 : memref<1x128xi32, #tpu.memory_space<hbm>> -> memref<128xi32, #tpu.memory_space<hbm>>
    tpu.enqueue_dma source(%dma_start3A_48 : memref<128xi32, #tpu.memory_space<hbm>>) target(%arg15 : memref<128xi32, #tpu.memory_space<vmem>>) target_semaphore(%arg31 : memref<!tpu.dma_semaphore, #tpu.memory_space<semaphore_mem>>)
    %add3A_49 = arith.constant 1 : i32
    %add3A_50 = arith.addi %select_n3A_33, %add3A_49 : i32
    %dma_start3A_51 = arith.constant 0 : i32
    %dma_start3A_52 = tpu.memref_slice %arg3[%add3A_50, %dma_start3A_51] : memref<2560x128xi32, #tpu.memory_space<hbm>> -> memref<1x128xi32, #tpu.memory_space<hbm>>
    %dma_start3A_53 = tpu.memref_squeeze %dma_start3A_52 : memref<1x128xi32, #tpu.memory_space<hbm>> -> memref<128xi32, #tpu.memory_space<hbm>>
    %dma_start3A_54 = arith.constant 0 : i32
    %dma_start3A_55 = tpu.memref_slice %arg3[%add3A_50, %dma_start3A_54] : memref<2560x128xi32, #tpu.memory_space<hbm>> -> memref<1x128xi32, #tpu.memory_space<hbm>>
    %dma_start3A_56 = tpu.memref_squeeze %dma_start3A_55 : memref<1x128xi32, #tpu.memory_space<hbm>> -> memref<128xi32, #tpu.memory_space<hbm>>
    tpu.enqueue_dma source(%dma_start3A_56 : memref<128xi32, #tpu.memory_space<hbm>>) target(%arg12 : memref<128xi32, #tpu.memory_space<vmem>>) target_semaphore(%arg28 : memref<!tpu.dma_semaphore, #tpu.memory_space<semaphore_mem>>)
    %add3A_57 = arith.constant 1 : i32
    %add3A_58 = arith.addi %select_n3A_33, %add3A_57 : i32
    %dma_start3A_59 = arith.constant 0 : i32
    %dma_start3A_60 = tpu.memref_slice %arg4[%add3A_58, %dma_start3A_59] : memref<2560x128xi32, #tpu.memory_space<hbm>> -> memref<1x128xi32, #tpu.memory_space<hbm>>
    %dma_start3A_61 = tpu.memref_squeeze %dma_start3A_60 : memref<1x128xi32, #tpu.memory_space<hbm>> -> memref<128xi32, #tpu.memory_space<hbm>>
    %dma_start3A_62 = arith.constant 0 : i32
    %dma_start3A_63 = tpu.memref_slice %arg4[%add3A_58, %dma_start3A_62] : memref<2560x128xi32, #tpu.memory_space<hbm>> -> memref<1x128xi32, #tpu.memory_space<hbm>>
    %dma_start3A_64 = tpu.memref_squeeze %dma_start3A_63 : memref<1x128xi32, #tpu.memory_space<hbm>> -> memref<128xi32, #tpu.memory_space<hbm>>
    tpu.enqueue_dma source(%dma_start3A_64 : memref<128xi32, #tpu.memory_space<hbm>>) target(%arg16 : memref<128xi32, #tpu.memory_space<vmem>>) target_semaphore(%arg32 : memref<!tpu.dma_semaphore, #tpu.memory_space<semaphore_mem>>)
    %add3A_65 = arith.constant 2 : i32
    %add3A_66 = arith.addi %select_n3A_33, %add3A_65 : i32
    %dma_start3A_67 = arith.constant 0 : i32
    %dma_start3A_68 = tpu.memref_slice %arg3[%add3A_66, %dma_start3A_67] : memref<2560x128xi32, #tpu.memory_space<hbm>> -> memref<1x128xi32, #tpu.memory_space<hbm>>
    %dma_start3A_69 = tpu.memref_squeeze %dma_start3A_68 : memref<1x128xi32, #tpu.memory_space<hbm>> -> memref<128xi32, #tpu.memory_space<hbm>>
    %dma_start3A_70 = arith.constant 0 : i32
    %dma_start3A_71 = tpu.memref_slice %arg3[%add3A_66, %dma_start3A_70] : memref<2560x128xi32, #tpu.memory_space<hbm>> -> memref<1x128xi32, #tpu.memory_space<hbm>>
    %dma_start3A_72 = tpu.memref_squeeze %dma_start3A_71 : memref<1x128xi32, #tpu.memory_space<hbm>> -> memref<128xi32, #tpu.memory_space<hbm>>
    tpu.enqueue_dma source(%dma_start3A_72 : memref<128xi32, #tpu.memory_space<hbm>>) target(%arg13 : memref<128xi32, #tpu.memory_space<vmem>>) target_semaphore(%arg29 : memref<!tpu.dma_semaphore, #tpu.memory_space<semaphore_mem>>)
    %add3A_73 = arith.constant 2 : i32
    %add3A_74 = arith.addi %select_n3A_33, %add3A_73 : i32
    %dma_start3A_75 = arith.constant 0 : i32
    %dma_start3A_76 = tpu.memref_slice %arg4[%add3A_74, %dma_start3A_75] : memref<2560x128xi32, #tpu.memory_space<hbm>> -> memref<1x128xi32, #tpu.memory_space<hbm>>
    %dma_start3A_77 = tpu.memref_squeeze %dma_start3A_76 : memref<1x128xi32, #tpu.memory_space<hbm>> -> memref<128xi32, #tpu.memory_space<hbm>>
    %dma_start3A_78 = arith.constant 0 : i32
    %dma_start3A_79 = tpu.memref_slice %arg4[%add3A_74, %dma_start3A_78] : memref<2560x128xi32, #tpu.memory_space<hbm>> -> memref<1x128xi32, #tpu.memory_space<hbm>>
    %dma_start3A_80 = tpu.memref_squeeze %dma_start3A_79 : memref<1x128xi32, #tpu.memory_space<hbm>> -> memref<128xi32, #tpu.memory_space<hbm>>
    tpu.enqueue_dma source(%dma_start3A_80 : memref<128xi32, #tpu.memory_space<hbm>>) target(%arg17 : memref<128xi32, #tpu.memory_space<vmem>>) target_semaphore(%arg33 : memref<!tpu.dma_semaphore, #tpu.memory_space<semaphore_mem>>)
    %add3A_81 = arith.constant 3 : i32
    %add3A_82 = arith.addi %select_n3A_33, %add3A_81 : i32
    %dma_start3A_83 = arith.constant 0 : i32
    %dma_start3A_84 = tpu.memref_slice %arg3[%add3A_82, %dma_start3A_83] : memref<2560x128xi32, #tpu.memory_space<hbm>> -> memref<1x128xi32, #tpu.memory_space<hbm>>
    %dma_start3A_85 = tpu.memref_squeeze %dma_start3A_84 : memref<1x128xi32, #tpu.memory_space<hbm>> -> memref<128xi32, #tpu.memory_space<hbm>>
    %dma_start3A_86 = arith.constant 0 : i32
    %dma_start3A_87 = tpu.memref_slice %arg3[%add3A_82, %dma_start3A_86] : memref<2560x128xi32, #tpu.memory_space<hbm>> -> memref<1x128xi32, #tpu.memory_space<hbm>>
    %dma_start3A_88 = tpu.memref_squeeze %dma_start3A_87 : memref<1x128xi32, #tpu.memory_space<hbm>> -> memref<128xi32, #tpu.memory_space<hbm>>
    tpu.enqueue_dma source(%dma_start3A_88 : memref<128xi32, #tpu.memory_space<hbm>>) target(%arg14 : memref<128xi32, #tpu.memory_space<vmem>>) target_semaphore(%arg30 : memref<!tpu.dma_semaphore, #tpu.memory_space<semaphore_mem>>)
    %add3A_89 = arith.constant 3 : i32
    %add3A_90 = arith.addi %select_n3A_33, %add3A_89 : i32
    %dma_start3A_91 = arith.constant 0 : i32
    %dma_start3A_92 = tpu.memref_slice %arg4[%add3A_90, %dma_start3A_91] : memref<2560x128xi32, #tpu.memory_space<hbm>> -> memref<1x128xi32, #tpu.memory_space<hbm>>
    %dma_start3A_93 = tpu.memref_squeeze %dma_start3A_92 : memref<1x128xi32, #tpu.memory_space<hbm>> -> memref<128xi32, #tpu.memory_space<hbm>>
    %dma_start3A_94 = arith.constant 0 : i32
    %dma_start3A_95 = tpu.memref_slice %arg4[%add3A_90, %dma_start3A_94] : memref<2560x128xi32, #tpu.memory_space<hbm>> -> memref<1x128xi32, #tpu.memory_space<hbm>>
    %dma_start3A_96 = tpu.memref_squeeze %dma_start3A_95 : memref<1x128xi32, #tpu.memory_space<hbm>> -> memref<128xi32, #tpu.memory_space<hbm>>
    tpu.enqueue_dma source(%dma_start3A_96 : memref<128xi32, #tpu.memory_space<hbm>>) target(%arg18 : memref<128xi32, #tpu.memory_space<vmem>>) target_semaphore(%arg34 : memref<!tpu.dma_semaphore, #tpu.memory_space<semaphore_mem>>)
    %add3A_97 = arith.constant 0 : i32
    %add3A_98 = arith.addi %select_n3A_33, %add3A_97 : i32
    %dma_wait3A = arith.constant 0 : i32
    %dma_wait3A_99 = tpu.memref_slice %arg3[%add3A_98, %dma_wait3A] : memref<2560x128xi32, #tpu.memory_space<hbm>> -> memref<1x128xi32, #tpu.memory_space<hbm>>
    %dma_wait3A_100 = tpu.memref_squeeze %dma_wait3A_99 : memref<1x128xi32, #tpu.memory_space<hbm>> -> memref<128xi32, #tpu.memory_space<hbm>>
    %dma_wait3A_101 = arith.constant 0 : i32
    %dma_wait3A_102 = tpu.memref_slice %arg3[%add3A_98, %dma_wait3A_101] : memref<2560x128xi32, #tpu.memory_space<hbm>> -> memref<1x128xi32, #tpu.memory_space<hbm>>
    %dma_wait3A_103 = tpu.memref_squeeze %dma_wait3A_102 : memref<1x128xi32, #tpu.memory_space<hbm>> -> memref<128xi32, #tpu.memory_space<hbm>>
    tpu.wait_dma2 semaphore(%arg27 : memref<!tpu.dma_semaphore, #tpu.memory_space<semaphore_mem>>) src(%dma_wait3A_103 : memref<128xi32, #tpu.memory_space<hbm>>) dst(%arg11 : memref<128xi32, #tpu.memory_space<vmem>>)
    %dma_start3A_104 = arith.constant 0 : i32
    %dma_start3A_105 = arith.constant 0 : i32
    %dma_start3A_106 = tpu.memref_slice %arg2[%dma_start3A_104, %dma_start3A_105] : memref<10000x64xf32, #tpu.memory_space<hbm>> -> memref<10000x64xf32, #tpu.memory_space<hbm>>
    tpu.enqueue_indirect_dma source(%dma_start3A_106 : memref<10000x64xf32, #tpu.memory_space<hbm>>) target(%arg7 : memref<128x64xf32, #tpu.memory_space<vmem>>) offsets(%arg11 : memref<128xi32, #tpu.memory_space<vmem>>) semaphore(%arg19 : memref<!tpu.dma_semaphore, #tpu.memory_space<semaphore_mem>>)
    %add3A_107 = arith.constant 1 : i32
    %add3A_108 = arith.addi %select_n3A_33, %add3A_107 : i32
    %dma_wait3A_109 = arith.constant 0 : i32
    %dma_wait3A_110 = tpu.memref_slice %arg3[%add3A_108, %dma_wait3A_109] : memref<2560x128xi32, #tpu.memory_space<hbm>> -> memref<1x128xi32, #tpu.memory_space<hbm>>
    %dma_wait3A_111 = tpu.memref_squeeze %dma_wait3A_110 : memref<1x128xi32, #tpu.memory_space<hbm>> -> memref<128xi32, #tpu.memory_space<hbm>>
    %dma_wait3A_112 = arith.constant 0 : i32
    %dma_wait3A_113 = tpu.memref_slice %arg3[%add3A_108, %dma_wait3A_112] : memref<2560x128xi32, #tpu.memory_space<hbm>> -> memref<1x128xi32, #tpu.memory_space<hbm>>
    %dma_wait3A_114 = tpu.memref_squeeze %dma_wait3A_113 : memref<1x128xi32, #tpu.memory_space<hbm>> -> memref<128xi32, #tpu.memory_space<hbm>>
    tpu.wait_dma2 semaphore(%arg28 : memref<!tpu.dma_semaphore, #tpu.memory_space<semaphore_mem>>) src(%dma_wait3A_114 : memref<128xi32, #tpu.memory_space<hbm>>) dst(%arg12 : memref<128xi32, #tpu.memory_space<vmem>>)
    %dma_start3A_115 = arith.constant 0 : i32
    %dma_start3A_116 = arith.constant 0 : i32
    %dma_start3A_117 = tpu.memref_slice %arg2[%dma_start3A_115, %dma_start3A_116] : memref<10000x64xf32, #tpu.memory_space<hbm>> -> memref<10000x64xf32, #tpu.memory_space<hbm>>
    tpu.enqueue_indirect_dma source(%dma_start3A_117 : memref<10000x64xf32, #tpu.memory_space<hbm>>) target(%arg8 : memref<128x64xf32, #tpu.memory_space<vmem>>) offsets(%arg12 : memref<128xi32, #tpu.memory_space<vmem>>) semaphore(%arg20 : memref<!tpu.dma_semaphore, #tpu.memory_space<semaphore_mem>>)
    %add3A_118 = arith.constant 2 : i32
    %add3A_119 = arith.addi %select_n3A_33, %add3A_118 : i32
    %dma_wait3A_120 = arith.constant 0 : i32
    %dma_wait3A_121 = tpu.memref_slice %arg3[%add3A_119, %dma_wait3A_120] : memref<2560x128xi32, #tpu.memory_space<hbm>> -> memref<1x128xi32, #tpu.memory_space<hbm>>
    %dma_wait3A_122 = tpu.memref_squeeze %dma_wait3A_121 : memref<1x128xi32, #tpu.memory_space<hbm>> -> memref<128xi32, #tpu.memory_space<hbm>>
    %dma_wait3A_123 = arith.constant 0 : i32
    %dma_wait3A_124 = tpu.memref_slice %arg3[%add3A_119, %dma_wait3A_123] : memref<2560x128xi32, #tpu.memory_space<hbm>> -> memref<1x128xi32, #tpu.memory_space<hbm>>
    %dma_wait3A_125 = tpu.memref_squeeze %dma_wait3A_124 : memref<1x128xi32, #tpu.memory_space<hbm>> -> memref<128xi32, #tpu.memory_space<hbm>>
    tpu.wait_dma2 semaphore(%arg29 : memref<!tpu.dma_semaphore, #tpu.memory_space<semaphore_mem>>) src(%dma_wait3A_125 : memref<128xi32, #tpu.memory_space<hbm>>) dst(%arg13 : memref<128xi32, #tpu.memory_space<vmem>>)
    %dma_start3A_126 = arith.constant 0 : i32
    %dma_start3A_127 = arith.constant 0 : i32
    %dma_start3A_128 = tpu.memref_slice %arg2[%dma_start3A_126, %dma_start3A_127] : memref<10000x64xf32, #tpu.memory_space<hbm>> -> memref<10000x64xf32, #tpu.memory_space<hbm>>
    tpu.enqueue_indirect_dma source(%dma_start3A_128 : memref<10000x64xf32, #tpu.memory_space<hbm>>) target(%arg9 : memref<128x64xf32, #tpu.memory_space<vmem>>) offsets(%arg13 : memref<128xi32, #tpu.memory_space<vmem>>) semaphore(%arg21 : memref<!tpu.dma_semaphore, #tpu.memory_space<semaphore_mem>>)
    %add3A_129 = arith.constant 3 : i32
    %add3A_130 = arith.addi %select_n3A_33, %add3A_129 : i32
    %dma_wait3A_131 = arith.constant 0 : i32
    %dma_wait3A_132 = tpu.memref_slice %arg3[%add3A_130, %dma_wait3A_131] : memref<2560x128xi32, #tpu.memory_space<hbm>> -> memref<1x128xi32, #tpu.memory_space<hbm>>
    %dma_wait3A_133 = tpu.memref_squeeze %dma_wait3A_132 : memref<1x128xi32, #tpu.memory_space<hbm>> -> memref<128xi32, #tpu.memory_space<hbm>>
    %dma_wait3A_134 = arith.constant 0 : i32
    %dma_wait3A_135 = tpu.memref_slice %arg3[%add3A_130, %dma_wait3A_134] : memref<2560x128xi32, #tpu.memory_space<hbm>> -> memref<1x128xi32, #tpu.memory_space<hbm>>
    %dma_wait3A_136 = tpu.memref_squeeze %dma_wait3A_135 : memref<1x128xi32, #tpu.memory_space<hbm>> -> memref<128xi32, #tpu.memory_space<hbm>>
    tpu.wait_dma2 semaphore(%arg30 : memref<!tpu.dma_semaphore, #tpu.memory_space<semaphore_mem>>) src(%dma_wait3A_136 : memref<128xi32, #tpu.memory_space<hbm>>) dst(%arg14 : memref<128xi32, #tpu.memory_space<vmem>>)
    %dma_start3A_137 = arith.constant 0 : i32
    %dma_start3A_138 = arith.constant 0 : i32
    %dma_start3A_139 = tpu.memref_slice %arg2[%dma_start3A_137, %dma_start3A_138] : memref<10000x64xf32, #tpu.memory_space<hbm>> -> memref<10000x64xf32, #tpu.memory_space<hbm>>
    tpu.enqueue_indirect_dma source(%dma_start3A_139 : memref<10000x64xf32, #tpu.memory_space<hbm>>) target(%arg10 : memref<128x64xf32, #tpu.memory_space<vmem>>) offsets(%arg14 : memref<128xi32, #tpu.memory_space<vmem>>) semaphore(%arg22 : memref<!tpu.dma_semaphore, #tpu.memory_space<semaphore_mem>>)
    %jit3A_140 = arith.constant 4 : i32
    %div3A = arith.divsi %select_n3A, %jit3A_140 : i32
    %sign3A = arith.constant 0 : i32
    %sign3A_141 = arith.cmpi sgt, %select_n3A, %sign3A : i32
    %sign3A_142 = arith.extui %sign3A_141 : i1 to i32
    %sign3A_143 = arith.constant 0 : i32
    %sign3A_144 = arith.cmpi slt, %select_n3A, %sign3A_143 : i32
    %sign3A_145 = arith.extui %sign3A_144 : i1 to i32
    %sign3A_146 = arith.subi %sign3A_142, %sign3A_145 : i32
    %sign3A_147 = arith.constant 0 : i32
    %sign3A_148 = arith.cmpi sgt, %jit3A_140, %sign3A_147 : i32
    %sign3A_149 = arith.extui %sign3A_148 : i1 to i32
    %sign3A_150 = arith.constant 0 : i32
    %sign3A_151 = arith.cmpi slt, %jit3A_140, %sign3A_150 : i32
    %sign3A_152 = arith.extui %sign3A_151 : i1 to i32
    %sign3A_153 = arith.subi %sign3A_149, %sign3A_152 : i32
    %ne3A = arith.cmpi ne, %sign3A_146, %sign3A_153 : i32
    %rem3A = arith.remsi %select_n3A, %jit3A_140 : i32
    %ne3A_154 = arith.constant 0 : i32
    %ne3A_155 = arith.cmpi ne, %rem3A, %ne3A_154 : i32
    %and3A = arith.andi %ne3A, %ne3A_155 : i1
    %sub3A = arith.constant 1 : i32
    %sub3A_156 = arith.subi %div3A, %sub3A : i32
    %select_n3A_157 = arith.select %and3A, %sub3A_156, %div3A : i32
    %while3A = arith.constant 0 : i32
    %while3A_158 = arith.constant 0 : i32
    %while3A_159 = arith.subi %select_n3A_157, %while3A_158 : i32
    %while3A_160 = arith.addi %while3A_158, %while3A_159 : i32
    %while3A_161 = arith.constant 1 : i32
    %while3A_162 = arith.divsi %while3A_159, %while3A_161 : i32
    %while3A_163 = arith.muli %while3A_162, %while3A_161 : i32
    %while3A_164 = arith.addi %while3A_158, %while3A_163 : i32
    %while3A_165 = arith.constant 1 : i32
    scf.for %while3A_172 = %while3A_158 to %while3A_164 step %while3A_165  : i32 {
      %mul3A_173 = arith.constant 4 : i32
      %mul3A_174 = arith.muli %while3A_172, %mul3A_173 : i32
      %add3A_175 = arith.constant 0 : i32
      %add3A_176 = arith.addi %mul3A_174, %add3A_175 : i32
      %add3A_177 = arith.constant 4 : i32
      %add3A_178 = arith.addi %add3A_176, %add3A_177 : i32
      %dma_wait3A_179 = arith.constant 0 : i32
      %dma_wait3A_180 = arith.constant 0 : i32
      %dma_wait3A_181 = tpu.memref_slice %arg2[%dma_wait3A_179, %dma_wait3A_180] : memref<10000x64xf32, #tpu.memory_space<hbm>> -> memref<10000x64xf32, #tpu.memory_space<hbm>>
      tpu.wait_indirect_dma semaphore(%arg19 : memref<!tpu.dma_semaphore, #tpu.memory_space<semaphore_mem>>) src(%dma_wait3A_181 : memref<10000x64xf32, #tpu.memory_space<hbm>>) dst(%arg7 : memref<128x64xf32, #tpu.memory_space<vmem>>)
      %lt3A = arith.cmpi slt, %add3A_178, %select_n3A : i32
      %convert_element_type3A = arith.extui %lt3A : i1 to i32
      %cond3A = arith.constant 0 : i32
      %cond3A_182 = arith.cmpi ne, %convert_element_type3A, %cond3A : i32
      scf.if %cond3A_182 {
        %add3A_300 = arith.addi %select_n3A_33, %add3A_178 : i32
        %dma_start3A_301 = arith.constant 0 : i32
        %dma_start3A_302 = tpu.memref_slice %arg3[%add3A_300, %dma_start3A_301] : memref<2560x128xi32, #tpu.memory_space<hbm>> -> memref<1x128xi32, #tpu.memory_space<hbm>>
        %dma_start3A_303 = tpu.memref_squeeze %dma_start3A_302 : memref<1x128xi32, #tpu.memory_space<hbm>> -> memref<128xi32, #tpu.memory_space<hbm>>
        %dma_start3A_304 = arith.constant 0 : i32
        %dma_start3A_305 = tpu.memref_slice %arg3[%add3A_300, %dma_start3A_304] : memref<2560x128xi32, #tpu.memory_space<hbm>> -> memref<1x128xi32, #tpu.memory_space<hbm>>
        %dma_start3A_306 = tpu.memref_squeeze %dma_start3A_305 : memref<1x128xi32, #tpu.memory_space<hbm>> -> memref<128xi32, #tpu.memory_space<hbm>>
        tpu.enqueue_dma source(%dma_start3A_306 : memref<128xi32, #tpu.memory_space<hbm>>) target(%arg11 : memref<128xi32, #tpu.memory_space<vmem>>) target_semaphore(%arg27 : memref<!tpu.dma_semaphore, #tpu.memory_space<semaphore_mem>>)
      } else {
      }
      %add3A_183 = arith.addi %select_n3A_33, %add3A_176 : i32
      %dma_wait3A_184 = arith.constant 0 : i32
      %dma_wait3A_185 = tpu.memref_slice %arg4[%add3A_183, %dma_wait3A_184] : memref<2560x128xi32, #tpu.memory_space<hbm>> -> memref<1x128xi32, #tpu.memory_space<hbm>>
      %dma_wait3A_186 = tpu.memref_squeeze %dma_wait3A_185 : memref<1x128xi32, #tpu.memory_space<hbm>> -> memref<128xi32, #tpu.memory_space<hbm>>
      %dma_wait3A_187 = arith.constant 0 : i32
      %dma_wait3A_188 = tpu.memref_slice %arg4[%add3A_183, %dma_wait3A_187] : memref<2560x128xi32, #tpu.memory_space<hbm>> -> memref<1x128xi32, #tpu.memory_space<hbm>>
      %dma_wait3A_189 = tpu.memref_squeeze %dma_wait3A_188 : memref<1x128xi32, #tpu.memory_space<hbm>> -> memref<128xi32, #tpu.memory_space<hbm>>
      tpu.wait_dma2 semaphore(%arg31 : memref<!tpu.dma_semaphore, #tpu.memory_space<semaphore_mem>>) src(%dma_wait3A_189 : memref<128xi32, #tpu.memory_space<hbm>>) dst(%arg15 : memref<128xi32, #tpu.memory_space<vmem>>)
      %dma_start3A_190 = arith.constant 0 : i32
      %dma_start3A_191 = arith.constant 0 : i32
      %dma_start3A_192 = tpu.memref_slice %arg6[%dma_start3A_190, %dma_start3A_191] : memref<10240x64xf32, #tpu.memory_space<vmem_shared>> -> memref<10240x64xf32, #tpu.memory_space<vmem_shared>>
      tpu.enqueue_indirect_dma source(%arg7 : memref<128x64xf32, #tpu.memory_space<vmem>>) target(%dma_start3A_192 : memref<10240x64xf32, #tpu.memory_space<vmem_shared>>) offsets(%arg15 : memref<128xi32, #tpu.memory_space<vmem>>) semaphore(%arg23 : memref<!tpu.dma_semaphore, #tpu.memory_space<semaphore_mem>>) {add = true}
      %add3A_193 = arith.constant 1 : i32
      %add3A_194 = arith.addi %mul3A_174, %add3A_193 : i32
      %add3A_195 = arith.constant 4 : i32
      %add3A_196 = arith.addi %add3A_194, %add3A_195 : i32
      %dma_wait3A_197 = arith.constant 0 : i32
      %dma_wait3A_198 = arith.constant 0 : i32
      %dma_wait3A_199 = tpu.memref_slice %arg2[%dma_wait3A_197, %dma_wait3A_198] : memref<10000x64xf32, #tpu.memory_space<hbm>> -> memref<10000x64xf32, #tpu.memory_space<hbm>>
      tpu.wait_indirect_dma semaphore(%arg20 : memref<!tpu.dma_semaphore, #tpu.memory_space<semaphore_mem>>) src(%dma_wait3A_199 : memref<10000x64xf32, #tpu.memory_space<hbm>>) dst(%arg8 : memref<128x64xf32, #tpu.memory_space<vmem>>)
      %lt3A_200 = arith.cmpi slt, %add3A_196, %select_n3A : i32
      %convert_element_type3A_201 = arith.extui %lt3A_200 : i1 to i32
      %cond3A_202 = arith.constant 0 : i32
      %cond3A_203 = arith.cmpi ne, %convert_element_type3A_201, %cond3A_202 : i32
      scf.if %cond3A_203 {
        %add3A_300 = arith.addi %select_n3A_33, %add3A_196 : i32
        %dma_start3A_301 = arith.constant 0 : i32
        %dma_start3A_302 = tpu.memref_slice %arg3[%add3A_300, %dma_start3A_301] : memref<2560x128xi32, #tpu.memory_space<hbm>> -> memref<1x128xi32, #tpu.memory_space<hbm>>
        %dma_start3A_303 = tpu.memref_squeeze %dma_start3A_302 : memref<1x128xi32, #tpu.memory_space<hbm>> -> memref<128xi32, #tpu.memory_space<hbm>>
        %dma_start3A_304 = arith.constant 0 : i32
        %dma_start3A_305 = tpu.memref_slice %arg3[%add3A_300, %dma_start3A_304] : memref<2560x128xi32, #tpu.memory_space<hbm>> -> memref<1x128xi32, #tpu.memory_space<hbm>>
        %dma_start3A_306 = tpu.memref_squeeze %dma_start3A_305 : memref<1x128xi32, #tpu.memory_space<hbm>> -> memref<128xi32, #tpu.memory_space<hbm>>
        tpu.enqueue_dma source(%dma_start3A_306 : memref<128xi32, #tpu.memory_space<hbm>>) target(%arg12 : memref<128xi32, #tpu.memory_space<vmem>>) target_semaphore(%arg28 : memref<!tpu.dma_semaphore, #tpu.memory_space<semaphore_mem>>)
      } else {
      }
      %add3A_204 = arith.addi %select_n3A_33, %add3A_194 : i32
      %dma_wait3A_205 = arith.constant 0 : i32
      %dma_wait3A_206 = tpu.memref_slice %arg4[%add3A_204, %dma_wait3A_205] : memref<2560x128xi32, #tpu.memory_space<hbm>> -> memref<1x128xi32, #tpu.memory_space<hbm>>
      %dma_wait3A_207 = tpu.memref_squeeze %dma_wait3A_206 : memref<1x128xi32, #tpu.memory_space<hbm>> -> memref<128xi32, #tpu.memory_space<hbm>>
      %dma_wait3A_208 = arith.constant 0 : i32
      %dma_wait3A_209 = tpu.memref_slice %arg4[%add3A_204, %dma_wait3A_208] : memref<2560x128xi32, #tpu.memory_space<hbm>> -> memref<1x128xi32, #tpu.memory_space<hbm>>
      %dma_wait3A_210 = tpu.memref_squeeze %dma_wait3A_209 : memref<1x128xi32, #tpu.memory_space<hbm>> -> memref<128xi32, #tpu.memory_space<hbm>>
      tpu.wait_dma2 semaphore(%arg32 : memref<!tpu.dma_semaphore, #tpu.memory_space<semaphore_mem>>) src(%dma_wait3A_210 : memref<128xi32, #tpu.memory_space<hbm>>) dst(%arg16 : memref<128xi32, #tpu.memory_space<vmem>>)
      %dma_start3A_211 = arith.constant 0 : i32
      %dma_start3A_212 = arith.constant 0 : i32
      %dma_start3A_213 = tpu.memref_slice %arg6[%dma_start3A_211, %dma_start3A_212] : memref<10240x64xf32, #tpu.memory_space<vmem_shared>> -> memref<10240x64xf32, #tpu.memory_space<vmem_shared>>
      tpu.enqueue_indirect_dma source(%arg8 : memref<128x64xf32, #tpu.memory_space<vmem>>) target(%dma_start3A_213 : memref<10240x64xf32, #tpu.memory_space<vmem_shared>>) offsets(%arg16 : memref<128xi32, #tpu.memory_space<vmem>>) semaphore(%arg24 : memref<!tpu.dma_semaphore, #tpu.memory_space<semaphore_mem>>) {add = true}
      %add3A_214 = arith.constant 2 : i32
      %add3A_215 = arith.addi %mul3A_174, %add3A_214 : i32
      %add3A_216 = arith.constant 4 : i32
      %add3A_217 = arith.addi %add3A_215, %add3A_216 : i32
      %dma_wait3A_218 = arith.constant 0 : i32
      %dma_wait3A_219 = arith.constant 0 : i32
      %dma_wait3A_220 = tpu.memref_slice %arg2[%dma_wait3A_218, %dma_wait3A_219] : memref<10000x64xf32, #tpu.memory_space<hbm>> -> memref<10000x64xf32, #tpu.memory_space<hbm>>
      tpu.wait_indirect_dma semaphore(%arg21 : memref<!tpu.dma_semaphore, #tpu.memory_space<semaphore_mem>>) src(%dma_wait3A_220 : memref<10000x64xf32, #tpu.memory_space<hbm>>) dst(%arg9 : memref<128x64xf32, #tpu.memory_space<vmem>>)
      %lt3A_221 = arith.cmpi slt, %add3A_217, %select_n3A : i32
      %convert_element_type3A_222 = arith.extui %lt3A_221 : i1 to i32
      %cond3A_223 = arith.constant 0 : i32
      %cond3A_224 = arith.cmpi ne, %convert_element_type3A_222, %cond3A_223 : i32
      scf.if %cond3A_224 {
        %add3A_300 = arith.addi %select_n3A_33, %add3A_217 : i32
        %dma_start3A_301 = arith.constant 0 : i32
        %dma_start3A_302 = tpu.memref_slice %arg3[%add3A_300, %dma_start3A_301] : memref<2560x128xi32, #tpu.memory_space<hbm>> -> memref<1x128xi32, #tpu.memory_space<hbm>>
        %dma_start3A_303 = tpu.memref_squeeze %dma_start3A_302 : memref<1x128xi32, #tpu.memory_space<hbm>> -> memref<128xi32, #tpu.memory_space<hbm>>
        %dma_start3A_304 = arith.constant 0 : i32
        %dma_start3A_305 = tpu.memref_slice %arg3[%add3A_300, %dma_start3A_304] : memref<2560x128xi32, #tpu.memory_space<hbm>> -> memref<1x128xi32, #tpu.memory_space<hbm>>
        %dma_start3A_306 = tpu.memref_squeeze %dma_start3A_305 : memref<1x128xi32, #tpu.memory_space<hbm>> -> memref<128xi32, #tpu.memory_space<hbm>>
        tpu.enqueue_dma source(%dma_start3A_306 : memref<128xi32, #tpu.memory_space<hbm>>) target(%arg13 : memref<128xi32, #tpu.memory_space<vmem>>) target_semaphore(%arg29 : memref<!tpu.dma_semaphore, #tpu.memory_space<semaphore_mem>>)
      } else {
      }
      %add3A_225 = arith.addi %select_n3A_33, %add3A_215 : i32
      %dma_wait3A_226 = arith.constant 0 : i32
      %dma_wait3A_227 = tpu.memref_slice %arg4[%add3A_225, %dma_wait3A_226] : memref<2560x128xi32, #tpu.memory_space<hbm>> -> memref<1x128xi32, #tpu.memory_space<hbm>>
      %dma_wait3A_228 = tpu.memref_squeeze %dma_wait3A_227 : memref<1x128xi32, #tpu.memory_space<hbm>> -> memref<128xi32, #tpu.memory_space<hbm>>
      %dma_wait3A_229 = arith.constant 0 : i32
      %dma_wait3A_230 = tpu.memref_slice %arg4[%add3A_225, %dma_wait3A_229] : memref<2560x128xi32, #tpu.memory_space<hbm>> -> memref<1x128xi32, #tpu.memory_space<hbm>>
      %dma_wait3A_231 = tpu.memref_squeeze %dma_wait3A_230 : memref<1x128xi32, #tpu.memory_space<hbm>> -> memref<128xi32, #tpu.memory_space<hbm>>
      tpu.wait_dma2 semaphore(%arg33 : memref<!tpu.dma_semaphore, #tpu.memory_space<semaphore_mem>>) src(%dma_wait3A_231 : memref<128xi32, #tpu.memory_space<hbm>>) dst(%arg17 : memref<128xi32, #tpu.memory_space<vmem>>)
      %dma_start3A_232 = arith.constant 0 : i32
      %dma_start3A_233 = arith.constant 0 : i32
      %dma_start3A_234 = tpu.memref_slice %arg6[%dma_start3A_232, %dma_start3A_233] : memref<10240x64xf32, #tpu.memory_space<vmem_shared>> -> memref<10240x64xf32, #tpu.memory_space<vmem_shared>>
      tpu.enqueue_indirect_dma source(%arg9 : memref<128x64xf32, #tpu.memory_space<vmem>>) target(%dma_start3A_234 : memref<10240x64xf32, #tpu.memory_space<vmem_shared>>) offsets(%arg17 : memref<128xi32, #tpu.memory_space<vmem>>) semaphore(%arg25 : memref<!tpu.dma_semaphore, #tpu.memory_space<semaphore_mem>>) {add = true}
      %add3A_235 = arith.constant 3 : i32
      %add3A_236 = arith.addi %mul3A_174, %add3A_235 : i32
      %add3A_237 = arith.constant 4 : i32
      %add3A_238 = arith.addi %add3A_236, %add3A_237 : i32
      %dma_wait3A_239 = arith.constant 0 : i32
      %dma_wait3A_240 = arith.constant 0 : i32
      %dma_wait3A_241 = tpu.memref_slice %arg2[%dma_wait3A_239, %dma_wait3A_240] : memref<10000x64xf32, #tpu.memory_space<hbm>> -> memref<10000x64xf32, #tpu.memory_space<hbm>>
      tpu.wait_indirect_dma semaphore(%arg22 : memref<!tpu.dma_semaphore, #tpu.memory_space<semaphore_mem>>) src(%dma_wait3A_241 : memref<10000x64xf32, #tpu.memory_space<hbm>>) dst(%arg10 : memref<128x64xf32, #tpu.memory_space<vmem>>)
      %lt3A_242 = arith.cmpi slt, %add3A_238, %select_n3A : i32
      %convert_element_type3A_243 = arith.extui %lt3A_242 : i1 to i32
      %cond3A_244 = arith.constant 0 : i32
      %cond3A_245 = arith.cmpi ne, %convert_element_type3A_243, %cond3A_244 : i32
      scf.if %cond3A_245 {
        %add3A_300 = arith.addi %select_n3A_33, %add3A_238 : i32
        %dma_start3A_301 = arith.constant 0 : i32
        %dma_start3A_302 = tpu.memref_slice %arg3[%add3A_300, %dma_start3A_301] : memref<2560x128xi32, #tpu.memory_space<hbm>> -> memref<1x128xi32, #tpu.memory_space<hbm>>
        %dma_start3A_303 = tpu.memref_squeeze %dma_start3A_302 : memref<1x128xi32, #tpu.memory_space<hbm>> -> memref<128xi32, #tpu.memory_space<hbm>>
        %dma_start3A_304 = arith.constant 0 : i32
        %dma_start3A_305 = tpu.memref_slice %arg3[%add3A_300, %dma_start3A_304] : memref<2560x128xi32, #tpu.memory_space<hbm>> -> memref<1x128xi32, #tpu.memory_space<hbm>>
        %dma_start3A_306 = tpu.memref_squeeze %dma_start3A_305 : memref<1x128xi32, #tpu.memory_space<hbm>> -> memref<128xi32, #tpu.memory_space<hbm>>
        tpu.enqueue_dma source(%dma_start3A_306 : memref<128xi32, #tpu.memory_space<hbm>>) target(%arg14 : memref<128xi32, #tpu.memory_space<vmem>>) target_semaphore(%arg30 : memref<!tpu.dma_semaphore, #tpu.memory_space<semaphore_mem>>)
      } else {
      }
      %add3A_246 = arith.addi %select_n3A_33, %add3A_236 : i32
      %dma_wait3A_247 = arith.constant 0 : i32
      %dma_wait3A_248 = tpu.memref_slice %arg4[%add3A_246, %dma_wait3A_247] : memref<2560x128xi32, #tpu.memory_space<hbm>> -> memref<1x128xi32, #tpu.memory_space<hbm>>
      %dma_wait3A_249 = tpu.memref_squeeze %dma_wait3A_248 : memref<1x128xi32, #tpu.memory_space<hbm>> -> memref<128xi32, #tpu.memory_space<hbm>>
      %dma_wait3A_250 = arith.constant 0 : i32
      %dma_wait3A_251 = tpu.memref_slice %arg4[%add3A_246, %dma_wait3A_250] : memref<2560x128xi32, #tpu.memory_space<hbm>> -> memref<1x128xi32, #tpu.memory_space<hbm>>
      %dma_wait3A_252 = tpu.memref_squeeze %dma_wait3A_251 : memref<1x128xi32, #tpu.memory_space<hbm>> -> memref<128xi32, #tpu.memory_space<hbm>>
      tpu.wait_dma2 semaphore(%arg34 : memref<!tpu.dma_semaphore, #tpu.memory_space<semaphore_mem>>) src(%dma_wait3A_252 : memref<128xi32, #tpu.memory_space<hbm>>) dst(%arg18 : memref<128xi32, #tpu.memory_space<vmem>>)
      %dma_start3A_253 = arith.constant 0 : i32
      %dma_start3A_254 = arith.constant 0 : i32
      %dma_start3A_255 = tpu.memref_slice %arg6[%dma_start3A_253, %dma_start3A_254] : memref<10240x64xf32, #tpu.memory_space<vmem_shared>> -> memref<10240x64xf32, #tpu.memory_space<vmem_shared>>
      tpu.enqueue_indirect_dma source(%arg10 : memref<128x64xf32, #tpu.memory_space<vmem>>) target(%dma_start3A_255 : memref<10240x64xf32, #tpu.memory_space<vmem_shared>>) offsets(%arg18 : memref<128xi32, #tpu.memory_space<vmem>>) semaphore(%arg26 : memref<!tpu.dma_semaphore, #tpu.memory_space<semaphore_mem>>) {add = true}
      %add3A_256 = arith.constant 0 : i32
      %add3A_257 = arith.addi %mul3A_174, %add3A_256 : i32
      %add3A_258 = arith.constant 4 : i32
      %add3A_259 = arith.addi %add3A_257, %add3A_258 : i32
      %dma_wait3A_260 = arith.constant 0 : i32
      %dma_wait3A_261 = arith.constant 0 : i32
      %dma_wait3A_262 = tpu.memref_slice %arg6[%dma_wait3A_260, %dma_wait3A_261] : memref<10240x64xf32, #tpu.memory_space<vmem_shared>> -> memref<10240x64xf32, #tpu.memory_space<vmem_shared>>
      tpu.wait_indirect_dma semaphore(%arg23 : memref<!tpu.dma_semaphore, #tpu.memory_space<semaphore_mem>>) src(%arg7 : memref<128x64xf32, #tpu.memory_space<vmem>>) dst(%dma_wait3A_262 : memref<10240x64xf32, #tpu.memory_space<vmem_shared>>)
      %lt3A_263 = arith.cmpi slt, %add3A_259, %select_n3A : i32
      %convert_element_type3A_264 = arith.extui %lt3A_263 : i1 to i32
      %cond3A_265 = arith.constant 0 : i32
      %cond3A_266 = arith.cmpi ne, %convert_element_type3A_264, %cond3A_265 : i32
      scf.if %cond3A_266 {
        %add3A_300 = arith.addi %select_n3A_33, %add3A_259 : i32
        %dma_start3A_301 = arith.constant 0 : i32
        %dma_start3A_302 = tpu.memref_slice %arg4[%add3A_300, %dma_start3A_301] : memref<2560x128xi32, #tpu.memory_space<hbm>> -> memref<1x128xi32, #tpu.memory_space<hbm>>
        %dma_start3A_303 = tpu.memref_squeeze %dma_start3A_302 : memref<1x128xi32, #tpu.memory_space<hbm>> -> memref<128xi32, #tpu.memory_space<hbm>>
        %dma_start3A_304 = arith.constant 0 : i32
        %dma_start3A_305 = tpu.memref_slice %arg4[%add3A_300, %dma_start3A_304] : memref<2560x128xi32, #tpu.memory_space<hbm>> -> memref<1x128xi32, #tpu.memory_space<hbm>>
        %dma_start3A_306 = tpu.memref_squeeze %dma_start3A_305 : memref<1x128xi32, #tpu.memory_space<hbm>> -> memref<128xi32, #tpu.memory_space<hbm>>
        tpu.enqueue_dma source(%dma_start3A_306 : memref<128xi32, #tpu.memory_space<hbm>>) target(%arg15 : memref<128xi32, #tpu.memory_space<vmem>>) target_semaphore(%arg31 : memref<!tpu.dma_semaphore, #tpu.memory_space<semaphore_mem>>)
        %add3A_307 = arith.addi %select_n3A_33, %add3A_259 : i32
        %dma_wait3A_308 = arith.constant 0 : i32
        %dma_wait3A_309 = tpu.memref_slice %arg3[%add3A_307, %dma_wait3A_308] : memref<2560x128xi32, #tpu.memory_space<hbm>> -> memref<1x128xi32, #tpu.memory_space<hbm>>
        %dma_wait3A_310 = tpu.memref_squeeze %dma_wait3A_309 : memref<1x128xi32, #tpu.memory_space<hbm>> -> memref<128xi32, #tpu.memory_space<hbm>>
        %dma_wait3A_311 = arith.constant 0 : i32
        %dma_wait3A_312 = tpu.memref_slice %arg3[%add3A_307, %dma_wait3A_311] : memref<2560x128xi32, #tpu.memory_space<hbm>> -> memref<1x128xi32, #tpu.memory_space<hbm>>
        %dma_wait3A_313 = tpu.memref_squeeze %dma_wait3A_312 : memref<1x128xi32, #tpu.memory_space<hbm>> -> memref<128xi32, #tpu.memory_space<hbm>>
        tpu.wait_dma2 semaphore(%arg27 : memref<!tpu.dma_semaphore, #tpu.memory_space<semaphore_mem>>) src(%dma_wait3A_313 : memref<128xi32, #tpu.memory_space<hbm>>) dst(%arg11 : memref<128xi32, #tpu.memory_space<vmem>>)
        %dma_start3A_314 = arith.constant 0 : i32
        %dma_start3A_315 = arith.constant 0 : i32
        %dma_start3A_316 = tpu.memref_slice %arg2[%dma_start3A_314, %dma_start3A_315] : memref<10000x64xf32, #tpu.memory_space<hbm>> -> memref<10000x64xf32, #tpu.memory_space<hbm>>
        tpu.enqueue_indirect_dma source(%dma_start3A_316 : memref<10000x64xf32, #tpu.memory_space<hbm>>) target(%arg7 : memref<128x64xf32, #tpu.memory_space<vmem>>) offsets(%arg11 : memref<128xi32, #tpu.memory_space<vmem>>) semaphore(%arg19 : memref<!tpu.dma_semaphore, #tpu.memory_space<semaphore_mem>>)
      } else {
      }
      %add3A_267 = arith.constant 1 : i32
      %add3A_268 = arith.addi %mul3A_174, %add3A_267 : i32
      %add3A_269 = arith.constant 4 : i32
      %add3A_270 = arith.addi %add3A_268, %add3A_269 : i32
      %dma_wait3A_271 = arith.constant 0 : i32
      %dma_wait3A_272 = arith.constant 0 : i32
      %dma_wait3A_273 = tpu.memref_slice %arg6[%dma_wait3A_271, %dma_wait3A_272] : memref<10240x64xf32, #tpu.memory_space<vmem_shared>> -> memref<10240x64xf32, #tpu.memory_space<vmem_shared>>
      tpu.wait_indirect_dma semaphore(%arg24 : memref<!tpu.dma_semaphore, #tpu.memory_space<semaphore_mem>>) src(%arg8 : memref<128x64xf32, #tpu.memory_space<vmem>>) dst(%dma_wait3A_273 : memref<10240x64xf32, #tpu.memory_space<vmem_shared>>)
      %lt3A_274 = arith.cmpi slt, %add3A_270, %select_n3A : i32
      %convert_element_type3A_275 = arith.extui %lt3A_274 : i1 to i32
      %cond3A_276 = arith.constant 0 : i32
      %cond3A_277 = arith.cmpi ne, %convert_element_type3A_275, %cond3A_276 : i32
      scf.if %cond3A_277 {
        %add3A_300 = arith.addi %select_n3A_33, %add3A_270 : i32
        %dma_start3A_301 = arith.constant 0 : i32
        %dma_start3A_302 = tpu.memref_slice %arg4[%add3A_300, %dma_start3A_301] : memref<2560x128xi32, #tpu.memory_space<hbm>> -> memref<1x128xi32, #tpu.memory_space<hbm>>
        %dma_start3A_303 = tpu.memref_squeeze %dma_start3A_302 : memref<1x128xi32, #tpu.memory_space<hbm>> -> memref<128xi32, #tpu.memory_space<hbm>>
        %dma_start3A_304 = arith.constant 0 : i32
        %dma_start3A_305 = tpu.memref_slice %arg4[%add3A_300, %dma_start3A_304] : memref<2560x128xi32, #tpu.memory_space<hbm>> -> memref<1x128xi32, #tpu.memory_space<hbm>>
        %dma_start3A_306 = tpu.memref_squeeze %dma_start3A_305 : memref<1x128xi32, #tpu.memory_space<hbm>> -> memref<128xi32, #tpu.memory_space<hbm>>
        tpu.enqueue_dma source(%dma_start3A_306 : memref<128xi32, #tpu.memory_space<hbm>>) target(%arg16 : memref<128xi32, #tpu.memory_space<vmem>>) target_semaphore(%arg32 : memref<!tpu.dma_semaphore, #tpu.memory_space<semaphore_mem>>)
        %add3A_307 = arith.addi %select_n3A_33, %add3A_270 : i32
        %dma_wait3A_308 = arith.constant 0 : i32
        %dma_wait3A_309 = tpu.memref_slice %arg3[%add3A_307, %dma_wait3A_308] : memref<2560x128xi32, #tpu.memory_space<hbm>> -> memref<1x128xi32, #tpu.memory_space<hbm>>
        %dma_wait3A_310 = tpu.memref_squeeze %dma_wait3A_309 : memref<1x128xi32, #tpu.memory_space<hbm>> -> memref<128xi32, #tpu.memory_space<hbm>>
        %dma_wait3A_311 = arith.constant 0 : i32
        %dma_wait3A_312 = tpu.memref_slice %arg3[%add3A_307, %dma_wait3A_311] : memref<2560x128xi32, #tpu.memory_space<hbm>> -> memref<1x128xi32, #tpu.memory_space<hbm>>
        %dma_wait3A_313 = tpu.memref_squeeze %dma_wait3A_312 : memref<1x128xi32, #tpu.memory_space<hbm>> -> memref<128xi32, #tpu.memory_space<hbm>>
        tpu.wait_dma2 semaphore(%arg28 : memref<!tpu.dma_semaphore, #tpu.memory_space<semaphore_mem>>) src(%dma_wait3A_313 : memref<128xi32, #tpu.memory_space<hbm>>) dst(%arg12 : memref<128xi32, #tpu.memory_space<vmem>>)
        %dma_start3A_314 = arith.constant 0 : i32
        %dma_start3A_315 = arith.constant 0 : i32
        %dma_start3A_316 = tpu.memref_slice %arg2[%dma_start3A_314, %dma_start3A_315] : memref<10000x64xf32, #tpu.memory_space<hbm>> -> memref<10000x64xf32, #tpu.memory_space<hbm>>
        tpu.enqueue_indirect_dma source(%dma_start3A_316 : memref<10000x64xf32, #tpu.memory_space<hbm>>) target(%arg8 : memref<128x64xf32, #tpu.memory_space<vmem>>) offsets(%arg12 : memref<128xi32, #tpu.memory_space<vmem>>) semaphore(%arg20 : memref<!tpu.dma_semaphore, #tpu.memory_space<semaphore_mem>>)
      } else {
      }
      %add3A_278 = arith.constant 2 : i32
      %add3A_279 = arith.addi %mul3A_174, %add3A_278 : i32
      %add3A_280 = arith.constant 4 : i32
      %add3A_281 = arith.addi %add3A_279, %add3A_280 : i32
      %dma_wait3A_282 = arith.constant 0 : i32
      %dma_wait3A_283 = arith.constant 0 : i32
      %dma_wait3A_284 = tpu.memref_slice %arg6[%dma_wait3A_282, %dma_wait3A_283] : memref<10240x64xf32, #tpu.memory_space<vmem_shared>> -> memref<10240x64xf32, #tpu.memory_space<vmem_shared>>
      tpu.wait_indirect_dma semaphore(%arg25 : memref<!tpu.dma_semaphore, #tpu.memory_space<semaphore_mem>>) src(%arg9 : memref<128x64xf32, #tpu.memory_space<vmem>>) dst(%dma_wait3A_284 : memref<10240x64xf32, #tpu.memory_space<vmem_shared>>)
      %lt3A_285 = arith.cmpi slt, %add3A_281, %select_n3A : i32
      %convert_element_type3A_286 = arith.extui %lt3A_285 : i1 to i32
      %cond3A_287 = arith.constant 0 : i32
      %cond3A_288 = arith.cmpi ne, %convert_element_type3A_286, %cond3A_287 : i32
      scf.if %cond3A_288 {
        %add3A_300 = arith.addi %select_n3A_33, %add3A_281 : i32
        %dma_start3A_301 = arith.constant 0 : i32
        %dma_start3A_302 = tpu.memref_slice %arg4[%add3A_300, %dma_start3A_301] : memref<2560x128xi32, #tpu.memory_space<hbm>> -> memref<1x128xi32, #tpu.memory_space<hbm>>
        %dma_start3A_303 = tpu.memref_squeeze %dma_start3A_302 : memref<1x128xi32, #tpu.memory_space<hbm>> -> memref<128xi32, #tpu.memory_space<hbm>>
        %dma_start3A_304 = arith.constant 0 : i32
        %dma_start3A_305 = tpu.memref_slice %arg4[%add3A_300, %dma_start3A_304] : memref<2560x128xi32, #tpu.memory_space<hbm>> -> memref<1x128xi32, #tpu.memory_space<hbm>>
        %dma_start3A_306 = tpu.memref_squeeze %dma_start3A_305 : memref<1x128xi32, #tpu.memory_space<hbm>> -> memref<128xi32, #tpu.memory_space<hbm>>
        tpu.enqueue_dma source(%dma_start3A_306 : memref<128xi32, #tpu.memory_space<hbm>>) target(%arg17 : memref<128xi32, #tpu.memory_space<vmem>>) target_semaphore(%arg33 : memref<!tpu.dma_semaphore, #tpu.memory_space<semaphore_mem>>)
        %add3A_307 = arith.addi %select_n3A_33, %add3A_281 : i32
        %dma_wait3A_308 = arith.constant 0 : i32
        %dma_wait3A_309 = tpu.memref_slice %arg3[%add3A_307, %dma_wait3A_308] : memref<2560x128xi32, #tpu.memory_space<hbm>> -> memref<1x128xi32, #tpu.memory_space<hbm>>
        %dma_wait3A_310 = tpu.memref_squeeze %dma_wait3A_309 : memref<1x128xi32, #tpu.memory_space<hbm>> -> memref<128xi32, #tpu.memory_space<hbm>>
        %dma_wait3A_311 = arith.constant 0 : i32
        %dma_wait3A_312 = tpu.memref_slice %arg3[%add3A_307, %dma_wait3A_311] : memref<2560x128xi32, #tpu.memory_space<hbm>> -> memref<1x128xi32, #tpu.memory_space<hbm>>
        %dma_wait3A_313 = tpu.memref_squeeze %dma_wait3A_312 : memref<1x128xi32, #tpu.memory_space<hbm>> -> memref<128xi32, #tpu.memory_space<hbm>>
        tpu.wait_dma2 semaphore(%arg29 : memref<!tpu.dma_semaphore, #tpu.memory_space<semaphore_mem>>) src(%dma_wait3A_313 : memref<128xi32, #tpu.memory_space<hbm>>) dst(%arg13 : memref<128xi32, #tpu.memory_space<vmem>>)
        %dma_start3A_314 = arith.constant 0 : i32
        %dma_start3A_315 = arith.constant 0 : i32
        %dma_start3A_316 = tpu.memref_slice %arg2[%dma_start3A_314, %dma_start3A_315] : memref<10000x64xf32, #tpu.memory_space<hbm>> -> memref<10000x64xf32, #tpu.memory_space<hbm>>
        tpu.enqueue_indirect_dma source(%dma_start3A_316 : memref<10000x64xf32, #tpu.memory_space<hbm>>) target(%arg9 : memref<128x64xf32, #tpu.memory_space<vmem>>) offsets(%arg13 : memref<128xi32, #tpu.memory_space<vmem>>) semaphore(%arg21 : memref<!tpu.dma_semaphore, #tpu.memory_space<semaphore_mem>>)
      } else {
      }
      %add3A_289 = arith.constant 3 : i32
      %add3A_290 = arith.addi %mul3A_174, %add3A_289 : i32
      %add3A_291 = arith.constant 4 : i32
      %add3A_292 = arith.addi %add3A_290, %add3A_291 : i32
      %dma_wait3A_293 = arith.constant 0 : i32
      %dma_wait3A_294 = arith.constant 0 : i32
      %dma_wait3A_295 = tpu.memref_slice %arg6[%dma_wait3A_293, %dma_wait3A_294] : memref<10240x64xf32, #tpu.memory_space<vmem_shared>> -> memref<10240x64xf32, #tpu.memory_space<vmem_shared>>
      tpu.wait_indirect_dma semaphore(%arg26 : memref<!tpu.dma_semaphore, #tpu.memory_space<semaphore_mem>>) src(%arg10 : memref<128x64xf32, #tpu.memory_space<vmem>>) dst(%dma_wait3A_295 : memref<10240x64xf32, #tpu.memory_space<vmem_shared>>)
      %lt3A_296 = arith.cmpi slt, %add3A_292, %select_n3A : i32
      %convert_element_type3A_297 = arith.extui %lt3A_296 : i1 to i32
      %cond3A_298 = arith.constant 0 : i32
      %cond3A_299 = arith.cmpi ne, %convert_element_type3A_297, %cond3A_298 : i32
      scf.if %cond3A_299 {
        %add3A_300 = arith.addi %select_n3A_33, %add3A_292 : i32
        %dma_start3A_301 = arith.constant 0 : i32
        %dma_start3A_302 = tpu.memref_slice %arg4[%add3A_300, %dma_start3A_301] : memref<2560x128xi32, #tpu.memory_space<hbm>> -> memref<1x128xi32, #tpu.memory_space<hbm>>
        %dma_start3A_303 = tpu.memref_squeeze %dma_start3A_302 : memref<1x128xi32, #tpu.memory_space<hbm>> -> memref<128xi32, #tpu.memory_space<hbm>>
        %dma_start3A_304 = arith.constant 0 : i32
        %dma_start3A_305 = tpu.memref_slice %arg4[%add3A_300, %dma_start3A_304] : memref<2560x128xi32, #tpu.memory_space<hbm>> -> memref<1x128xi32, #tpu.memory_space<hbm>>
        %dma_start3A_306 = tpu.memref_squeeze %dma_start3A_305 : memref<1x128xi32, #tpu.memory_space<hbm>> -> memref<128xi32, #tpu.memory_space<hbm>>
        tpu.enqueue_dma source(%dma_start3A_306 : memref<128xi32, #tpu.memory_space<hbm>>) target(%arg18 : memref<128xi32, #tpu.memory_space<vmem>>) target_semaphore(%arg34 : memref<!tpu.dma_semaphore, #tpu.memory_space<semaphore_mem>>)
        %add3A_307 = arith.addi %select_n3A_33, %add3A_292 : i32
        %dma_wait3A_308 = arith.constant 0 : i32
        %dma_wait3A_309 = tpu.memref_slice %arg3[%add3A_307, %dma_wait3A_308] : memref<2560x128xi32, #tpu.memory_space<hbm>> -> memref<1x128xi32, #tpu.memory_space<hbm>>
        %dma_wait3A_310 = tpu.memref_squeeze %dma_wait3A_309 : memref<1x128xi32, #tpu.memory_space<hbm>> -> memref<128xi32, #tpu.memory_space<hbm>>
        %dma_wait3A_311 = arith.constant 0 : i32
        %dma_wait3A_312 = tpu.memref_slice %arg3[%add3A_307, %dma_wait3A_311] : memref<2560x128xi32, #tpu.memory_space<hbm>> -> memref<1x128xi32, #tpu.memory_space<hbm>>
        %dma_wait3A_313 = tpu.memref_squeeze %dma_wait3A_312 : memref<1x128xi32, #tpu.memory_space<hbm>> -> memref<128xi32, #tpu.memory_space<hbm>>
        tpu.wait_dma2 semaphore(%arg30 : memref<!tpu.dma_semaphore, #tpu.memory_space<semaphore_mem>>) src(%dma_wait3A_313 : memref<128xi32, #tpu.memory_space<hbm>>) dst(%arg14 : memref<128xi32, #tpu.memory_space<vmem>>)
        %dma_start3A_314 = arith.constant 0 : i32
        %dma_start3A_315 = arith.constant 0 : i32
        %dma_start3A_316 = tpu.memref_slice %arg2[%dma_start3A_314, %dma_start3A_315] : memref<10000x64xf32, #tpu.memory_space<hbm>> -> memref<10000x64xf32, #tpu.memory_space<hbm>>
        tpu.enqueue_indirect_dma source(%dma_start3A_316 : memref<10000x64xf32, #tpu.memory_space<hbm>>) target(%arg10 : memref<128x64xf32, #tpu.memory_space<vmem>>) offsets(%arg14 : memref<128xi32, #tpu.memory_space<vmem>>) semaphore(%arg22 : memref<!tpu.dma_semaphore, #tpu.memory_space<semaphore_mem>>)
      } else {
      }
    }
    %while3A_166 = arith.constant 1 : i32
    scf.for %while3A_172 = %while3A_164 to %while3A_160 step %while3A_166  : i32 {
      %mul3A_173 = arith.constant 4 : i32
      %mul3A_174 = arith.muli %while3A_172, %mul3A_173 : i32
      %add3A_175 = arith.constant 0 : i32
      %add3A_176 = arith.addi %mul3A_174, %add3A_175 : i32
      %add3A_177 = arith.constant 4 : i32
      %add3A_178 = arith.addi %add3A_176, %add3A_177 : i32
      %dma_wait3A_179 = arith.constant 0 : i32
      %dma_wait3A_180 = arith.constant 0 : i32
      %dma_wait3A_181 = tpu.memref_slice %arg2[%dma_wait3A_179, %dma_wait3A_180] : memref<10000x64xf32, #tpu.memory_space<hbm>> -> memref<10000x64xf32, #tpu.memory_space<hbm>>
      tpu.wait_indirect_dma semaphore(%arg19 : memref<!tpu.dma_semaphore, #tpu.memory_space<semaphore_mem>>) src(%dma_wait3A_181 : memref<10000x64xf32, #tpu.memory_space<hbm>>) dst(%arg7 : memref<128x64xf32, #tpu.memory_space<vmem>>)
      %lt3A = arith.cmpi slt, %add3A_178, %select_n3A : i32
      %convert_element_type3A = arith.extui %lt3A : i1 to i32
      %cond3A = arith.constant 0 : i32
      %cond3A_182 = arith.cmpi ne, %convert_element_type3A, %cond3A : i32
      scf.if %cond3A_182 {
        %add3A_300 = arith.addi %select_n3A_33, %add3A_178 : i32
        %dma_start3A_301 = arith.constant 0 : i32
        %dma_start3A_302 = tpu.memref_slice %arg3[%add3A_300, %dma_start3A_301] : memref<2560x128xi32, #tpu.memory_space<hbm>> -> memref<1x128xi32, #tpu.memory_space<hbm>>
        %dma_start3A_303 = tpu.memref_squeeze %dma_start3A_302 : memref<1x128xi32, #tpu.memory_space<hbm>> -> memref<128xi32, #tpu.memory_space<hbm>>
        %dma_start3A_304 = arith.constant 0 : i32
        %dma_start3A_305 = tpu.memref_slice %arg3[%add3A_300, %dma_start3A_304] : memref<2560x128xi32, #tpu.memory_space<hbm>> -> memref<1x128xi32, #tpu.memory_space<hbm>>
        %dma_start3A_306 = tpu.memref_squeeze %dma_start3A_305 : memref<1x128xi32, #tpu.memory_space<hbm>> -> memref<128xi32, #tpu.memory_space<hbm>>
        tpu.enqueue_dma source(%dma_start3A_306 : memref<128xi32, #tpu.memory_space<hbm>>) target(%arg11 : memref<128xi32, #tpu.memory_space<vmem>>) target_semaphore(%arg27 : memref<!tpu.dma_semaphore, #tpu.memory_space<semaphore_mem>>)
      } else {
      }
      %add3A_183 = arith.addi %select_n3A_33, %add3A_176 : i32
      %dma_wait3A_184 = arith.constant 0 : i32
      %dma_wait3A_185 = tpu.memref_slice %arg4[%add3A_183, %dma_wait3A_184] : memref<2560x128xi32, #tpu.memory_space<hbm>> -> memref<1x128xi32, #tpu.memory_space<hbm>>
      %dma_wait3A_186 = tpu.memref_squeeze %dma_wait3A_185 : memref<1x128xi32, #tpu.memory_space<hbm>> -> memref<128xi32, #tpu.memory_space<hbm>>
      %dma_wait3A_187 = arith.constant 0 : i32
      %dma_wait3A_188 = tpu.memref_slice %arg4[%add3A_183, %dma_wait3A_187] : memref<2560x128xi32, #tpu.memory_space<hbm>> -> memref<1x128xi32, #tpu.memory_space<hbm>>
      %dma_wait3A_189 = tpu.memref_squeeze %dma_wait3A_188 : memref<1x128xi32, #tpu.memory_space<hbm>> -> memref<128xi32, #tpu.memory_space<hbm>>
      tpu.wait_dma2 semaphore(%arg31 : memref<!tpu.dma_semaphore, #tpu.memory_space<semaphore_mem>>) src(%dma_wait3A_189 : memref<128xi32, #tpu.memory_space<hbm>>) dst(%arg15 : memref<128xi32, #tpu.memory_space<vmem>>)
      %dma_start3A_190 = arith.constant 0 : i32
      %dma_start3A_191 = arith.constant 0 : i32
      %dma_start3A_192 = tpu.memref_slice %arg6[%dma_start3A_190, %dma_start3A_191] : memref<10240x64xf32, #tpu.memory_space<vmem_shared>> -> memref<10240x64xf32, #tpu.memory_space<vmem_shared>>
      tpu.enqueue_indirect_dma source(%arg7 : memref<128x64xf32, #tpu.memory_space<vmem>>) target(%dma_start3A_192 : memref<10240x64xf32, #tpu.memory_space<vmem_shared>>) offsets(%arg15 : memref<128xi32, #tpu.memory_space<vmem>>) semaphore(%arg23 : memref<!tpu.dma_semaphore, #tpu.memory_space<semaphore_mem>>) {add = true}
      %add3A_193 = arith.constant 1 : i32
      %add3A_194 = arith.addi %mul3A_174, %add3A_193 : i32
      %add3A_195 = arith.constant 4 : i32
      %add3A_196 = arith.addi %add3A_194, %add3A_195 : i32
      %dma_wait3A_197 = arith.constant 0 : i32
      %dma_wait3A_198 = arith.constant 0 : i32
      %dma_wait3A_199 = tpu.memref_slice %arg2[%dma_wait3A_197, %dma_wait3A_198] : memref<10000x64xf32, #tpu.memory_space<hbm>> -> memref<10000x64xf32, #tpu.memory_space<hbm>>
      tpu.wait_indirect_dma semaphore(%arg20 : memref<!tpu.dma_semaphore, #tpu.memory_space<semaphore_mem>>) src(%dma_wait3A_199 : memref<10000x64xf32, #tpu.memory_space<hbm>>) dst(%arg8 : memref<128x64xf32, #tpu.memory_space<vmem>>)
      %lt3A_200 = arith.cmpi slt, %add3A_196, %select_n3A : i32
      %convert_element_type3A_201 = arith.extui %lt3A_200 : i1 to i32
      %cond3A_202 = arith.constant 0 : i32
      %cond3A_203 = arith.cmpi ne, %convert_element_type3A_201, %cond3A_202 : i32
      scf.if %cond3A_203 {
        %add3A_300 = arith.addi %select_n3A_33, %add3A_196 : i32
        %dma_start3A_301 = arith.constant 0 : i32
        %dma_start3A_302 = tpu.memref_slice %arg3[%add3A_300, %dma_start3A_301] : memref<2560x128xi32, #tpu.memory_space<hbm>> -> memref<1x128xi32, #tpu.memory_space<hbm>>
        %dma_start3A_303 = tpu.memref_squeeze %dma_start3A_302 : memref<1x128xi32, #tpu.memory_space<hbm>> -> memref<128xi32, #tpu.memory_space<hbm>>
        %dma_start3A_304 = arith.constant 0 : i32
        %dma_start3A_305 = tpu.memref_slice %arg3[%add3A_300, %dma_start3A_304] : memref<2560x128xi32, #tpu.memory_space<hbm>> -> memref<1x128xi32, #tpu.memory_space<hbm>>
        %dma_start3A_306 = tpu.memref_squeeze %dma_start3A_305 : memref<1x128xi32, #tpu.memory_space<hbm>> -> memref<128xi32, #tpu.memory_space<hbm>>
        tpu.enqueue_dma source(%dma_start3A_306 : memref<128xi32, #tpu.memory_space<hbm>>) target(%arg12 : memref<128xi32, #tpu.memory_space<vmem>>) target_semaphore(%arg28 : memref<!tpu.dma_semaphore, #tpu.memory_space<semaphore_mem>>)
      } else {
      }
      %add3A_204 = arith.addi %select_n3A_33, %add3A_194 : i32
      %dma_wait3A_205 = arith.constant 0 : i32
      %dma_wait3A_206 = tpu.memref_slice %arg4[%add3A_204, %dma_wait3A_205] : memref<2560x128xi32, #tpu.memory_space<hbm>> -> memref<1x128xi32, #tpu.memory_space<hbm>>
      %dma_wait3A_207 = tpu.memref_squeeze %dma_wait3A_206 : memref<1x128xi32, #tpu.memory_space<hbm>> -> memref<128xi32, #tpu.memory_space<hbm>>
      %dma_wait3A_208 = arith.constant 0 : i32
      %dma_wait3A_209 = tpu.memref_slice %arg4[%add3A_204, %dma_wait3A_208] : memref<2560x128xi32, #tpu.memory_space<hbm>> -> memref<1x128xi32, #tpu.memory_space<hbm>>
      %dma_wait3A_210 = tpu.memref_squeeze %dma_wait3A_209 : memref<1x128xi32, #tpu.memory_space<hbm>> -> memref<128xi32, #tpu.memory_space<hbm>>
      tpu.wait_dma2 semaphore(%arg32 : memref<!tpu.dma_semaphore, #tpu.memory_space<semaphore_mem>>) src(%dma_wait3A_210 : memref<128xi32, #tpu.memory_space<hbm>>) dst(%arg16 : memref<128xi32, #tpu.memory_space<vmem>>)
      %dma_start3A_211 = arith.constant 0 : i32
      %dma_start3A_212 = arith.constant 0 : i32
      %dma_start3A_213 = tpu.memref_slice %arg6[%dma_start3A_211, %dma_start3A_212] : memref<10240x64xf32, #tpu.memory_space<vmem_shared>> -> memref<10240x64xf32, #tpu.memory_space<vmem_shared>>
      tpu.enqueue_indirect_dma source(%arg8 : memref<128x64xf32, #tpu.memory_space<vmem>>) target(%dma_start3A_213 : memref<10240x64xf32, #tpu.memory_space<vmem_shared>>) offsets(%arg16 : memref<128xi32, #tpu.memory_space<vmem>>) semaphore(%arg24 : memref<!tpu.dma_semaphore, #tpu.memory_space<semaphore_mem>>) {add = true}
      %add3A_214 = arith.constant 2 : i32
      %add3A_215 = arith.addi %mul3A_174, %add3A_214 : i32
      %add3A_216 = arith.constant 4 : i32
      %add3A_217 = arith.addi %add3A_215, %add3A_216 : i32
      %dma_wait3A_218 = arith.constant 0 : i32
      %dma_wait3A_219 = arith.constant 0 : i32
      %dma_wait3A_220 = tpu.memref_slice %arg2[%dma_wait3A_218, %dma_wait3A_219] : memref<10000x64xf32, #tpu.memory_space<hbm>> -> memref<10000x64xf32, #tpu.memory_space<hbm>>
      tpu.wait_indirect_dma semaphore(%arg21 : memref<!tpu.dma_semaphore, #tpu.memory_space<semaphore_mem>>) src(%dma_wait3A_220 : memref<10000x64xf32, #tpu.memory_space<hbm>>) dst(%arg9 : memref<128x64xf32, #tpu.memory_space<vmem>>)
      %lt3A_221 = arith.cmpi slt, %add3A_217, %select_n3A : i32
      %convert_element_type3A_222 = arith.extui %lt3A_221 : i1 to i32
      %cond3A_223 = arith.constant 0 : i32
      %cond3A_224 = arith.cmpi ne, %convert_element_type3A_222, %cond3A_223 : i32
      scf.if %cond3A_224 {
        %add3A_300 = arith.addi %select_n3A_33, %add3A_217 : i32
        %dma_start3A_301 = arith.constant 0 : i32
        %dma_start3A_302 = tpu.memref_slice %arg3[%add3A_300, %dma_start3A_301] : memref<2560x128xi32, #tpu.memory_space<hbm>> -> memref<1x128xi32, #tpu.memory_space<hbm>>
        %dma_start3A_303 = tpu.memref_squeeze %dma_start3A_302 : memref<1x128xi32, #tpu.memory_space<hbm>> -> memref<128xi32, #tpu.memory_space<hbm>>
        %dma_start3A_304 = arith.constant 0 : i32
        %dma_start3A_305 = tpu.memref_slice %arg3[%add3A_300, %dma_start3A_304] : memref<2560x128xi32, #tpu.memory_space<hbm>> -> memref<1x128xi32, #tpu.memory_space<hbm>>
        %dma_start3A_306 = tpu.memref_squeeze %dma_start3A_305 : memref<1x128xi32, #tpu.memory_space<hbm>> -> memref<128xi32, #tpu.memory_space<hbm>>
        tpu.enqueue_dma source(%dma_start3A_306 : memref<128xi32, #tpu.memory_space<hbm>>) target(%arg13 : memref<128xi32, #tpu.memory_space<vmem>>) target_semaphore(%arg29 : memref<!tpu.dma_semaphore, #tpu.memory_space<semaphore_mem>>)
      } else {
      }
      %add3A_225 = arith.addi %select_n3A_33, %add3A_215 : i32
      %dma_wait3A_226 = arith.constant 0 : i32
      %dma_wait3A_227 = tpu.memref_slice %arg4[%add3A_225, %dma_wait3A_226] : memref<2560x128xi32, #tpu.memory_space<hbm>> -> memref<1x128xi32, #tpu.memory_space<hbm>>
      %dma_wait3A_228 = tpu.memref_squeeze %dma_wait3A_227 : memref<1x128xi32, #tpu.memory_space<hbm>> -> memref<128xi32, #tpu.memory_space<hbm>>
      %dma_wait3A_229 = arith.constant 0 : i32
      %dma_wait3A_230 = tpu.memref_slice %arg4[%add3A_225, %dma_wait3A_229] : memref<2560x128xi32, #tpu.memory_space<hbm>> -> memref<1x128xi32, #tpu.memory_space<hbm>>
      %dma_wait3A_231 = tpu.memref_squeeze %dma_wait3A_230 : memref<1x128xi32, #tpu.memory_space<hbm>> -> memref<128xi32, #tpu.memory_space<hbm>>
      tpu.wait_dma2 semaphore(%arg33 : memref<!tpu.dma_semaphore, #tpu.memory_space<semaphore_mem>>) src(%dma_wait3A_231 : memref<128xi32, #tpu.memory_space<hbm>>) dst(%arg17 : memref<128xi32, #tpu.memory_space<vmem>>)
      %dma_start3A_232 = arith.constant 0 : i32
      %dma_start3A_233 = arith.constant 0 : i32
      %dma_start3A_234 = tpu.memref_slice %arg6[%dma_start3A_232, %dma_start3A_233] : memref<10240x64xf32, #tpu.memory_space<vmem_shared>> -> memref<10240x64xf32, #tpu.memory_space<vmem_shared>>
      tpu.enqueue_indirect_dma source(%arg9 : memref<128x64xf32, #tpu.memory_space<vmem>>) target(%dma_start3A_234 : memref<10240x64xf32, #tpu.memory_space<vmem_shared>>) offsets(%arg17 : memref<128xi32, #tpu.memory_space<vmem>>) semaphore(%arg25 : memref<!tpu.dma_semaphore, #tpu.memory_space<semaphore_mem>>) {add = true}
      %add3A_235 = arith.constant 3 : i32
      %add3A_236 = arith.addi %mul3A_174, %add3A_235 : i32
      %add3A_237 = arith.constant 4 : i32
      %add3A_238 = arith.addi %add3A_236, %add3A_237 : i32
      %dma_wait3A_239 = arith.constant 0 : i32
      %dma_wait3A_240 = arith.constant 0 : i32
      %dma_wait3A_241 = tpu.memref_slice %arg2[%dma_wait3A_239, %dma_wait3A_240] : memref<10000x64xf32, #tpu.memory_space<hbm>> -> memref<10000x64xf32, #tpu.memory_space<hbm>>
      tpu.wait_indirect_dma semaphore(%arg22 : memref<!tpu.dma_semaphore, #tpu.memory_space<semaphore_mem>>) src(%dma_wait3A_241 : memref<10000x64xf32, #tpu.memory_space<hbm>>) dst(%arg10 : memref<128x64xf32, #tpu.memory_space<vmem>>)
      %lt3A_242 = arith.cmpi slt, %add3A_238, %select_n3A : i32
      %convert_element_type3A_243 = arith.extui %lt3A_242 : i1 to i32
      %cond3A_244 = arith.constant 0 : i32
      %cond3A_245 = arith.cmpi ne, %convert_element_type3A_243, %cond3A_244 : i32
      scf.if %cond3A_245 {
        %add3A_300 = arith.addi %select_n3A_33, %add3A_238 : i32
        %dma_start3A_301 = arith.constant 0 : i32
        %dma_start3A_302 = tpu.memref_slice %arg3[%add3A_300, %dma_start3A_301] : memref<2560x128xi32, #tpu.memory_space<hbm>> -> memref<1x128xi32, #tpu.memory_space<hbm>>
        %dma_start3A_303 = tpu.memref_squeeze %dma_start3A_302 : memref<1x128xi32, #tpu.memory_space<hbm>> -> memref<128xi32, #tpu.memory_space<hbm>>
        %dma_start3A_304 = arith.constant 0 : i32
        %dma_start3A_305 = tpu.memref_slice %arg3[%add3A_300, %dma_start3A_304] : memref<2560x128xi32, #tpu.memory_space<hbm>> -> memref<1x128xi32, #tpu.memory_space<hbm>>
        %dma_start3A_306 = tpu.memref_squeeze %dma_start3A_305 : memref<1x128xi32, #tpu.memory_space<hbm>> -> memref<128xi32, #tpu.memory_space<hbm>>
        tpu.enqueue_dma source(%dma_start3A_306 : memref<128xi32, #tpu.memory_space<hbm>>) target(%arg14 : memref<128xi32, #tpu.memory_space<vmem>>) target_semaphore(%arg30 : memref<!tpu.dma_semaphore, #tpu.memory_space<semaphore_mem>>)
      } else {
      }
      %add3A_246 = arith.addi %select_n3A_33, %add3A_236 : i32
      %dma_wait3A_247 = arith.constant 0 : i32
      %dma_wait3A_248 = tpu.memref_slice %arg4[%add3A_246, %dma_wait3A_247] : memref<2560x128xi32, #tpu.memory_space<hbm>> -> memref<1x128xi32, #tpu.memory_space<hbm>>
      %dma_wait3A_249 = tpu.memref_squeeze %dma_wait3A_248 : memref<1x128xi32, #tpu.memory_space<hbm>> -> memref<128xi32, #tpu.memory_space<hbm>>
      %dma_wait3A_250 = arith.constant 0 : i32
      %dma_wait3A_251 = tpu.memref_slice %arg4[%add3A_246, %dma_wait3A_250] : memref<2560x128xi32, #tpu.memory_space<hbm>> -> memref<1x128xi32, #tpu.memory_space<hbm>>
      %dma_wait3A_252 = tpu.memref_squeeze %dma_wait3A_251 : memref<1x128xi32, #tpu.memory_space<hbm>> -> memref<128xi32, #tpu.memory_space<hbm>>
      tpu.wait_dma2 semaphore(%arg34 : memref<!tpu.dma_semaphore, #tpu.memory_space<semaphore_mem>>) src(%dma_wait3A_252 : memref<128xi32, #tpu.memory_space<hbm>>) dst(%arg18 : memref<128xi32, #tpu.memory_space<vmem>>)
      %dma_start3A_253 = arith.constant 0 : i32
      %dma_start3A_254 = arith.constant 0 : i32
      %dma_start3A_255 = tpu.memref_slice %arg6[%dma_start3A_253, %dma_start3A_254] : memref<10240x64xf32, #tpu.memory_space<vmem_shared>> -> memref<10240x64xf32, #tpu.memory_space<vmem_shared>>
      tpu.enqueue_indirect_dma source(%arg10 : memref<128x64xf32, #tpu.memory_space<vmem>>) target(%dma_start3A_255 : memref<10240x64xf32, #tpu.memory_space<vmem_shared>>) offsets(%arg18 : memref<128xi32, #tpu.memory_space<vmem>>) semaphore(%arg26 : memref<!tpu.dma_semaphore, #tpu.memory_space<semaphore_mem>>) {add = true}
      %add3A_256 = arith.constant 0 : i32
      %add3A_257 = arith.addi %mul3A_174, %add3A_256 : i32
      %add3A_258 = arith.constant 4 : i32
      %add3A_259 = arith.addi %add3A_257, %add3A_258 : i32
      %dma_wait3A_260 = arith.constant 0 : i32
      %dma_wait3A_261 = arith.constant 0 : i32
      %dma_wait3A_262 = tpu.memref_slice %arg6[%dma_wait3A_260, %dma_wait3A_261] : memref<10240x64xf32, #tpu.memory_space<vmem_shared>> -> memref<10240x64xf32, #tpu.memory_space<vmem_shared>>
      tpu.wait_indirect_dma semaphore(%arg23 : memref<!tpu.dma_semaphore, #tpu.memory_space<semaphore_mem>>) src(%arg7 : memref<128x64xf32, #tpu.memory_space<vmem>>) dst(%dma_wait3A_262 : memref<10240x64xf32, #tpu.memory_space<vmem_shared>>)
      %lt3A_263 = arith.cmpi slt, %add3A_259, %select_n3A : i32
      %convert_element_type3A_264 = arith.extui %lt3A_263 : i1 to i32
      %cond3A_265 = arith.constant 0 : i32
      %cond3A_266 = arith.cmpi ne, %convert_element_type3A_264, %cond3A_265 : i32
      scf.if %cond3A_266 {
        %add3A_300 = arith.addi %select_n3A_33, %add3A_259 : i32
        %dma_start3A_301 = arith.constant 0 : i32
        %dma_start3A_302 = tpu.memref_slice %arg4[%add3A_300, %dma_start3A_301] : memref<2560x128xi32, #tpu.memory_space<hbm>> -> memref<1x128xi32, #tpu.memory_space<hbm>>
        %dma_start3A_303 = tpu.memref_squeeze %dma_start3A_302 : memref<1x128xi32, #tpu.memory_space<hbm>> -> memref<128xi32, #tpu.memory_space<hbm>>
        %dma_start3A_304 = arith.constant 0 : i32
        %dma_start3A_305 = tpu.memref_slice %arg4[%add3A_300, %dma_start3A_304] : memref<2560x128xi32, #tpu.memory_space<hbm>> -> memref<1x128xi32, #tpu.memory_space<hbm>>
        %dma_start3A_306 = tpu.memref_squeeze %dma_start3A_305 : memref<1x128xi32, #tpu.memory_space<hbm>> -> memref<128xi32, #tpu.memory_space<hbm>>
        tpu.enqueue_dma source(%dma_start3A_306 : memref<128xi32, #tpu.memory_space<hbm>>) target(%arg15 : memref<128xi32, #tpu.memory_space<vmem>>) target_semaphore(%arg31 : memref<!tpu.dma_semaphore, #tpu.memory_space<semaphore_mem>>)
        %add3A_307 = arith.addi %select_n3A_33, %add3A_259 : i32
        %dma_wait3A_308 = arith.constant 0 : i32
        %dma_wait3A_309 = tpu.memref_slice %arg3[%add3A_307, %dma_wait3A_308] : memref<2560x128xi32, #tpu.memory_space<hbm>> -> memref<1x128xi32, #tpu.memory_space<hbm>>
        %dma_wait3A_310 = tpu.memref_squeeze %dma_wait3A_309 : memref<1x128xi32, #tpu.memory_space<hbm>> -> memref<128xi32, #tpu.memory_space<hbm>>
        %dma_wait3A_311 = arith.constant 0 : i32
        %dma_wait3A_312 = tpu.memref_slice %arg3[%add3A_307, %dma_wait3A_311] : memref<2560x128xi32, #tpu.memory_space<hbm>> -> memref<1x128xi32, #tpu.memory_space<hbm>>
        %dma_wait3A_313 = tpu.memref_squeeze %dma_wait3A_312 : memref<1x128xi32, #tpu.memory_space<hbm>> -> memref<128xi32, #tpu.memory_space<hbm>>
        tpu.wait_dma2 semaphore(%arg27 : memref<!tpu.dma_semaphore, #tpu.memory_space<semaphore_mem>>) src(%dma_wait3A_313 : memref<128xi32, #tpu.memory_space<hbm>>) dst(%arg11 : memref<128xi32, #tpu.memory_space<vmem>>)
        %dma_start3A_314 = arith.constant 0 : i32
        %dma_start3A_315 = arith.constant 0 : i32
        %dma_start3A_316 = tpu.memref_slice %arg2[%dma_start3A_314, %dma_start3A_315] : memref<10000x64xf32, #tpu.memory_space<hbm>> -> memref<10000x64xf32, #tpu.memory_space<hbm>>
        tpu.enqueue_indirect_dma source(%dma_start3A_316 : memref<10000x64xf32, #tpu.memory_space<hbm>>) target(%arg7 : memref<128x64xf32, #tpu.memory_space<vmem>>) offsets(%arg11 : memref<128xi32, #tpu.memory_space<vmem>>) semaphore(%arg19 : memref<!tpu.dma_semaphore, #tpu.memory_space<semaphore_mem>>)
      } else {
      }
      %add3A_267 = arith.constant 1 : i32
      %add3A_268 = arith.addi %mul3A_174, %add3A_267 : i32
      %add3A_269 = arith.constant 4 : i32
      %add3A_270 = arith.addi %add3A_268, %add3A_269 : i32
      %dma_wait3A_271 = arith.constant 0 : i32
      %dma_wait3A_272 = arith.constant 0 : i32
      %dma_wait3A_273 = tpu.memref_slice %arg6[%dma_wait3A_271, %dma_wait3A_272] : memref<10240x64xf32, #tpu.memory_space<vmem_shared>> -> memref<10240x64xf32, #tpu.memory_space<vmem_shared>>
      tpu.wait_indirect_dma semaphore(%arg24 : memref<!tpu.dma_semaphore, #tpu.memory_space<semaphore_mem>>) src(%arg8 : memref<128x64xf32, #tpu.memory_space<vmem>>) dst(%dma_wait3A_273 : memref<10240x64xf32, #tpu.memory_space<vmem_shared>>)
      %lt3A_274 = arith.cmpi slt, %add3A_270, %select_n3A : i32
      %convert_element_type3A_275 = arith.extui %lt3A_274 : i1 to i32
      %cond3A_276 = arith.constant 0 : i32
      %cond3A_277 = arith.cmpi ne, %convert_element_type3A_275, %cond3A_276 : i32
      scf.if %cond3A_277 {
        %add3A_300 = arith.addi %select_n3A_33, %add3A_270 : i32
        %dma_start3A_301 = arith.constant 0 : i32
        %dma_start3A_302 = tpu.memref_slice %arg4[%add3A_300, %dma_start3A_301] : memref<2560x128xi32, #tpu.memory_space<hbm>> -> memref<1x128xi32, #tpu.memory_space<hbm>>
        %dma_start3A_303 = tpu.memref_squeeze %dma_start3A_302 : memref<1x128xi32, #tpu.memory_space<hbm>> -> memref<128xi32, #tpu.memory_space<hbm>>
        %dma_start3A_304 = arith.constant 0 : i32
        %dma_start3A_305 = tpu.memref_slice %arg4[%add3A_300, %dma_start3A_304] : memref<2560x128xi32, #tpu.memory_space<hbm>> -> memref<1x128xi32, #tpu.memory_space<hbm>>
        %dma_start3A_306 = tpu.memref_squeeze %dma_start3A_305 : memref<1x128xi32, #tpu.memory_space<hbm>> -> memref<128xi32, #tpu.memory_space<hbm>>
        tpu.enqueue_dma source(%dma_start3A_306 : memref<128xi32, #tpu.memory_space<hbm>>) target(%arg16 : memref<128xi32, #tpu.memory_space<vmem>>) target_semaphore(%arg32 : memref<!tpu.dma_semaphore, #tpu.memory_space<semaphore_mem>>)
        %add3A_307 = arith.addi %select_n3A_33, %add3A_270 : i32
        %dma_wait3A_308 = arith.constant 0 : i32
        %dma_wait3A_309 = tpu.memref_slice %arg3[%add3A_307, %dma_wait3A_308] : memref<2560x128xi32, #tpu.memory_space<hbm>> -> memref<1x128xi32, #tpu.memory_space<hbm>>
        %dma_wait3A_310 = tpu.memref_squeeze %dma_wait3A_309 : memref<1x128xi32, #tpu.memory_space<hbm>> -> memref<128xi32, #tpu.memory_space<hbm>>
        %dma_wait3A_311 = arith.constant 0 : i32
        %dma_wait3A_312 = tpu.memref_slice %arg3[%add3A_307, %dma_wait3A_311] : memref<2560x128xi32, #tpu.memory_space<hbm>> -> memref<1x128xi32, #tpu.memory_space<hbm>>
        %dma_wait3A_313 = tpu.memref_squeeze %dma_wait3A_312 : memref<1x128xi32, #tpu.memory_space<hbm>> -> memref<128xi32, #tpu.memory_space<hbm>>
        tpu.wait_dma2 semaphore(%arg28 : memref<!tpu.dma_semaphore, #tpu.memory_space<semaphore_mem>>) src(%dma_wait3A_313 : memref<128xi32, #tpu.memory_space<hbm>>) dst(%arg12 : memref<128xi32, #tpu.memory_space<vmem>>)
        %dma_start3A_314 = arith.constant 0 : i32
        %dma_start3A_315 = arith.constant 0 : i32
        %dma_start3A_316 = tpu.memref_slice %arg2[%dma_start3A_314, %dma_start3A_315] : memref<10000x64xf32, #tpu.memory_space<hbm>> -> memref<10000x64xf32, #tpu.memory_space<hbm>>
        tpu.enqueue_indirect_dma source(%dma_start3A_316 : memref<10000x64xf32, #tpu.memory_space<hbm>>) target(%arg8 : memref<128x64xf32, #tpu.memory_space<vmem>>) offsets(%arg12 : memref<128xi32, #tpu.memory_space<vmem>>) semaphore(%arg20 : memref<!tpu.dma_semaphore, #tpu.memory_space<semaphore_mem>>)
      } else {
      }
      %add3A_278 = arith.constant 2 : i32
      %add3A_279 = arith.addi %mul3A_174, %add3A_278 : i32
      %add3A_280 = arith.constant 4 : i32
      %add3A_281 = arith.addi %add3A_279, %add3A_280 : i32
      %dma_wait3A_282 = arith.constant 0 : i32
      %dma_wait3A_283 = arith.constant 0 : i32
      %dma_wait3A_284 = tpu.memref_slice %arg6[%dma_wait3A_282, %dma_wait3A_283] : memref<10240x64xf32, #tpu.memory_space<vmem_shared>> -> memref<10240x64xf32, #tpu.memory_space<vmem_shared>>
      tpu.wait_indirect_dma semaphore(%arg25 : memref<!tpu.dma_semaphore, #tpu.memory_space<semaphore_mem>>) src(%arg9 : memref<128x64xf32, #tpu.memory_space<vmem>>) dst(%dma_wait3A_284 : memref<10240x64xf32, #tpu.memory_space<vmem_shared>>)
      %lt3A_285 = arith.cmpi slt, %add3A_281, %select_n3A : i32
      %convert_element_type3A_286 = arith.extui %lt3A_285 : i1 to i32
      %cond3A_287 = arith.constant 0 : i32
      %cond3A_288 = arith.cmpi ne, %convert_element_type3A_286, %cond3A_287 : i32
      scf.if %cond3A_288 {
        %add3A_300 = arith.addi %select_n3A_33, %add3A_281 : i32
        %dma_start3A_301 = arith.constant 0 : i32
        %dma_start3A_302 = tpu.memref_slice %arg4[%add3A_300, %dma_start3A_301] : memref<2560x128xi32, #tpu.memory_space<hbm>> -> memref<1x128xi32, #tpu.memory_space<hbm>>
        %dma_start3A_303 = tpu.memref_squeeze %dma_start3A_302 : memref<1x128xi32, #tpu.memory_space<hbm>> -> memref<128xi32, #tpu.memory_space<hbm>>
        %dma_start3A_304 = arith.constant 0 : i32
        %dma_start3A_305 = tpu.memref_slice %arg4[%add3A_300, %dma_start3A_304] : memref<2560x128xi32, #tpu.memory_space<hbm>> -> memref<1x128xi32, #tpu.memory_space<hbm>>
        %dma_start3A_306 = tpu.memref_squeeze %dma_start3A_305 : memref<1x128xi32, #tpu.memory_space<hbm>> -> memref<128xi32, #tpu.memory_space<hbm>>
        tpu.enqueue_dma source(%dma_start3A_306 : memref<128xi32, #tpu.memory_space<hbm>>) target(%arg17 : memref<128xi32, #tpu.memory_space<vmem>>) target_semaphore(%arg33 : memref<!tpu.dma_semaphore, #tpu.memory_space<semaphore_mem>>)
        %add3A_307 = arith.addi %select_n3A_33, %add3A_281 : i32
        %dma_wait3A_308 = arith.constant 0 : i32
        %dma_wait3A_309 = tpu.memref_slice %arg3[%add3A_307, %dma_wait3A_308] : memref<2560x128xi32, #tpu.memory_space<hbm>> -> memref<1x128xi32, #tpu.memory_space<hbm>>
        %dma_wait3A_310 = tpu.memref_squeeze %dma_wait3A_309 : memref<1x128xi32, #tpu.memory_space<hbm>> -> memref<128xi32, #tpu.memory_space<hbm>>
        %dma_wait3A_311 = arith.constant 0 : i32
        %dma_wait3A_312 = tpu.memref_slice %arg3[%add3A_307, %dma_wait3A_311] : memref<2560x128xi32, #tpu.memory_space<hbm>> -> memref<1x128xi32, #tpu.memory_space<hbm>>
        %dma_wait3A_313 = tpu.memref_squeeze %dma_wait3A_312 : memref<1x128xi32, #tpu.memory_space<hbm>> -> memref<128xi32, #tpu.memory_space<hbm>>
        tpu.wait_dma2 semaphore(%arg29 : memref<!tpu.dma_semaphore, #tpu.memory_space<semaphore_mem>>) src(%dma_wait3A_313 : memref<128xi32, #tpu.memory_space<hbm>>) dst(%arg13 : memref<128xi32, #tpu.memory_space<vmem>>)
        %dma_start3A_314 = arith.constant 0 : i32
        %dma_start3A_315 = arith.constant 0 : i32
        %dma_start3A_316 = tpu.memref_slice %arg2[%dma_start3A_314, %dma_start3A_315] : memref<10000x64xf32, #tpu.memory_space<hbm>> -> memref<10000x64xf32, #tpu.memory_space<hbm>>
        tpu.enqueue_indirect_dma source(%dma_start3A_316 : memref<10000x64xf32, #tpu.memory_space<hbm>>) target(%arg9 : memref<128x64xf32, #tpu.memory_space<vmem>>) offsets(%arg13 : memref<128xi32, #tpu.memory_space<vmem>>) semaphore(%arg21 : memref<!tpu.dma_semaphore, #tpu.memory_space<semaphore_mem>>)
      } else {
      }
      %add3A_289 = arith.constant 3 : i32
      %add3A_290 = arith.addi %mul3A_174, %add3A_289 : i32
      %add3A_291 = arith.constant 4 : i32
      %add3A_292 = arith.addi %add3A_290, %add3A_291 : i32
      %dma_wait3A_293 = arith.constant 0 : i32
      %dma_wait3A_294 = arith.constant 0 : i32
      %dma_wait3A_295 = tpu.memref_slice %arg6[%dma_wait3A_293, %dma_wait3A_294] : memref<10240x64xf32, #tpu.memory_space<vmem_shared>> -> memref<10240x64xf32, #tpu.memory_space<vmem_shared>>
      tpu.wait_indirect_dma semaphore(%arg26 : memref<!tpu.dma_semaphore, #tpu.memory_space<semaphore_mem>>) src(%arg10 : memref<128x64xf32, #tpu.memory_space<vmem>>) dst(%dma_wait3A_295 : memref<10240x64xf32, #tpu.memory_space<vmem_shared>>)
      %lt3A_296 = arith.cmpi slt, %add3A_292, %select_n3A : i32
      %convert_element_type3A_297 = arith.extui %lt3A_296 : i1 to i32
      %cond3A_298 = arith.constant 0 : i32
      %cond3A_299 = arith.cmpi ne, %convert_element_type3A_297, %cond3A_298 : i32
      scf.if %cond3A_299 {
        %add3A_300 = arith.addi %select_n3A_33, %add3A_292 : i32
        %dma_start3A_301 = arith.constant 0 : i32
        %dma_start3A_302 = tpu.memref_slice %arg4[%add3A_300, %dma_start3A_301] : memref<2560x128xi32, #tpu.memory_space<hbm>> -> memref<1x128xi32, #tpu.memory_space<hbm>>
        %dma_start3A_303 = tpu.memref_squeeze %dma_start3A_302 : memref<1x128xi32, #tpu.memory_space<hbm>> -> memref<128xi32, #tpu.memory_space<hbm>>
        %dma_start3A_304 = arith.constant 0 : i32
        %dma_start3A_305 = tpu.memref_slice %arg4[%add3A_300, %dma_start3A_304] : memref<2560x128xi32, #tpu.memory_space<hbm>> -> memref<1x128xi32, #tpu.memory_space<hbm>>
        %dma_start3A_306 = tpu.memref_squeeze %dma_start3A_305 : memref<1x128xi32, #tpu.memory_space<hbm>> -> memref<128xi32, #tpu.memory_space<hbm>>
        tpu.enqueue_dma source(%dma_start3A_306 : memref<128xi32, #tpu.memory_space<hbm>>) target(%arg18 : memref<128xi32, #tpu.memory_space<vmem>>) target_semaphore(%arg34 : memref<!tpu.dma_semaphore, #tpu.memory_space<semaphore_mem>>)
        %add3A_307 = arith.addi %select_n3A_33, %add3A_292 : i32
        %dma_wait3A_308 = arith.constant 0 : i32
        %dma_wait3A_309 = tpu.memref_slice %arg3[%add3A_307, %dma_wait3A_308] : memref<2560x128xi32, #tpu.memory_space<hbm>> -> memref<1x128xi32, #tpu.memory_space<hbm>>
        %dma_wait3A_310 = tpu.memref_squeeze %dma_wait3A_309 : memref<1x128xi32, #tpu.memory_space<hbm>> -> memref<128xi32, #tpu.memory_space<hbm>>
        %dma_wait3A_311 = arith.constant 0 : i32
        %dma_wait3A_312 = tpu.memref_slice %arg3[%add3A_307, %dma_wait3A_311] : memref<2560x128xi32, #tpu.memory_space<hbm>> -> memref<1x128xi32, #tpu.memory_space<hbm>>
        %dma_wait3A_313 = tpu.memref_squeeze %dma_wait3A_312 : memref<1x128xi32, #tpu.memory_space<hbm>> -> memref<128xi32, #tpu.memory_space<hbm>>
        tpu.wait_dma2 semaphore(%arg30 : memref<!tpu.dma_semaphore, #tpu.memory_space<semaphore_mem>>) src(%dma_wait3A_313 : memref<128xi32, #tpu.memory_space<hbm>>) dst(%arg14 : memref<128xi32, #tpu.memory_space<vmem>>)
        %dma_start3A_314 = arith.constant 0 : i32
        %dma_start3A_315 = arith.constant 0 : i32
        %dma_start3A_316 = tpu.memref_slice %arg2[%dma_start3A_314, %dma_start3A_315] : memref<10000x64xf32, #tpu.memory_space<hbm>> -> memref<10000x64xf32, #tpu.memory_space<hbm>>
        tpu.enqueue_indirect_dma source(%dma_start3A_316 : memref<10000x64xf32, #tpu.memory_space<hbm>>) target(%arg10 : memref<128x64xf32, #tpu.memory_space<vmem>>) offsets(%arg14 : memref<128xi32, #tpu.memory_space<vmem>>) semaphore(%arg22 : memref<!tpu.dma_semaphore, #tpu.memory_space<semaphore_mem>>)
      } else {
      }
    }
    %barrier3A_167 = arith.constant 0 : index
    tpu.barrier barrier_id(%barrier3A_167)
    %mul3A_168 = arith.constant 640 : i32
    %mul3A_169 = arith.muli %arg1, %mul3A_168 : i32
    %mul3A_170 = arith.constant 640 : i32
    %mul3A_171 = arith.muli %arg1, %mul3A_170 : i32
    "tpu.region"() ({
      %run_scoped3A = tpu.sem_alloc : memref<!tpu.dma_semaphore, #tpu.memory_space<semaphore_mem>>
      %dma_start3A_172 = arith.constant 0 : i32
      %dma_start3A_173 = tpu.memref_slice %arg5[%arg0, %mul3A_171, %dma_start3A_172] : memref<2x10240x64xf32, #tpu.memory_space<hbm>> -> memref<1x640x64xf32, #tpu.memory_space<hbm>>
      %dma_start3A_174 = tpu.memref_squeeze %dma_start3A_173 : memref<1x640x64xf32, #tpu.memory_space<hbm>> -> memref<640x64xf32, #tpu.memory_space<hbm>>
      %dma_start3A_175 = arith.constant 0 : i32
      %dma_start3A_176 = tpu.memref_slice %arg6[%mul3A_169, %dma_start3A_175] : memref<10240x64xf32, #tpu.memory_space<vmem_shared>> -> memref<640x64xf32, #tpu.memory_space<vmem_shared>>
      tpu.enqueue_dma source(%dma_start3A_176 : memref<640x64xf32, #tpu.memory_space<vmem_shared>>) target(%dma_start3A_174 : memref<640x64xf32, #tpu.memory_space<hbm>>) target_semaphore(%run_scoped3A : memref<!tpu.dma_semaphore, #tpu.memory_space<semaphore_mem>>)
      %dma_wait3A_177 = arith.constant 0 : i32
      %dma_wait3A_178 = tpu.memref_slice %arg5[%arg0, %mul3A_171, %dma_wait3A_177] : memref<2x10240x64xf32, #tpu.memory_space<hbm>> -> memref<1x640x64xf32, #tpu.memory_space<hbm>>
      %dma_wait3A_179 = tpu.memref_squeeze %dma_wait3A_178 : memref<1x640x64xf32, #tpu.memory_space<hbm>> -> memref<640x64xf32, #tpu.memory_space<hbm>>
      %dma_wait3A_180 = arith.constant 0 : i32
      %dma_wait3A_181 = tpu.memref_slice %arg6[%mul3A_169, %dma_wait3A_180] : memref<10240x64xf32, #tpu.memory_space<vmem_shared>> -> memref<640x64xf32, #tpu.memory_space<vmem_shared>>
      tpu.wait_dma2 semaphore(%run_scoped3A : memref<!tpu.dma_semaphore, #tpu.memory_space<semaphore_mem>>) src(%dma_wait3A_181 : memref<640x64xf32, #tpu.memory_space<vmem_shared>>) dst(%dma_wait3A_179 : memref<640x64xf32, #tpu.memory_space<hbm>>)
      tpu.yield
    }) : () -> ()
    return
  }
}

#map = affine_map<(d0, d1) -> (0, 0)>
#map1 = affine_map<(d0, d1) -> (0, 0, 0)>
module attributes {stable_mosaic.version = 14 : i64} {
  func.func @_deg_call(%arg0: i32, %arg1: i32, %arg2: memref<2560x128xi32, #tpu.memory_space<hbm>>, %arg3: memref<2x10240x32xf32, #tpu.memory_space<hbm>>, %arg4: memref<10240x32xf32, #tpu.memory_space<vmem_shared>>, %arg5: memref<128x32xf32, #tpu.memory_space<vmem>>, %arg6: memref<80x128xi32, #tpu.memory_space<vmem>>, %arg7: memref<!tpu.dma_semaphore, #tpu.memory_space<semaphore_mem>>, %arg8: memref<!tpu.dma_semaphore, #tpu.memory_space<semaphore_mem>>, %arg9: memref<!tpu.dma_semaphore, #tpu.memory_space<semaphore_mem>>, %arg10: memref<!tpu.dma_semaphore, #tpu.memory_space<semaphore_mem>>) attributes {dimension_semantics = [#tpu.dimension_semantics<core_parallel>, #tpu.dimension_semantics<subcore_parallel>], iteration_bounds = array<i64: 2, 16>, scalar_prefetch = 0 : i64, scratch_operands = 7 : i64, tpu.core_type = #tpu.core_type<sc_vector_subcore>, window_params = [{transform_indices = #map}, {transform_indices = #map1}]} {
    %scan3A = arith.constant 0 : i32
    %scan3A_0 = arith.constant 0 : i32
    %scan3A_1 = arith.constant 128 : i32
    %scan3A_2 = arith.addi %scan3A_0, %scan3A_1 : i32
    %scan3A_3 = arith.constant 1 : i32
    scf.for %scan3A_72 = %scan3A_0 to %scan3A_2 step %scan3A_3  : i32 {
      %broadcast_in_dim3A = arith.constant 0.000000e+00 : f32
      %broadcast_in_dim3A_73 = vector.broadcast %broadcast_in_dim3A : f32 to vector<16xf32>
      %swap3A = arith.index_cast %scan3A_72 : i32 to index
      %swap3A_74 = arith.constant 0 : index
      %swap3A_75 = tpu.vector_load %arg5[%swap3A, %swap3A_74] {strides = array<i32>} : memref<128x32xf32, #tpu.memory_space<vmem>>, vector<1x16xf32>,
      %swap3A_76 = vector.shape_cast %swap3A_75 : vector<1x16xf32> to vector<16xf32>
      %swap3A_77 = vector.shape_cast %broadcast_in_dim3A_73 : vector<16xf32> to vector<1x16xf32>
      tpu.vector_store %arg5[%swap3A, %swap3A_74], %swap3A_77 {strides = array<i32>} : memref<128x32xf32, #tpu.memory_space<vmem>>, vector<1x16xf32>,
      %broadcast_in_dim3A_78 = arith.constant 0.000000e+00 : f32
      %broadcast_in_dim3A_79 = vector.broadcast %broadcast_in_dim3A_78 : f32 to vector<16xf32>
      %swap3A_80 = arith.index_cast %scan3A_72 : i32 to index
      %swap3A_81 = arith.constant 16 : index
      %swap3A_82 = tpu.vector_load %arg5[%swap3A_80, %swap3A_81] {strides = array<i32>} : memref<128x32xf32, #tpu.memory_space<vmem>>, vector<1x16xf32>,
      %swap3A_83 = vector.shape_cast %swap3A_82 : vector<1x16xf32> to vector<16xf32>
      %swap3A_84 = vector.shape_cast %broadcast_in_dim3A_79 : vector<16xf32> to vector<1x16xf32>
      tpu.vector_store %arg5[%swap3A_80, %swap3A_81], %swap3A_84 {strides = array<i32>} : memref<128x32xf32, #tpu.memory_space<vmem>>, vector<1x16xf32>,
    }
    %scan3A_4 = arith.constant 128 : i32
    %mul3A = arith.constant 640 : i32
    %mul3A_5 = arith.muli %arg1, %mul3A : i32
    %add3A = arith.constant 0 : i32
    %add3A_6 = arith.addi %mul3A_5, %add3A : i32
    "tpu.region"() ({
      %run_scoped3A = tpu.sem_alloc : memref<!tpu.dma_semaphore, #tpu.memory_space<semaphore_mem>>
      %dma_start3A_72 = arith.constant 0 : i32
      %dma_start3A_73 = tpu.memref_slice %arg4[%add3A_6, %dma_start3A_72] : memref<10240x32xf32, #tpu.memory_space<vmem_shared>> -> memref<128x32xf32, #tpu.memory_space<vmem_shared>>
      %dma_start3A_74 = arith.constant 0 : i32
      %dma_start3A_75 = tpu.memref_slice %arg4[%add3A_6, %dma_start3A_74] : memref<10240x32xf32, #tpu.memory_space<vmem_shared>> -> memref<128x32xf32, #tpu.memory_space<vmem_shared>>
      tpu.enqueue_dma source(%arg5 : memref<128x32xf32, #tpu.memory_space<vmem>>) target(%dma_start3A_75 : memref<128x32xf32, #tpu.memory_space<vmem_shared>>) target_semaphore(%run_scoped3A : memref<!tpu.dma_semaphore, #tpu.memory_space<semaphore_mem>>)
      %dma_wait3A = arith.constant 0 : i32
      %dma_wait3A_76 = tpu.memref_slice %arg4[%add3A_6, %dma_wait3A] : memref<10240x32xf32, #tpu.memory_space<vmem_shared>> -> memref<128x32xf32, #tpu.memory_space<vmem_shared>>
      %dma_wait3A_77 = arith.constant 0 : i32
      %dma_wait3A_78 = tpu.memref_slice %arg4[%add3A_6, %dma_wait3A_77] : memref<10240x32xf32, #tpu.memory_space<vmem_shared>> -> memref<128x32xf32, #tpu.memory_space<vmem_shared>>
      tpu.wait_dma2 semaphore(%run_scoped3A : memref<!tpu.dma_semaphore, #tpu.memory_space<semaphore_mem>>) src(%arg5 : memref<128x32xf32, #tpu.memory_space<vmem>>) dst(%dma_wait3A_78 : memref<128x32xf32, #tpu.memory_space<vmem_shared>>)
      tpu.yield
    }) : () -> ()
    %mul3A_7 = arith.constant 640 : i32
    %mul3A_8 = arith.muli %arg1, %mul3A_7 : i32
    %add3A_9 = arith.constant 128 : i32
    %add3A_10 = arith.addi %mul3A_8, %add3A_9 : i32
    "tpu.region"() ({
      %run_scoped3A = tpu.sem_alloc : memref<!tpu.dma_semaphore, #tpu.memory_space<semaphore_mem>>
      %dma_start3A_72 = arith.constant 0 : i32
      %dma_start3A_73 = tpu.memref_slice %arg4[%add3A_10, %dma_start3A_72] : memref<10240x32xf32, #tpu.memory_space<vmem_shared>> -> memref<128x32xf32, #tpu.memory_space<vmem_shared>>
      %dma_start3A_74 = arith.constant 0 : i32
      %dma_start3A_75 = tpu.memref_slice %arg4[%add3A_10, %dma_start3A_74] : memref<10240x32xf32, #tpu.memory_space<vmem_shared>> -> memref<128x32xf32, #tpu.memory_space<vmem_shared>>
      tpu.enqueue_dma source(%arg5 : memref<128x32xf32, #tpu.memory_space<vmem>>) target(%dma_start3A_75 : memref<128x32xf32, #tpu.memory_space<vmem_shared>>) target_semaphore(%run_scoped3A : memref<!tpu.dma_semaphore, #tpu.memory_space<semaphore_mem>>)
      %dma_wait3A = arith.constant 0 : i32
      %dma_wait3A_76 = tpu.memref_slice %arg4[%add3A_10, %dma_wait3A] : memref<10240x32xf32, #tpu.memory_space<vmem_shared>> -> memref<128x32xf32, #tpu.memory_space<vmem_shared>>
      %dma_wait3A_77 = arith.constant 0 : i32
      %dma_wait3A_78 = tpu.memref_slice %arg4[%add3A_10, %dma_wait3A_77] : memref<10240x32xf32, #tpu.memory_space<vmem_shared>> -> memref<128x32xf32, #tpu.memory_space<vmem_shared>>
      tpu.wait_dma2 semaphore(%run_scoped3A : memref<!tpu.dma_semaphore, #tpu.memory_space<semaphore_mem>>) src(%arg5 : memref<128x32xf32, #tpu.memory_space<vmem>>) dst(%dma_wait3A_78 : memref<128x32xf32, #tpu.memory_space<vmem_shared>>)
      tpu.yield
    }) : () -> ()
    %mul3A_11 = arith.constant 640 : i32
    %mul3A_12 = arith.muli %arg1, %mul3A_11 : i32
    %add3A_13 = arith.constant 256 : i32
    %add3A_14 = arith.addi %mul3A_12, %add3A_13 : i32
    "tpu.region"() ({
      %run_scoped3A = tpu.sem_alloc : memref<!tpu.dma_semaphore, #tpu.memory_space<semaphore_mem>>
      %dma_start3A_72 = arith.constant 0 : i32
      %dma_start3A_73 = tpu.memref_slice %arg4[%add3A_14, %dma_start3A_72] : memref<10240x32xf32, #tpu.memory_space<vmem_shared>> -> memref<128x32xf32, #tpu.memory_space<vmem_shared>>
      %dma_start3A_74 = arith.constant 0 : i32
      %dma_start3A_75 = tpu.memref_slice %arg4[%add3A_14, %dma_start3A_74] : memref<10240x32xf32, #tpu.memory_space<vmem_shared>> -> memref<128x32xf32, #tpu.memory_space<vmem_shared>>
      tpu.enqueue_dma source(%arg5 : memref<128x32xf32, #tpu.memory_space<vmem>>) target(%dma_start3A_75 : memref<128x32xf32, #tpu.memory_space<vmem_shared>>) target_semaphore(%run_scoped3A : memref<!tpu.dma_semaphore, #tpu.memory_space<semaphore_mem>>)
      %dma_wait3A = arith.constant 0 : i32
      %dma_wait3A_76 = tpu.memref_slice %arg4[%add3A_14, %dma_wait3A] : memref<10240x32xf32, #tpu.memory_space<vmem_shared>> -> memref<128x32xf32, #tpu.memory_space<vmem_shared>>
      %dma_wait3A_77 = arith.constant 0 : i32
      %dma_wait3A_78 = tpu.memref_slice %arg4[%add3A_14, %dma_wait3A_77] : memref<10240x32xf32, #tpu.memory_space<vmem_shared>> -> memref<128x32xf32, #tpu.memory_space<vmem_shared>>
      tpu.wait_dma2 semaphore(%run_scoped3A : memref<!tpu.dma_semaphore, #tpu.memory_space<semaphore_mem>>) src(%arg5 : memref<128x32xf32, #tpu.memory_space<vmem>>) dst(%dma_wait3A_78 : memref<128x32xf32, #tpu.memory_space<vmem_shared>>)
      tpu.yield
    }) : () -> ()
    %mul3A_15 = arith.constant 640 : i32
    %mul3A_16 = arith.muli %arg1, %mul3A_15 : i32
    %add3A_17 = arith.constant 384 : i32
    %add3A_18 = arith.addi %mul3A_16, %add3A_17 : i32
    "tpu.region"() ({
      %run_scoped3A = tpu.sem_alloc : memref<!tpu.dma_semaphore, #tpu.memory_space<semaphore_mem>>
      %dma_start3A_72 = arith.constant 0 : i32
      %dma_start3A_73 = tpu.memref_slice %arg4[%add3A_18, %dma_start3A_72] : memref<10240x32xf32, #tpu.memory_space<vmem_shared>> -> memref<128x32xf32, #tpu.memory_space<vmem_shared>>
      %dma_start3A_74 = arith.constant 0 : i32
      %dma_start3A_75 = tpu.memref_slice %arg4[%add3A_18, %dma_start3A_74] : memref<10240x32xf32, #tpu.memory_space<vmem_shared>> -> memref<128x32xf32, #tpu.memory_space<vmem_shared>>
      tpu.enqueue_dma source(%arg5 : memref<128x32xf32, #tpu.memory_space<vmem>>) target(%dma_start3A_75 : memref<128x32xf32, #tpu.memory_space<vmem_shared>>) target_semaphore(%run_scoped3A : memref<!tpu.dma_semaphore, #tpu.memory_space<semaphore_mem>>)
      %dma_wait3A = arith.constant 0 : i32
      %dma_wait3A_76 = tpu.memref_slice %arg4[%add3A_18, %dma_wait3A] : memref<10240x32xf32, #tpu.memory_space<vmem_shared>> -> memref<128x32xf32, #tpu.memory_space<vmem_shared>>
      %dma_wait3A_77 = arith.constant 0 : i32
      %dma_wait3A_78 = tpu.memref_slice %arg4[%add3A_18, %dma_wait3A_77] : memref<10240x32xf32, #tpu.memory_space<vmem_shared>> -> memref<128x32xf32, #tpu.memory_space<vmem_shared>>
      tpu.wait_dma2 semaphore(%run_scoped3A : memref<!tpu.dma_semaphore, #tpu.memory_space<semaphore_mem>>) src(%arg5 : memref<128x32xf32, #tpu.memory_space<vmem>>) dst(%dma_wait3A_78 : memref<128x32xf32, #tpu.memory_space<vmem_shared>>)
      tpu.yield
    }) : () -> ()
    %mul3A_19 = arith.constant 640 : i32
    %mul3A_20 = arith.muli %arg1, %mul3A_19 : i32
    %add3A_21 = arith.constant 512 : i32
    %add3A_22 = arith.addi %mul3A_20, %add3A_21 : i32
    "tpu.region"() ({
      %run_scoped3A = tpu.sem_alloc : memref<!tpu.dma_semaphore, #tpu.memory_space<semaphore_mem>>
      %dma_start3A_72 = arith.constant 0 : i32
      %dma_start3A_73 = tpu.memref_slice %arg4[%add3A_22, %dma_start3A_72] : memref<10240x32xf32, #tpu.memory_space<vmem_shared>> -> memref<128x32xf32, #tpu.memory_space<vmem_shared>>
      %dma_start3A_74 = arith.constant 0 : i32
      %dma_start3A_75 = tpu.memref_slice %arg4[%add3A_22, %dma_start3A_74] : memref<10240x32xf32, #tpu.memory_space<vmem_shared>> -> memref<128x32xf32, #tpu.memory_space<vmem_shared>>
      tpu.enqueue_dma source(%arg5 : memref<128x32xf32, #tpu.memory_space<vmem>>) target(%dma_start3A_75 : memref<128x32xf32, #tpu.memory_space<vmem_shared>>) target_semaphore(%run_scoped3A : memref<!tpu.dma_semaphore, #tpu.memory_space<semaphore_mem>>)
      %dma_wait3A = arith.constant 0 : i32
      %dma_wait3A_76 = tpu.memref_slice %arg4[%add3A_22, %dma_wait3A] : memref<10240x32xf32, #tpu.memory_space<vmem_shared>> -> memref<128x32xf32, #tpu.memory_space<vmem_shared>>
      %dma_wait3A_77 = arith.constant 0 : i32
      %dma_wait3A_78 = tpu.memref_slice %arg4[%add3A_22, %dma_wait3A_77] : memref<10240x32xf32, #tpu.memory_space<vmem_shared>> -> memref<128x32xf32, #tpu.memory_space<vmem_shared>>
      tpu.wait_dma2 semaphore(%run_scoped3A : memref<!tpu.dma_semaphore, #tpu.memory_space<semaphore_mem>>) src(%arg5 : memref<128x32xf32, #tpu.memory_space<vmem>>) dst(%dma_wait3A_78 : memref<128x32xf32, #tpu.memory_space<vmem_shared>>)
      tpu.yield
    }) : () -> ()
    %scan3A_23 = arith.constant 0 : i32
    %scan3A_24 = arith.constant 0 : i32
    %scan3A_25 = arith.constant 128 : i32
    %scan3A_26 = arith.addi %scan3A_24, %scan3A_25 : i32
    %scan3A_27 = arith.constant 1 : i32
    scf.for %scan3A_72 = %scan3A_24 to %scan3A_26 step %scan3A_27  : i32 {
      %broadcast_in_dim3A = arith.constant 1.000000e+00 : f32
      %broadcast_in_dim3A_73 = vector.broadcast %broadcast_in_dim3A : f32 to vector<16xf32>
      %swap3A = arith.index_cast %scan3A_72 : i32 to index
      %swap3A_74 = arith.constant 0 : index
      %swap3A_75 = tpu.vector_load %arg5[%swap3A, %swap3A_74] {strides = array<i32>} : memref<128x32xf32, #tpu.memory_space<vmem>>, vector<1x16xf32>,
      %swap3A_76 = vector.shape_cast %swap3A_75 : vector<1x16xf32> to vector<16xf32>
      %swap3A_77 = vector.shape_cast %broadcast_in_dim3A_73 : vector<16xf32> to vector<1x16xf32>
      tpu.vector_store %arg5[%swap3A, %swap3A_74], %swap3A_77 {strides = array<i32>} : memref<128x32xf32, #tpu.memory_space<vmem>>, vector<1x16xf32>,
      %broadcast_in_dim3A_78 = arith.constant 1.000000e+00 : f32
      %broadcast_in_dim3A_79 = vector.broadcast %broadcast_in_dim3A_78 : f32 to vector<16xf32>
      %swap3A_80 = arith.index_cast %scan3A_72 : i32 to index
      %swap3A_81 = arith.constant 16 : index
      %swap3A_82 = tpu.vector_load %arg5[%swap3A_80, %swap3A_81] {strides = array<i32>} : memref<128x32xf32, #tpu.memory_space<vmem>>, vector<1x16xf32>,
      %swap3A_83 = vector.shape_cast %swap3A_82 : vector<1x16xf32> to vector<16xf32>
      %swap3A_84 = vector.shape_cast %broadcast_in_dim3A_79 : vector<16xf32> to vector<1x16xf32>
      tpu.vector_store %arg5[%swap3A_80, %swap3A_81], %swap3A_84 {strides = array<i32>} : memref<128x32xf32, #tpu.memory_space<vmem>>, vector<1x16xf32>,
    }
    %scan3A_28 = arith.constant 128 : i32
    %barrier3A = arith.constant 0 : index
    tpu.barrier barrier_id(%barrier3A)
    %mul3A_29 = arith.constant 16 : i32
    %mul3A_30 = arith.muli %arg0, %mul3A_29 : i32
    %add3A_31 = arith.addi %mul3A_30, %arg1 : i32
    %mul3A_32 = arith.constant 80 : i32
    %mul3A_33 = arith.muli %add3A_31, %mul3A_32 : i32
    "tpu.region"() ({
      %run_scoped3A = tpu.sem_alloc : memref<!tpu.dma_semaphore, #tpu.memory_space<semaphore_mem>>
      %dma_start3A_72 = arith.constant 0 : i32
      %dma_start3A_73 = tpu.memref_slice %arg2[%mul3A_33, %dma_start3A_72] : memref<2560x128xi32, #tpu.memory_space<hbm>> -> memref<80x128xi32, #tpu.memory_space<hbm>>
      %dma_start3A_74 = arith.constant 0 : i32
      %dma_start3A_75 = tpu.memref_slice %arg2[%mul3A_33, %dma_start3A_74] : memref<2560x128xi32, #tpu.memory_space<hbm>> -> memref<80x128xi32, #tpu.memory_space<hbm>>
      tpu.enqueue_dma source(%dma_start3A_75 : memref<80x128xi32, #tpu.memory_space<hbm>>) target(%arg6 : memref<80x128xi32, #tpu.memory_space<vmem>>) target_semaphore(%run_scoped3A : memref<!tpu.dma_semaphore, #tpu.memory_space<semaphore_mem>>)
      %dma_wait3A = arith.constant 0 : i32
      %dma_wait3A_76 = tpu.memref_slice %arg2[%mul3A_33, %dma_wait3A] : memref<2560x128xi32, #tpu.memory_space<hbm>> -> memref<80x128xi32, #tpu.memory_space<hbm>>
      %dma_wait3A_77 = arith.constant 0 : i32
      %dma_wait3A_78 = tpu.memref_slice %arg2[%mul3A_33, %dma_wait3A_77] : memref<2560x128xi32, #tpu.memory_space<hbm>> -> memref<80x128xi32, #tpu.memory_space<hbm>>
      tpu.wait_dma2 semaphore(%run_scoped3A : memref<!tpu.dma_semaphore, #tpu.memory_space<semaphore_mem>>) src(%dma_wait3A_78 : memref<80x128xi32, #tpu.memory_space<hbm>>) dst(%arg6 : memref<80x128xi32, #tpu.memory_space<vmem>>)
      tpu.yield
    }) : () -> ()
    %dma_start3A = arith.constant 0 : i32
    %dma_start3A_34 = arith.constant 0 : i32
    %dma_start3A_35 = tpu.memref_slice %arg6[%dma_start3A, %dma_start3A_34] : memref<80x128xi32, #tpu.memory_space<vmem>> -> memref<1x128xi32, #tpu.memory_space<vmem>>
    %dma_start3A_36 = tpu.memref_squeeze %dma_start3A_35 : memref<1x128xi32, #tpu.memory_space<vmem>> -> memref<128xi32, #tpu.memory_space<vmem>>
    %dma_start3A_37 = arith.constant 0 : i32
    %dma_start3A_38 = arith.constant 0 : i32
    %dma_start3A_39 = tpu.memref_slice %arg4[%dma_start3A_37, %dma_start3A_38] : memref<10240x32xf32, #tpu.memory_space<vmem_shared>> -> memref<10240x32xf32, #tpu.memory_space<vmem_shared>>
    tpu.enqueue_indirect_dma source(%arg5 : memref<128x32xf32, #tpu.memory_space<vmem>>) target(%dma_start3A_39 : memref<10240x32xf32, #tpu.memory_space<vmem_shared>>) offsets(%dma_start3A_36 : memref<128xi32, #tpu.memory_space<vmem>>) semaphore(%arg7 : memref<!tpu.dma_semaphore, #tpu.memory_space<semaphore_mem>>) {add = true}
    %dma_start3A_40 = arith.constant 1 : i32
    %dma_start3A_41 = arith.constant 0 : i32
    %dma_start3A_42 = tpu.memref_slice %arg6[%dma_start3A_40, %dma_start3A_41] : memref<80x128xi32, #tpu.memory_space<vmem>> -> memref<1x128xi32, #tpu.memory_space<vmem>>
    %dma_start3A_43 = tpu.memref_squeeze %dma_start3A_42 : memref<1x128xi32, #tpu.memory_space<vmem>> -> memref<128xi32, #tpu.memory_space<vmem>>
    %dma_start3A_44 = arith.constant 0 : i32
    %dma_start3A_45 = arith.constant 0 : i32
    %dma_start3A_46 = tpu.memref_slice %arg4[%dma_start3A_44, %dma_start3A_45] : memref<10240x32xf32, #tpu.memory_space<vmem_shared>> -> memref<10240x32xf32, #tpu.memory_space<vmem_shared>>
    tpu.enqueue_indirect_dma source(%arg5 : memref<128x32xf32, #tpu.memory_space<vmem>>) target(%dma_start3A_46 : memref<10240x32xf32, #tpu.memory_space<vmem_shared>>) offsets(%dma_start3A_43 : memref<128xi32, #tpu.memory_space<vmem>>) semaphore(%arg8 : memref<!tpu.dma_semaphore, #tpu.memory_space<semaphore_mem>>) {add = true}
    %dma_start3A_47 = arith.constant 2 : i32
    %dma_start3A_48 = arith.constant 0 : i32
    %dma_start3A_49 = tpu.memref_slice %arg6[%dma_start3A_47, %dma_start3A_48] : memref<80x128xi32, #tpu.memory_space<vmem>> -> memref<1x128xi32, #tpu.memory_space<vmem>>
    %dma_start3A_50 = tpu.memref_squeeze %dma_start3A_49 : memref<1x128xi32, #tpu.memory_space<vmem>> -> memref<128xi32, #tpu.memory_space<vmem>>
    %dma_start3A_51 = arith.constant 0 : i32
    %dma_start3A_52 = arith.constant 0 : i32
    %dma_start3A_53 = tpu.memref_slice %arg4[%dma_start3A_51, %dma_start3A_52] : memref<10240x32xf32, #tpu.memory_space<vmem_shared>> -> memref<10240x32xf32, #tpu.memory_space<vmem_shared>>
    tpu.enqueue_indirect_dma source(%arg5 : memref<128x32xf32, #tpu.memory_space<vmem>>) target(%dma_start3A_53 : memref<10240x32xf32, #tpu.memory_space<vmem_shared>>) offsets(%dma_start3A_50 : memref<128xi32, #tpu.memory_space<vmem>>) semaphore(%arg9 : memref<!tpu.dma_semaphore, #tpu.memory_space<semaphore_mem>>) {add = true}
    %dma_start3A_54 = arith.constant 3 : i32
    %dma_start3A_55 = arith.constant 0 : i32
    %dma_start3A_56 = tpu.memref_slice %arg6[%dma_start3A_54, %dma_start3A_55] : memref<80x128xi32, #tpu.memory_space<vmem>> -> memref<1x128xi32, #tpu.memory_space<vmem>>
    %dma_start3A_57 = tpu.memref_squeeze %dma_start3A_56 : memref<1x128xi32, #tpu.memory_space<vmem>> -> memref<128xi32, #tpu.memory_space<vmem>>
    %dma_start3A_58 = arith.constant 0 : i32
    %dma_start3A_59 = arith.constant 0 : i32
    %dma_start3A_60 = tpu.memref_slice %arg4[%dma_start3A_58, %dma_start3A_59] : memref<10240x32xf32, #tpu.memory_space<vmem_shared>> -> memref<10240x32xf32, #tpu.memory_space<vmem_shared>>
    tpu.enqueue_indirect_dma source(%arg5 : memref<128x32xf32, #tpu.memory_space<vmem>>) target(%dma_start3A_60 : memref<10240x32xf32, #tpu.memory_space<vmem_shared>>) offsets(%dma_start3A_57 : memref<128xi32, #tpu.memory_space<vmem>>) semaphore(%arg10 : memref<!tpu.dma_semaphore, #tpu.memory_space<semaphore_mem>>) {add = true}
    %scan3A_61 = arith.constant 0 : i32
    %scan3A_62 = arith.constant 0 : i32
    %scan3A_63 = arith.constant 80 : i32
    %scan3A_64 = arith.addi %scan3A_62, %scan3A_63 : i32
    %scan3A_65 = arith.constant 1 : i32
    scf.for %scan3A_72 = %scan3A_62 to %scan3A_64 step %scan3A_65  : i32 {
      %rem3A = arith.constant 4 : i32
      %rem3A_73 = arith.remsi %scan3A_72, %rem3A : i32
      %eq3A = arith.constant 0 : i32
      %eq3A_74 = arith.cmpi eq, %rem3A_73, %eq3A : i32
      %convert_element_type3A = arith.extui %eq3A_74 : i1 to i32
      %cond3A = arith.constant 0 : i32
      %cond3A_75 = arith.cmpi ne, %convert_element_type3A, %cond3A : i32
      scf.if %cond3A_75 {
        %dma_wait3A = arith.constant 0 : i32
        %dma_wait3A_91 = tpu.memref_slice %arg6[%scan3A_72, %dma_wait3A] : memref<80x128xi32, #tpu.memory_space<vmem>> -> memref<1x128xi32, #tpu.memory_space<vmem>>
        %dma_wait3A_92 = tpu.memref_squeeze %dma_wait3A_91 : memref<1x128xi32, #tpu.memory_space<vmem>> -> memref<128xi32, #tpu.memory_space<vmem>>
        %dma_wait3A_93 = arith.constant 0 : i32
        %dma_wait3A_94 = arith.constant 0 : i32
        %dma_wait3A_95 = tpu.memref_slice %arg4[%dma_wait3A_93, %dma_wait3A_94] : memref<10240x32xf32, #tpu.memory_space<vmem_shared>> -> memref<10240x32xf32, #tpu.memory_space<vmem_shared>>
        tpu.wait_indirect_dma semaphore(%arg7 : memref<!tpu.dma_semaphore, #tpu.memory_space<semaphore_mem>>) src(%arg5 : memref<128x32xf32, #tpu.memory_space<vmem>>) dst(%dma_wait3A_95 : memref<10240x32xf32, #tpu.memory_space<vmem_shared>>)
        %add3A_96 = arith.constant 4 : i32
        %add3A_97 = arith.addi %scan3A_72, %add3A_96 : i32
        %lt3A = arith.constant 80 : i32
        %lt3A_98 = arith.cmpi slt, %add3A_97, %lt3A : i32
        %convert_element_type3A_99 = arith.extui %lt3A_98 : i1 to i32
        %cond3A_100 = arith.constant 0 : i32
        %cond3A_101 = arith.cmpi ne, %convert_element_type3A_99, %cond3A_100 : i32
        scf.if %cond3A_101 {
          %dma_start3A_102 = arith.constant 0 : i32
          %dma_start3A_103 = tpu.memref_slice %arg6[%add3A_97, %dma_start3A_102] : memref<80x128xi32, #tpu.memory_space<vmem>> -> memref<1x128xi32, #tpu.memory_space<vmem>>
          %dma_start3A_104 = tpu.memref_squeeze %dma_start3A_103 : memref<1x128xi32, #tpu.memory_space<vmem>> -> memref<128xi32, #tpu.memory_space<vmem>>
          %dma_start3A_105 = arith.constant 0 : i32
          %dma_start3A_106 = arith.constant 0 : i32
          %dma_start3A_107 = tpu.memref_slice %arg4[%dma_start3A_105, %dma_start3A_106] : memref<10240x32xf32, #tpu.memory_space<vmem_shared>> -> memref<10240x32xf32, #tpu.memory_space<vmem_shared>>
          tpu.enqueue_indirect_dma source(%arg5 : memref<128x32xf32, #tpu.memory_space<vmem>>) target(%dma_start3A_107 : memref<10240x32xf32, #tpu.memory_space<vmem_shared>>) offsets(%dma_start3A_104 : memref<128xi32, #tpu.memory_space<vmem>>) semaphore(%arg7 : memref<!tpu.dma_semaphore, #tpu.memory_space<semaphore_mem>>) {add = true}
        } else {
        }
      } else {
      }
      %eq3A_76 = arith.constant 1 : i32
      %eq3A_77 = arith.cmpi eq, %rem3A_73, %eq3A_76 : i32
      %convert_element_type3A_78 = arith.extui %eq3A_77 : i1 to i32
      %cond3A_79 = arith.constant 0 : i32
      %cond3A_80 = arith.cmpi ne, %convert_element_type3A_78, %cond3A_79 : i32
      scf.if %cond3A_80 {
        %dma_wait3A = arith.constant 0 : i32
        %dma_wait3A_91 = tpu.memref_slice %arg6[%scan3A_72, %dma_wait3A] : memref<80x128xi32, #tpu.memory_space<vmem>> -> memref<1x128xi32, #tpu.memory_space<vmem>>
        %dma_wait3A_92 = tpu.memref_squeeze %dma_wait3A_91 : memref<1x128xi32, #tpu.memory_space<vmem>> -> memref<128xi32, #tpu.memory_space<vmem>>
        %dma_wait3A_93 = arith.constant 0 : i32
        %dma_wait3A_94 = arith.constant 0 : i32
        %dma_wait3A_95 = tpu.memref_slice %arg4[%dma_wait3A_93, %dma_wait3A_94] : memref<10240x32xf32, #tpu.memory_space<vmem_shared>> -> memref<10240x32xf32, #tpu.memory_space<vmem_shared>>
        tpu.wait_indirect_dma semaphore(%arg8 : memref<!tpu.dma_semaphore, #tpu.memory_space<semaphore_mem>>) src(%arg5 : memref<128x32xf32, #tpu.memory_space<vmem>>) dst(%dma_wait3A_95 : memref<10240x32xf32, #tpu.memory_space<vmem_shared>>)
        %add3A_96 = arith.constant 4 : i32
        %add3A_97 = arith.addi %scan3A_72, %add3A_96 : i32
        %lt3A = arith.constant 80 : i32
        %lt3A_98 = arith.cmpi slt, %add3A_97, %lt3A : i32
        %convert_element_type3A_99 = arith.extui %lt3A_98 : i1 to i32
        %cond3A_100 = arith.constant 0 : i32
        %cond3A_101 = arith.cmpi ne, %convert_element_type3A_99, %cond3A_100 : i32
        scf.if %cond3A_101 {
          %dma_start3A_102 = arith.constant 0 : i32
          %dma_start3A_103 = tpu.memref_slice %arg6[%add3A_97, %dma_start3A_102] : memref<80x128xi32, #tpu.memory_space<vmem>> -> memref<1x128xi32, #tpu.memory_space<vmem>>
          %dma_start3A_104 = tpu.memref_squeeze %dma_start3A_103 : memref<1x128xi32, #tpu.memory_space<vmem>> -> memref<128xi32, #tpu.memory_space<vmem>>
          %dma_start3A_105 = arith.constant 0 : i32
          %dma_start3A_106 = arith.constant 0 : i32
          %dma_start3A_107 = tpu.memref_slice %arg4[%dma_start3A_105, %dma_start3A_106] : memref<10240x32xf32, #tpu.memory_space<vmem_shared>> -> memref<10240x32xf32, #tpu.memory_space<vmem_shared>>
          tpu.enqueue_indirect_dma source(%arg5 : memref<128x32xf32, #tpu.memory_space<vmem>>) target(%dma_start3A_107 : memref<10240x32xf32, #tpu.memory_space<vmem_shared>>) offsets(%dma_start3A_104 : memref<128xi32, #tpu.memory_space<vmem>>) semaphore(%arg8 : memref<!tpu.dma_semaphore, #tpu.memory_space<semaphore_mem>>) {add = true}
        } else {
        }
      } else {
      }
      %eq3A_81 = arith.constant 2 : i32
      %eq3A_82 = arith.cmpi eq, %rem3A_73, %eq3A_81 : i32
      %convert_element_type3A_83 = arith.extui %eq3A_82 : i1 to i32
      %cond3A_84 = arith.constant 0 : i32
      %cond3A_85 = arith.cmpi ne, %convert_element_type3A_83, %cond3A_84 : i32
      scf.if %cond3A_85 {
        %dma_wait3A = arith.constant 0 : i32
        %dma_wait3A_91 = tpu.memref_slice %arg6[%scan3A_72, %dma_wait3A] : memref<80x128xi32, #tpu.memory_space<vmem>> -> memref<1x128xi32, #tpu.memory_space<vmem>>
        %dma_wait3A_92 = tpu.memref_squeeze %dma_wait3A_91 : memref<1x128xi32, #tpu.memory_space<vmem>> -> memref<128xi32, #tpu.memory_space<vmem>>
        %dma_wait3A_93 = arith.constant 0 : i32
        %dma_wait3A_94 = arith.constant 0 : i32
        %dma_wait3A_95 = tpu.memref_slice %arg4[%dma_wait3A_93, %dma_wait3A_94] : memref<10240x32xf32, #tpu.memory_space<vmem_shared>> -> memref<10240x32xf32, #tpu.memory_space<vmem_shared>>
        tpu.wait_indirect_dma semaphore(%arg9 : memref<!tpu.dma_semaphore, #tpu.memory_space<semaphore_mem>>) src(%arg5 : memref<128x32xf32, #tpu.memory_space<vmem>>) dst(%dma_wait3A_95 : memref<10240x32xf32, #tpu.memory_space<vmem_shared>>)
        %add3A_96 = arith.constant 4 : i32
        %add3A_97 = arith.addi %scan3A_72, %add3A_96 : i32
        %lt3A = arith.constant 80 : i32
        %lt3A_98 = arith.cmpi slt, %add3A_97, %lt3A : i32
        %convert_element_type3A_99 = arith.extui %lt3A_98 : i1 to i32
        %cond3A_100 = arith.constant 0 : i32
        %cond3A_101 = arith.cmpi ne, %convert_element_type3A_99, %cond3A_100 : i32
        scf.if %cond3A_101 {
          %dma_start3A_102 = arith.constant 0 : i32
          %dma_start3A_103 = tpu.memref_slice %arg6[%add3A_97, %dma_start3A_102] : memref<80x128xi32, #tpu.memory_space<vmem>> -> memref<1x128xi32, #tpu.memory_space<vmem>>
          %dma_start3A_104 = tpu.memref_squeeze %dma_start3A_103 : memref<1x128xi32, #tpu.memory_space<vmem>> -> memref<128xi32, #tpu.memory_space<vmem>>
          %dma_start3A_105 = arith.constant 0 : i32
          %dma_start3A_106 = arith.constant 0 : i32
          %dma_start3A_107 = tpu.memref_slice %arg4[%dma_start3A_105, %dma_start3A_106] : memref<10240x32xf32, #tpu.memory_space<vmem_shared>> -> memref<10240x32xf32, #tpu.memory_space<vmem_shared>>
          tpu.enqueue_indirect_dma source(%arg5 : memref<128x32xf32, #tpu.memory_space<vmem>>) target(%dma_start3A_107 : memref<10240x32xf32, #tpu.memory_space<vmem_shared>>) offsets(%dma_start3A_104 : memref<128xi32, #tpu.memory_space<vmem>>) semaphore(%arg9 : memref<!tpu.dma_semaphore, #tpu.memory_space<semaphore_mem>>) {add = true}
        } else {
        }
      } else {
      }
      %eq3A_86 = arith.constant 3 : i32
      %eq3A_87 = arith.cmpi eq, %rem3A_73, %eq3A_86 : i32
      %convert_element_type3A_88 = arith.extui %eq3A_87 : i1 to i32
      %cond3A_89 = arith.constant 0 : i32
      %cond3A_90 = arith.cmpi ne, %convert_element_type3A_88, %cond3A_89 : i32
      scf.if %cond3A_90 {
        %dma_wait3A = arith.constant 0 : i32
        %dma_wait3A_91 = tpu.memref_slice %arg6[%scan3A_72, %dma_wait3A] : memref<80x128xi32, #tpu.memory_space<vmem>> -> memref<1x128xi32, #tpu.memory_space<vmem>>
        %dma_wait3A_92 = tpu.memref_squeeze %dma_wait3A_91 : memref<1x128xi32, #tpu.memory_space<vmem>> -> memref<128xi32, #tpu.memory_space<vmem>>
        %dma_wait3A_93 = arith.constant 0 : i32
        %dma_wait3A_94 = arith.constant 0 : i32
        %dma_wait3A_95 = tpu.memref_slice %arg4[%dma_wait3A_93, %dma_wait3A_94] : memref<10240x32xf32, #tpu.memory_space<vmem_shared>> -> memref<10240x32xf32, #tpu.memory_space<vmem_shared>>
        tpu.wait_indirect_dma semaphore(%arg10 : memref<!tpu.dma_semaphore, #tpu.memory_space<semaphore_mem>>) src(%arg5 : memref<128x32xf32, #tpu.memory_space<vmem>>) dst(%dma_wait3A_95 : memref<10240x32xf32, #tpu.memory_space<vmem_shared>>)
        %add3A_96 = arith.constant 4 : i32
        %add3A_97 = arith.addi %scan3A_72, %add3A_96 : i32
        %lt3A = arith.constant 80 : i32
        %lt3A_98 = arith.cmpi slt, %add3A_97, %lt3A : i32
        %convert_element_type3A_99 = arith.extui %lt3A_98 : i1 to i32
        %cond3A_100 = arith.constant 0 : i32
        %cond3A_101 = arith.cmpi ne, %convert_element_type3A_99, %cond3A_100 : i32
        scf.if %cond3A_101 {
          %dma_start3A_102 = arith.constant 0 : i32
          %dma_start3A_103 = tpu.memref_slice %arg6[%add3A_97, %dma_start3A_102] : memref<80x128xi32, #tpu.memory_space<vmem>> -> memref<1x128xi32, #tpu.memory_space<vmem>>
          %dma_start3A_104 = tpu.memref_squeeze %dma_start3A_103 : memref<1x128xi32, #tpu.memory_space<vmem>> -> memref<128xi32, #tpu.memory_space<vmem>>
          %dma_start3A_105 = arith.constant 0 : i32
          %dma_start3A_106 = arith.constant 0 : i32
          %dma_start3A_107 = tpu.memref_slice %arg4[%dma_start3A_105, %dma_start3A_106] : memref<10240x32xf32, #tpu.memory_space<vmem_shared>> -> memref<10240x32xf32, #tpu.memory_space<vmem_shared>>
          tpu.enqueue_indirect_dma source(%arg5 : memref<128x32xf32, #tpu.memory_space<vmem>>) target(%dma_start3A_107 : memref<10240x32xf32, #tpu.memory_space<vmem_shared>>) offsets(%dma_start3A_104 : memref<128xi32, #tpu.memory_space<vmem>>) semaphore(%arg10 : memref<!tpu.dma_semaphore, #tpu.memory_space<semaphore_mem>>) {add = true}
        } else {
        }
      } else {
      }
    }
    %scan3A_66 = arith.constant 80 : i32
    %barrier3A_67 = arith.constant 0 : index
    tpu.barrier barrier_id(%barrier3A_67)
    %mul3A_68 = arith.constant 640 : i32
    %mul3A_69 = arith.muli %arg1, %mul3A_68 : i32
    %mul3A_70 = arith.constant 640 : i32
    %mul3A_71 = arith.muli %arg1, %mul3A_70 : i32
    "tpu.region"() ({
      %run_scoped3A = tpu.sem_alloc : memref<!tpu.dma_semaphore, #tpu.memory_space<semaphore_mem>>
      %dma_start3A_72 = arith.constant 0 : i32
      %dma_start3A_73 = tpu.memref_slice %arg3[%arg0, %mul3A_71, %dma_start3A_72] : memref<2x10240x32xf32, #tpu.memory_space<hbm>> -> memref<1x640x32xf32, #tpu.memory_space<hbm>>
      %dma_start3A_74 = tpu.memref_squeeze %dma_start3A_73 : memref<1x640x32xf32, #tpu.memory_space<hbm>> -> memref<640x32xf32, #tpu.memory_space<hbm>>
      %dma_start3A_75 = arith.constant 0 : i32
      %dma_start3A_76 = tpu.memref_slice %arg4[%mul3A_69, %dma_start3A_75] : memref<10240x32xf32, #tpu.memory_space<vmem_shared>> -> memref<640x32xf32, #tpu.memory_space<vmem_shared>>
      tpu.enqueue_dma source(%dma_start3A_76 : memref<640x32xf32, #tpu.memory_space<vmem_shared>>) target(%dma_start3A_74 : memref<640x32xf32, #tpu.memory_space<hbm>>) target_semaphore(%run_scoped3A : memref<!tpu.dma_semaphore, #tpu.memory_space<semaphore_mem>>)
      %dma_wait3A = arith.constant 0 : i32
      %dma_wait3A_77 = tpu.memref_slice %arg3[%arg0, %mul3A_71, %dma_wait3A] : memref<2x10240x32xf32, #tpu.memory_space<hbm>> -> memref<1x640x32xf32, #tpu.memory_space<hbm>>
      %dma_wait3A_78 = tpu.memref_squeeze %dma_wait3A_77 : memref<1x640x32xf32, #tpu.memory_space<hbm>> -> memref<640x32xf32, #tpu.memory_space<hbm>>
      %dma_wait3A_79 = arith.constant 0 : i32
      %dma_wait3A_80 = tpu.memref_slice %arg4[%mul3A_69, %dma_wait3A_79] : memref<10240x32xf32, #tpu.memory_space<vmem_shared>> -> memref<640x32xf32, #tpu.memory_space<vmem_shared>>
      tpu.wait_dma2 semaphore(%run_scoped3A : memref<!tpu.dma_semaphore, #tpu.memory_space<semaphore_mem>>) src(%dma_wait3A_80 : memref<640x32xf32, #tpu.memory_space<vmem_shared>>) dst(%dma_wait3A_78 : memref<640x32xf32, #tpu.memory_space<hbm>>)
      tpu.yield
    }) : () -> ()
    return
  }
}

module attributes {stable_mosaic.version = 14 : i64} {
  func.func @_mm1_body(%arg0: i32, %arg1: memref<1000x128xf32, #tpu.memory_space<vmem>>, %arg2: memref<128x128xf32, #tpu.memory_space<vmem>>, %arg3: memref<2x1000x32xf32, #tpu.memory_space<vmem>>, %arg4: memref<1000x128xf32, #tpu.memory_space<vmem>>) attributes {dimension_semantics = [#tpu.dimension_semantics<arbitrary>], iteration_bounds = array<i64: 10>, scalar_prefetch = 0 : i64, scratch_operands = 0 : i64, tpu.core_type = #tpu.core_type<tc>, window_params = [{transform_indices = @transform_0, window_bounds = array<i64: 1000, 128>}, {pipeline_mode = #tpu.pipeline_mode<synchronous>, transform_indices = @transform_1, window_bounds = array<i64: 128, 128>}, {transform_indices = @transform_2, window_bounds = array<i64: 2, 1000, 32>}, {transform_indices = @transform_3, window_bounds = array<i64: 1000, 128>}]} {
    %get3A = arith.constant 0 : index
    %get3A_0 = arith.constant 0 : index
    %get3A_1 = vector.load %arg1[%get3A, %get3A_0] : memref<1000x128xf32, #tpu.memory_space<vmem>>, vector<1000x128xf32>
    %get3A_2 = arith.constant 0 : index
    %get3A_3 = arith.constant 0 : index
    %get3A_4 = vector.load %arg2[%get3A_2, %get3A_3] : memref<128x128xf32, #tpu.memory_space<vmem>>, vector<128x128xf32>
    %dot_general3A = arith.constant dense<0.000000e+00> : vector<1000x128xf32>
    %dot_general3A_5 = tpu.matmul %get3A_1, %get3A_4, %dot_general3A {dimension_numbers = #tpu.dot_dimension_numbers<[1], [0], [0], [1], [0, 0, 1, 1], [], []>, transpose_lhs_hint = false} : vector<1000x128xf32>, vector<128x128xf32>, vector<1000x128xf32> -> vector<1000x128xf32>
    %get3A_6 = arith.constant 0 : index
    %get3A_7 = arith.constant 0 : index
    %get3A_8 = arith.constant 0 : index
    %get3A_9 = vector.load %arg3[%get3A_6, %get3A_7, %get3A_8] : memref<2x1000x32xf32, #tpu.memory_space<vmem>>, vector<1x1000x1xf32>
    %get3A_10 = vector.shape_cast %get3A_9 : vector<1x1000x1xf32> to vector<1000x1xf32>
    %get3A_11 = arith.constant 1 : index
    %get3A_12 = arith.constant 0 : index
    %get3A_13 = arith.constant 0 : index
    %get3A_14 = vector.load %arg3[%get3A_11, %get3A_12, %get3A_13] : memref<2x1000x32xf32, #tpu.memory_space<vmem>>, vector<1x1000x1xf32>
    %get3A_15 = vector.shape_cast %get3A_14 : vector<1x1000x1xf32> to vector<1000x1xf32>
    %add3A = arith.addf %get3A_10, %get3A_15 : vector<1000x1xf32>
    %add3A_16 = arith.constant 1.000000e+00 : f32
    %add3A_17 = vector.broadcast %add3A_16 : f32 to vector<1000x1xf32>
    %add3A_18 = arith.addf %add3A, %add3A_17 : vector<1000x1xf32>
    %rsqrt3A = math.rsqrt %add3A_18 : vector<1000x1xf32>
    %mul3A = vector.broadcast %rsqrt3A : vector<1000x1xf32> to vector<1000x128xf32>
    %mul3A_19 = arith.mulf %dot_general3A_5, %mul3A : vector<1000x128xf32>
    %swap3A = arith.constant 0 : index
    %swap3A_20 = arith.constant 0 : index
    %swap3A_21 = vector.load %arg4[%swap3A, %swap3A_20] : memref<1000x128xf32, #tpu.memory_space<vmem>>, vector<1000x128xf32>
    tpu.vector_store %arg4[%swap3A, %swap3A_20], %mul3A_19 {strides = array<i32>} : memref<1000x128xf32, #tpu.memory_space<vmem>>, vector<1000x128xf32>,
    return
  }
  func.func @transform_0(%arg0: i32) -> (i32, i32) {
    %c0_i32 = arith.constant 0 : i32
    %c0_i32_0 = arith.constant 0 : i32
    return %arg0, %c0_i32 : i32, i32
  }
  func.func @transform_1(%arg0: i32) -> (i32, i32) {
    %c0_i32 = arith.constant 0 : i32
    %c0_i32_0 = arith.constant 0 : i32
    %c0_i32_1 = arith.constant 0 : i32
    return %c0_i32, %c0_i32_0 : i32, i32
  }
  func.func @transform_2(%arg0: i32) -> (i32, i32, i32) {
    %c0_i32 = arith.constant 0 : i32
    %c0_i32_0 = arith.constant 0 : i32
    %c0_i32_1 = arith.constant 0 : i32
    return %c0_i32, %arg0, %c0_i32_0 : i32, i32, i32
  }
  func.func @transform_3(%arg0: i32) -> (i32, i32) {
    %c0_i32 = arith.constant 0 : i32
    %c0_i32_0 = arith.constant 0 : i32
    return %arg0, %c0_i32 : i32, i32
  }
}

module attributes {stable_mosaic.version = 14 : i64} {
  func.func @_bnmm2_body(%arg0: i32, %arg1: memref<1000x128xf32, #tpu.memory_space<vmem>>, %arg2: memref<2x128xf32, #tpu.memory_space<vmem>>, %arg3: memref<1x128xf32, #tpu.memory_space<vmem>>, %arg4: memref<1x128xf32, #tpu.memory_space<vmem>>, %arg5: memref<128x64xf32, #tpu.memory_space<vmem>>, %arg6: memref<2x1000x32xf32, #tpu.memory_space<vmem>>, %arg7: memref<1000x64xf32, #tpu.memory_space<vmem>>) attributes {dimension_semantics = [#tpu.dimension_semantics<arbitrary>], iteration_bounds = array<i64: 10>, scalar_prefetch = 0 : i64, scratch_operands = 0 : i64, tpu.core_type = #tpu.core_type<tc>, window_params = [{transform_indices = @transform_0, window_bounds = array<i64: 1000, 128>}, {pipeline_mode = #tpu.pipeline_mode<synchronous>, transform_indices = @transform_1, window_bounds = array<i64: 2, 128>}, {pipeline_mode = #tpu.pipeline_mode<synchronous>, transform_indices = @transform_2, window_bounds = array<i64: 1, 128>}, {pipeline_mode = #tpu.pipeline_mode<synchronous>, transform_indices = @transform_3, window_bounds = array<i64: 1, 128>}, {pipeline_mode = #tpu.pipeline_mode<synchronous>, transform_indices = @transform_4, window_bounds = array<i64: 128, 64>}, {transform_indices = @transform_5, window_bounds = array<i64: 2, 1000, 32>}, {transform_indices = @transform_6, window_bounds = array<i64: 1000, 64>}]} {
    %get3A = arith.constant 0 : index
    %get3A_0 = arith.constant 0 : index
    %get3A_1 = vector.load %arg2[%get3A, %get3A_0] : memref<2x128xf32, #tpu.memory_space<vmem>>, vector<1x128xf32>
    %div3A = arith.constant 1.000000e+04 : f32
    %div3A_2 = vector.broadcast %div3A : f32 to vector<1x128xf32>
    %div3A_3 = arith.divf %get3A_1, %div3A_2 : vector<1x128xf32>
    %get3A_4 = arith.constant 1 : index
    %get3A_5 = arith.constant 0 : index
    %get3A_6 = vector.load %arg2[%get3A_4, %get3A_5] : memref<2x128xf32, #tpu.memory_space<vmem>>, vector<1x128xf32>
    %div3A_7 = arith.constant 1.000000e+04 : f32
    %div3A_8 = vector.broadcast %div3A_7 : f32 to vector<1x128xf32>
    %div3A_9 = arith.divf %get3A_6, %div3A_8 : vector<1x128xf32>
    %mul3A = arith.mulf %div3A_3, %div3A_3 : vector<1x128xf32>
    %sub3A = arith.subf %div3A_9, %mul3A : vector<1x128xf32>
    %get3A_10 = arith.constant 0 : index
    %get3A_11 = arith.constant 0 : index
    %get3A_12 = vector.load %arg3[%get3A_10, %get3A_11] : memref<1x128xf32, #tpu.memory_space<vmem>>, vector<1x128xf32>
    %add3A = arith.constant 9.99999974E-6 : f32
    %add3A_13 = vector.broadcast %add3A : f32 to vector<1x128xf32>
    %add3A_14 = arith.addf %sub3A, %add3A_13 : vector<1x128xf32>
    %rsqrt3A = math.rsqrt %add3A_14 : vector<1x128xf32>
    %mul3A_15 = arith.mulf %get3A_12, %rsqrt3A : vector<1x128xf32>
    %get3A_16 = arith.constant 0 : index
    %get3A_17 = arith.constant 0 : index
    %get3A_18 = vector.load %arg1[%get3A_16, %get3A_17] : memref<1000x128xf32, #tpu.memory_space<vmem>>, vector<1000x128xf32>
    %sub3A_19 = vector.broadcast %div3A_3 : vector<1x128xf32> to vector<1000x128xf32>
    %sub3A_20 = arith.subf %get3A_18, %sub3A_19 : vector<1000x128xf32>
    %mul3A_21 = vector.broadcast %mul3A_15 : vector<1x128xf32> to vector<1000x128xf32>
    %mul3A_22 = arith.mulf %sub3A_20, %mul3A_21 : vector<1000x128xf32>
    %get3A_23 = arith.constant 0 : index
    %get3A_24 = arith.constant 0 : index
    %get3A_25 = vector.load %arg4[%get3A_23, %get3A_24] : memref<1x128xf32, #tpu.memory_space<vmem>>, vector<1x128xf32>
    %add3A_26 = vector.broadcast %get3A_25 : vector<1x128xf32> to vector<1000x128xf32>
    %add3A_27 = arith.addf %mul3A_22, %add3A_26 : vector<1000x128xf32>
    %max3A = arith.constant 0.000000e+00 : f32
    %max3A_28 = vector.broadcast %max3A : f32 to vector<1000x128xf32>
    %max3A_29 = arith.maximumf %add3A_27, %max3A_28 : vector<1000x128xf32>
    %get3A_30 = arith.constant 0 : index
    %get3A_31 = arith.constant 0 : index
    %get3A_32 = vector.load %arg5[%get3A_30, %get3A_31] : memref<128x64xf32, #tpu.memory_space<vmem>>, vector<128x64xf32>
    %dot_general3A = arith.constant dense<0.000000e+00> : vector<1000x64xf32>
    %dot_general3A_33 = tpu.matmul %max3A_29, %get3A_32, %dot_general3A {dimension_numbers = #tpu.dot_dimension_numbers<[1], [0], [0], [1], [0, 0, 1, 1], [], []>, transpose_lhs_hint = false} : vector<1000x128xf32>, vector<128x64xf32>, vector<1000x64xf32> -> vector<1000x64xf32>
    %get3A_34 = arith.constant 0 : index
    %get3A_35 = arith.constant 0 : index
    %get3A_36 = arith.constant 0 : index
    %get3A_37 = vector.load %arg6[%get3A_34, %get3A_35, %get3A_36] : memref<2x1000x32xf32, #tpu.memory_space<vmem>>, vector<1x1000x1xf32>
    %get3A_38 = vector.shape_cast %get3A_37 : vector<1x1000x1xf32> to vector<1000x1xf32>
    %get3A_39 = arith.constant 1 : index
    %get3A_40 = arith.constant 0 : index
    %get3A_41 = arith.constant 0 : index
    %get3A_42 = vector.load %arg6[%get3A_39, %get3A_40, %get3A_41] : memref<2x1000x32xf32, #tpu.memory_space<vmem>>, vector<1x1000x1xf32>
    %get3A_43 = vector.shape_cast %get3A_42 : vector<1x1000x1xf32> to vector<1000x1xf32>
    %add3A_44 = arith.addf %get3A_38, %get3A_43 : vector<1000x1xf32>
    %add3A_45 = arith.constant 1.000000e+00 : f32
    %add3A_46 = vector.broadcast %add3A_45 : f32 to vector<1000x1xf32>
    %add3A_47 = arith.addf %add3A_44, %add3A_46 : vector<1000x1xf32>
    %rsqrt3A_48 = math.rsqrt %add3A_47 : vector<1000x1xf32>
    %mul3A_49 = vector.broadcast %rsqrt3A_48 : vector<1000x1xf32> to vector<1000x64xf32>
    %mul3A_50 = arith.mulf %dot_general3A_33, %mul3A_49 : vector<1000x64xf32>
    %swap3A = arith.constant 0 : index
    %swap3A_51 = arith.constant 0 : index
    %swap3A_52 = vector.load %arg7[%swap3A, %swap3A_51] : memref<1000x64xf32, #tpu.memory_space<vmem>>, vector<1000x64xf32>
    tpu.vector_store %arg7[%swap3A, %swap3A_51], %mul3A_50 {strides = array<i32>} : memref<1000x64xf32, #tpu.memory_space<vmem>>, vector<1000x64xf32>,
    return
  }
  func.func @transform_0(%arg0: i32) -> (i32, i32) {
    %c0_i32 = arith.constant 0 : i32
    %c0_i32_0 = arith.constant 0 : i32
    return %arg0, %c0_i32 : i32, i32
  }
  func.func @transform_1(%arg0: i32) -> (i32, i32) {
    %c0_i32 = arith.constant 0 : i32
    %c0_i32_0 = arith.constant 0 : i32
    %c0_i32_1 = arith.constant 0 : i32
    return %c0_i32, %c0_i32_0 : i32, i32
  }
  func.func @transform_2(%arg0: i32) -> (i32, i32) {
    %c0_i32 = arith.constant 0 : i32
    %c0_i32_0 = arith.constant 0 : i32
    %c0_i32_1 = arith.constant 0 : i32
    return %c0_i32, %c0_i32_0 : i32, i32
  }
  func.func @transform_3(%arg0: i32) -> (i32, i32) {
    %c0_i32 = arith.constant 0 : i32
    %c0_i32_0 = arith.constant 0 : i32
    %c0_i32_1 = arith.constant 0 : i32
    return %c0_i32, %c0_i32_0 : i32, i32
  }
  func.func @transform_4(%arg0: i32) -> (i32, i32) {
    %c0_i32 = arith.constant 0 : i32
    %c0_i32_0 = arith.constant 0 : i32
    %c0_i32_1 = arith.constant 0 : i32
    return %c0_i32, %c0_i32_0 : i32, i32
  }
  func.func @transform_5(%arg0: i32) -> (i32, i32, i32) {
    %c0_i32 = arith.constant 0 : i32
    %c0_i32_0 = arith.constant 0 : i32
    %c0_i32_1 = arith.constant 0 : i32
    return %c0_i32, %arg0, %c0_i32_0 : i32, i32, i32
  }
  func.func @transform_6(%arg0: i32) -> (i32, i32) {
    %c0_i32 = arith.constant 0 : i32
    %c0_i32_0 = arith.constant 0 : i32
    return %arg0, %c0_i32 : i32, i32
  }
}

module attributes {stable_mosaic.version = 14 : i64} {
  func.func @_prebn_body(%arg0: i32, %arg1: memref<2x1000x128xf32, #tpu.memory_space<vmem>>, %arg2: memref<1000x128xf32, #tpu.memory_space<vmem>>, %arg3: memref<2x1000x32xf32, #tpu.memory_space<vmem>>, %arg4: memref<1x128xf32, #tpu.memory_space<vmem>>, %arg5: memref<1000x128xf32, #tpu.memory_space<vmem>>, %arg6: memref<2x128xf32, #tpu.memory_space<vmem>>) attributes {dimension_semantics = [#tpu.dimension_semantics<arbitrary>], iteration_bounds = array<i64: 10>, scalar_prefetch = 0 : i64, scratch_operands = 0 : i64, tpu.core_type = #tpu.core_type<tc>, window_params = [{transform_indices = @transform_0, window_bounds = array<i64: 2, 1000, 128>}, {transform_indices = @transform_1, window_bounds = array<i64: 1000, 128>}, {transform_indices = @transform_2, window_bounds = array<i64: 2, 1000, 32>}, {pipeline_mode = #tpu.pipeline_mode<synchronous>, transform_indices = @transform_3, window_bounds = array<i64: 1, 128>}, {transform_indices = @transform_4, window_bounds = array<i64: 1000, 128>}, {pipeline_mode = #tpu.pipeline_mode<synchronous>, transform_indices = @transform_5, window_bounds = array<i64: 2, 128>}]} {
    %get3A = arith.constant 0 : index
    %get3A_0 = arith.constant 0 : index
    %get3A_1 = arith.constant 0 : index
    %get3A_2 = vector.load %arg1[%get3A, %get3A_0, %get3A_1] : memref<2x1000x128xf32, #tpu.memory_space<vmem>>, vector<1x1000x128xf32>
    %get3A_3 = vector.shape_cast %get3A_2 : vector<1x1000x128xf32> to vector<1000x128xf32>
    %get3A_4 = arith.constant 1 : index
    %get3A_5 = arith.constant 0 : index
    %get3A_6 = arith.constant 0 : index
    %get3A_7 = vector.load %arg1[%get3A_4, %get3A_5, %get3A_6] : memref<2x1000x128xf32, #tpu.memory_space<vmem>>, vector<1x1000x128xf32>
    %get3A_8 = vector.shape_cast %get3A_7 : vector<1x1000x128xf32> to vector<1000x128xf32>
    %add3A = arith.addf %get3A_3, %get3A_8 : vector<1000x128xf32>
    %get3A_9 = arith.constant 0 : index
    %get3A_10 = arith.constant 0 : index
    %get3A_11 = vector.load %arg2[%get3A_9, %get3A_10] : memref<1000x128xf32, #tpu.memory_space<vmem>>, vector<1000x128xf32>
    %add3A_12 = arith.addf %add3A, %get3A_11 : vector<1000x128xf32>
    %get3A_13 = arith.constant 0 : index
    %get3A_14 = arith.constant 0 : index
    %get3A_15 = arith.constant 0 : index
    %get3A_16 = vector.load %arg3[%get3A_13, %get3A_14, %get3A_15] : memref<2x1000x32xf32, #tpu.memory_space<vmem>>, vector<1x1000x1xf32>
    %get3A_17 = vector.shape_cast %get3A_16 : vector<1x1000x1xf32> to vector<1000x1xf32>
    %get3A_18 = arith.constant 1 : index
    %get3A_19 = arith.constant 0 : index
    %get3A_20 = arith.constant 0 : index
    %get3A_21 = vector.load %arg3[%get3A_18, %get3A_19, %get3A_20] : memref<2x1000x32xf32, #tpu.memory_space<vmem>>, vector<1x1000x1xf32>
    %get3A_22 = vector.shape_cast %get3A_21 : vector<1x1000x1xf32> to vector<1000x1xf32>
    %add3A_23 = arith.addf %get3A_17, %get3A_22 : vector<1000x1xf32>
    %add3A_24 = arith.constant 1.000000e+00 : f32
    %add3A_25 = vector.broadcast %add3A_24 : f32 to vector<1000x1xf32>
    %add3A_26 = arith.addf %add3A_23, %add3A_25 : vector<1000x1xf32>
    %rsqrt3A = math.rsqrt %add3A_26 : vector<1000x1xf32>
    %mul3A = vector.broadcast %rsqrt3A : vector<1000x1xf32> to vector<1000x128xf32>
    %mul3A_27 = arith.mulf %add3A_12, %mul3A : vector<1000x128xf32>
    %get3A_28 = arith.constant 0 : index
    %get3A_29 = arith.constant 0 : index
    %get3A_30 = vector.load %arg4[%get3A_28, %get3A_29] : memref<1x128xf32, #tpu.memory_space<vmem>>, vector<1x128xf32>
    %add3A_31 = vector.broadcast %get3A_30 : vector<1x128xf32> to vector<1000x128xf32>
    %add3A_32 = arith.addf %mul3A_27, %add3A_31 : vector<1000x128xf32>
    %swap3A = arith.constant 0 : index
    %swap3A_33 = arith.constant 0 : index
    %swap3A_34 = vector.load %arg5[%swap3A, %swap3A_33] : memref<1000x128xf32, #tpu.memory_space<vmem>>, vector<1000x128xf32>
    tpu.vector_store %arg5[%swap3A, %swap3A_33], %add3A_32 {strides = array<i32>} : memref<1000x128xf32, #tpu.memory_space<vmem>>, vector<1000x128xf32>,
    %eq3A = arith.constant 0 : i32
    %eq3A_35 = arith.cmpi eq, %arg0, %eq3A : i32
    %convert_element_type3A = arith.extui %eq3A_35 : i1 to i32
    %cond3A = arith.constant 0 : i32
    %cond3A_36 = arith.cmpi ne, %convert_element_type3A, %cond3A : i32
    scf.if %cond3A_36 {
      %broadcast_in_dim3A_49 = arith.constant 0.000000e+00 : f32
      %broadcast_in_dim3A_50 = vector.broadcast %broadcast_in_dim3A_49 : f32 to vector<2x128xf32>
      %swap3A_51 = arith.constant 0 : index
      %swap3A_52 = arith.constant 0 : index
      %swap3A_53 = vector.load %arg6[%swap3A_51, %swap3A_52] : memref<2x128xf32, #tpu.memory_space<vmem>>, vector<2x128xf32>
      tpu.vector_store %arg6[%swap3A_51, %swap3A_52], %broadcast_in_dim3A_50 {strides = array<i32>} : memref<2x128xf32, #tpu.memory_space<vmem>>, vector<2x128xf32>,
    } else {
    }
    %get3A_37 = arith.constant 0 : index
    %get3A_38 = arith.constant 0 : index
    %get3A_39 = vector.load %arg6[%get3A_37, %get3A_38] : memref<2x128xf32, #tpu.memory_space<vmem>>, vector<2x128xf32>
    %reduce_sum3A = arith.constant dense<0.000000e+00> : vector<128xf32>
    %reduce_sum3A_40 = vector.multi_reduction <add>, %add3A_32, %reduce_sum3A [0] : vector<1000x128xf32> to vector<128xf32>
    %broadcast_in_dim3A = vector.shape_cast %reduce_sum3A_40 : vector<128xf32> to vector<1x128xf32>
    %mul3A_41 = arith.mulf %add3A_32, %add3A_32 : vector<1000x128xf32>
    %reduce_sum3A_42 = arith.constant dense<0.000000e+00> : vector<128xf32>
    %reduce_sum3A_43 = vector.multi_reduction <add>, %mul3A_41, %reduce_sum3A_42 [0] : vector<1000x128xf32> to vector<128xf32>
    %broadcast_in_dim3A_44 = vector.shape_cast %reduce_sum3A_43 : vector<128xf32> to vector<1x128xf32>
    %concatenate3A = tpu.concatenate %broadcast_in_dim3A, %broadcast_in_dim3A_44 in 0 : vector<1x128xf32>, vector<1x128xf32> -> vector<2x128xf32>
    %add3A_45 = arith.addf %get3A_39, %concatenate3A : vector<2x128xf32>
    %swap3A_46 = arith.constant 0 : index
    %swap3A_47 = arith.constant 0 : index
    %swap3A_48 = vector.load %arg6[%swap3A_46, %swap3A_47] : memref<2x128xf32, #tpu.memory_space<vmem>>, vector<2x128xf32>
    tpu.vector_store %arg6[%swap3A_46, %swap3A_47], %add3A_45 {strides = array<i32>} : memref<2x128xf32, #tpu.memory_space<vmem>>, vector<2x128xf32>,
    return
  }
  func.func @transform_0(%arg0: i32) -> (i32, i32, i32) {
    %c0_i32 = arith.constant 0 : i32
    %c0_i32_0 = arith.constant 0 : i32
    %c0_i32_1 = arith.constant 0 : i32
    return %c0_i32, %arg0, %c0_i32_0 : i32, i32, i32
  }
  func.func @transform_1(%arg0: i32) -> (i32, i32) {
    %c0_i32 = arith.constant 0 : i32
    %c0_i32_0 = arith.constant 0 : i32
    return %arg0, %c0_i32 : i32, i32
  }
  func.func @transform_2(%arg0: i32) -> (i32, i32, i32) {
    %c0_i32 = arith.constant 0 : i32
    %c0_i32_0 = arith.constant 0 : i32
    %c0_i32_1 = arith.constant 0 : i32
    return %c0_i32, %arg0, %c0_i32_0 : i32, i32, i32
  }
  func.func @transform_3(%arg0: i32) -> (i32, i32) {
    %c0_i32 = arith.constant 0 : i32
    %c0_i32_0 = arith.constant 0 : i32
    %c0_i32_1 = arith.constant 0 : i32
    return %c0_i32, %c0_i32_0 : i32, i32
  }
  func.func @transform_4(%arg0: i32) -> (i32, i32) {
    %c0_i32 = arith.constant 0 : i32
    %c0_i32_0 = arith.constant 0 : i32
    return %arg0, %c0_i32 : i32, i32
  }
  func.func @transform_5(%arg0: i32) -> (i32, i32) {
    %c0_i32 = arith.constant 0 : i32
    %c0_i32_0 = arith.constant 0 : i32
    %c0_i32_1 = arith.constant 0 : i32
    return %c0_i32, %c0_i32_0 : i32, i32
  }
}

module attributes {stable_mosaic.version = 14 : i64} {
  func.func @_out_body(%arg0: i32, %arg1: memref<2x1000x64xf32, #tpu.memory_space<vmem>>, %arg2: memref<1000x64xf32, #tpu.memory_space<vmem>>, %arg3: memref<2x1000x32xf32, #tpu.memory_space<vmem>>, %arg4: memref<1x64xf32, #tpu.memory_space<vmem>>, %arg5: memref<1000x64xf32, #tpu.memory_space<vmem>>) attributes {dimension_semantics = [#tpu.dimension_semantics<arbitrary>], iteration_bounds = array<i64: 10>, scalar_prefetch = 0 : i64, scratch_operands = 0 : i64, tpu.core_type = #tpu.core_type<tc>, window_params = [{transform_indices = @transform_0, window_bounds = array<i64: 2, 1000, 64>}, {transform_indices = @transform_1, window_bounds = array<i64: 1000, 64>}, {transform_indices = @transform_2, window_bounds = array<i64: 2, 1000, 32>}, {pipeline_mode = #tpu.pipeline_mode<synchronous>, transform_indices = @transform_3, window_bounds = array<i64: 1, 64>}, {transform_indices = @transform_4, window_bounds = array<i64: 1000, 64>}]} {
    %get3A = arith.constant 0 : index
    %get3A_0 = arith.constant 0 : index
    %get3A_1 = arith.constant 0 : index
    %get3A_2 = vector.load %arg1[%get3A, %get3A_0, %get3A_1] : memref<2x1000x64xf32, #tpu.memory_space<vmem>>, vector<1x1000x64xf32>
    %get3A_3 = vector.shape_cast %get3A_2 : vector<1x1000x64xf32> to vector<1000x64xf32>
    %get3A_4 = arith.constant 1 : index
    %get3A_5 = arith.constant 0 : index
    %get3A_6 = arith.constant 0 : index
    %get3A_7 = vector.load %arg1[%get3A_4, %get3A_5, %get3A_6] : memref<2x1000x64xf32, #tpu.memory_space<vmem>>, vector<1x1000x64xf32>
    %get3A_8 = vector.shape_cast %get3A_7 : vector<1x1000x64xf32> to vector<1000x64xf32>
    %add3A = arith.addf %get3A_3, %get3A_8 : vector<1000x64xf32>
    %get3A_9 = arith.constant 0 : index
    %get3A_10 = arith.constant 0 : index
    %get3A_11 = vector.load %arg2[%get3A_9, %get3A_10] : memref<1000x64xf32, #tpu.memory_space<vmem>>, vector<1000x64xf32>
    %add3A_12 = arith.addf %add3A, %get3A_11 : vector<1000x64xf32>
    %get3A_13 = arith.constant 0 : index
    %get3A_14 = arith.constant 0 : index
    %get3A_15 = arith.constant 0 : index
    %get3A_16 = vector.load %arg3[%get3A_13, %get3A_14, %get3A_15] : memref<2x1000x32xf32, #tpu.memory_space<vmem>>, vector<1x1000x1xf32>
    %get3A_17 = vector.shape_cast %get3A_16 : vector<1x1000x1xf32> to vector<1000x1xf32>
    %get3A_18 = arith.constant 1 : index
    %get3A_19 = arith.constant 0 : index
    %get3A_20 = arith.constant 0 : index
    %get3A_21 = vector.load %arg3[%get3A_18, %get3A_19, %get3A_20] : memref<2x1000x32xf32, #tpu.memory_space<vmem>>, vector<1x1000x1xf32>
    %get3A_22 = vector.shape_cast %get3A_21 : vector<1x1000x1xf32> to vector<1000x1xf32>
    %add3A_23 = arith.addf %get3A_17, %get3A_22 : vector<1000x1xf32>
    %add3A_24 = arith.constant 1.000000e+00 : f32
    %add3A_25 = vector.broadcast %add3A_24 : f32 to vector<1000x1xf32>
    %add3A_26 = arith.addf %add3A_23, %add3A_25 : vector<1000x1xf32>
    %rsqrt3A = math.rsqrt %add3A_26 : vector<1000x1xf32>
    %mul3A = vector.broadcast %rsqrt3A : vector<1000x1xf32> to vector<1000x64xf32>
    %mul3A_27 = arith.mulf %add3A_12, %mul3A : vector<1000x64xf32>
    %get3A_28 = arith.constant 0 : index
    %get3A_29 = arith.constant 0 : index
    %get3A_30 = vector.load %arg4[%get3A_28, %get3A_29] : memref<1x64xf32, #tpu.memory_space<vmem>>, vector<1x64xf32>
    %add3A_31 = vector.broadcast %get3A_30 : vector<1x64xf32> to vector<1000x64xf32>
    %add3A_32 = arith.addf %mul3A_27, %add3A_31 : vector<1000x64xf32>
    %iota3A = tpu.iota {dimensions = array<i32: 1>} : vector<1000x64xi32>
    %lt3A = arith.constant 40 : i32
    %lt3A_33 = vector.broadcast %lt3A : i32 to vector<1000x64xi32>
    %lt3A_34 = arith.cmpi slt, %iota3A, %lt3A_33 : vector<1000x64xi32>
    %jit3A = arith.constant -1.000000e+30 : f32
    %broadcast_in_dim3A = vector.broadcast %jit3A : f32 to vector<1000x64xf32>
    %select_n3A = arith.select %lt3A_34, %add3A_32, %broadcast_in_dim3A : vector<1000x64xi1>, vector<1000x64xf32>
    %reduce_max3A = arith.constant dense<0xFF800000> : vector<1000xf32>
    %reduce_max3A_35 = vector.multi_reduction <maximumf>, %select_n3A, %reduce_max3A [1] : vector<1000x64xf32> to vector<1000xf32>
    %broadcast_in_dim3A_36 = vector.shape_cast %reduce_max3A_35 : vector<1000xf32> to vector<1000x1xf32>
    %sub3A = vector.broadcast %broadcast_in_dim3A_36 : vector<1000x1xf32> to vector<1000x64xf32>
    %sub3A_37 = arith.subf %add3A_32, %sub3A : vector<1000x64xf32>
    %exp3A = math.exp %sub3A_37 : vector<1000x64xf32>
    %jit3A_38 = arith.constant 0.000000e+00 : f32
    %broadcast_in_dim3A_39 = vector.broadcast %jit3A_38 : f32 to vector<1000x64xf32>
    %select_n3A_40 = arith.select %lt3A_34, %exp3A, %broadcast_in_dim3A_39 : vector<1000x64xi1>, vector<1000x64xf32>
    %reduce_sum3A = arith.constant dense<0.000000e+00> : vector<1000xf32>
    %reduce_sum3A_41 = vector.multi_reduction <add>, %select_n3A_40, %reduce_sum3A [1] : vector<1000x64xf32> to vector<1000xf32>
    %broadcast_in_dim3A_42 = vector.shape_cast %reduce_sum3A_41 : vector<1000xf32> to vector<1000x1xf32>
    %log3A = math.log %broadcast_in_dim3A_42 : vector<1000x1xf32>
    %sub3A_43 = vector.broadcast %broadcast_in_dim3A_36 : vector<1000x1xf32> to vector<1000x64xf32>
    %sub3A_44 = arith.subf %add3A_32, %sub3A_43 : vector<1000x64xf32>
    %sub3A_45 = vector.broadcast %log3A : vector<1000x1xf32> to vector<1000x64xf32>
    %sub3A_46 = arith.subf %sub3A_44, %sub3A_45 : vector<1000x64xf32>
    %swap3A = arith.constant 0 : index
    %swap3A_47 = arith.constant 0 : index
    %swap3A_48 = vector.load %arg5[%swap3A, %swap3A_47] : memref<1000x64xf32, #tpu.memory_space<vmem>>, vector<1000x64xf32>
    tpu.vector_store %arg5[%swap3A, %swap3A_47], %sub3A_46 {strides = array<i32>} : memref<1000x64xf32, #tpu.memory_space<vmem>>, vector<1000x64xf32>,
    return
  }
  func.func @transform_0(%arg0: i32) -> (i32, i32, i32) {
    %c0_i32 = arith.constant 0 : i32
    %c0_i32_0 = arith.constant 0 : i32
    %c0_i32_1 = arith.constant 0 : i32
    return %c0_i32, %arg0, %c0_i32_0 : i32, i32, i32
  }
  func.func @transform_1(%arg0: i32) -> (i32, i32) {
    %c0_i32 = arith.constant 0 : i32
    %c0_i32_0 = arith.constant 0 : i32
    return %arg0, %c0_i32 : i32, i32
  }
  func.func @transform_2(%arg0: i32) -> (i32, i32, i32) {
    %c0_i32 = arith.constant 0 : i32
    %c0_i32_0 = arith.constant 0 : i32
    %c0_i32_1 = arith.constant 0 : i32
    return %c0_i32, %arg0, %c0_i32_0 : i32, i32, i32
  }
  func.func @transform_3(%arg0: i32) -> (i32, i32) {
    %c0_i32 = arith.constant 0 : i32
    %c0_i32_0 = arith.constant 0 : i32
    %c0_i32_1 = arith.constant 0 : i32
    return %c0_i32, %c0_i32_0 : i32, i32
  }
  func.func @transform_4(%arg0: i32) -> (i32, i32) {
    %c0_i32 = arith.constant 0 : i32
    %c0_i32_0 = arith.constant 0 : i32
    return %arg0, %c0_i32 : i32, i32
  }
}

</mosaic_0001>

<sc_bundles>
// kernel: kernel.12.cloned.1.call-start
scs
__scs_entry_jumppad:
0x0: {  	(pc) =	sbr.rel $0x88, $3  }
0x1: {  	(tag) =	ssettag $0x0;
	lr =	simm.s32 $0x1  }
0x2: {  	[smem:$0x3F99] =	sst lr;
	_ =	strace $0xD0000000  }
0x3: {  	_ = 	snop  }
0x4: {  	_ = 	snop  }
0x5: {  	_ = 	snop  }
0x6: {  	_ = 	snop  }
0x7: {  	_ = 	snop  }
__scs_overlays_trampoline_lowered:
0x8: {  	[smem:$0x3FA8] =	sst s0  }
0x9: {  	[smem:$0x3FA9] =	sst s1  }
0xa: {  	[smem:$0x3FAA] =	sst s2  }
0xb: {  	[smem:$0x3FAB] =	sst s3  }
0xc: {  	[smem:$0x3FAC] =	sst s4  }
0xd: {  	[smem:$0x3FAD] =	sst s5  }
0xe: {  	[smem:$0x3FAE] =	sst s6  }
0xf: {  	[smem:$0x3FAF] =	sst s7  }
0x10: {  	[smem:$0x3FB0] =	sst s8  }
0x11: {  	[smem:$0x3FB1] =	sst s9;
	s0 =	simm.s32 @!p0 $0x0  }
0x12: {  	s1 =	sld [smem:$0x3F97];
	s0 =	simm.s32 @p0 $0x1  }
0x13: {  	[smem:$0x3FB2] =	sst s0;
	s0 =	simm.s32 @!p1 $0x0  }
0x14: {  	s2 =	sld [smem:$0x3F96];
	s0 =	simm.s32 @p1 $0x1  }
0x15: {  	[smem:$0x3FB3] =	sst s0;
	s0 =	simm.s32 @!p2 $0x0  }
0x16: {  	s3 =	sld [smem:$0x3FDB];
	s0 =	simm.s32 @p2 $0x1  }
0x17: {  	s4 =	simm.s32 $0x1BF5;
	[smem:$0x3FB5] =	sst s0  }
0x18: {  	s0 =	sld [smem:$0x3F98];
	_ =	swait.ge [sflag:s4], $0x0  }
0x19: {  	s7 =	sld [smem:$0x3F99]  }
0x1a: {  	s8 =	sadd.s32 $0xFFFFE003, lr  }
0x1b: {  	s9 =	sadd.s32 $0xFFFFFEF7, lr;
	s5 =	simm.s32 $0xFFFFFFFF;
	p2 =	slt.u32 s8, $0xFFFFF086  }
0x1c: {  	p1 =	slt.u32 s9, $0xF7A;
	s5 =	simm.s32 @!p2 $0x0  }
0x1d: {  	s5 =	simm.s32 @p1 $0x1;
	p0 =	seq.s32 s7, s2  }
0x1e: {  	s7 =	smul.u32 @!p0 $0xF7A, s2;
	p2 =	seq.s32 @!p0 s5, $0x0  }
0x1f: {  	s9 =	smul.u32 $0xF7A, s1;
	s8 =	simm.s32 @!p0 $0x1BF5;
	p2 =	por !p2, p0  }
0x20: {  	[sflag:s8] =	ssyncset.s32 @!p0 $0xFFFFF086;
	s6 =	sadd.s32 @!p0 s3, s7;
	s7 =	simm.s32 @!p0 $0x108  }
0x21: {  	s3 =	sadd.s32 s3, s9;
	s6 =	sadd.s32 @!p0 $0x88, s6;
	s7 =	simm.s32 @p2 $0x1082  }
0x22: {  	[simem:s7], [sflag:s8] =	dma.local @!p0 [hbm:s6], $0xF7A  }
0x23: {  	s9 =	sor.u32 $0xD0000000, s2;
	s6 =	simm.s32 $0x108;
	_ =	swait.ge @!p0 [sflag:s8], $0x0  }
0x24: {  	s3 =	sadd.s32 $0x88, s3;
	s6 =	simm.s32 @!p1 $0x1082;
	[sflag:s4] =	ssyncset.s32 $0xFFFFF086  }
0x25: {  	[simem:s6], [sflag:s4] =	dma.local [hbm:s3], $0xF7A  }
0x26: {  	[smem:$0x3F99] =	sst s1;
	(tag) =	ssettag s2;
	_ =	strace s9  }
0x27: {  	s1 =	sld [smem:$0x3FA9]  }
0x28: {  	s2 =	sld [smem:$0x3FAA]  }
0x29: {  	s4 =	sld [smem:$0x3FAC]  }
0x2a: {  	p0 =	seq.s32 s5, $0x0;
	s5 =	sld [smem:$0x3FAD]  }
0x2b: {  	s6 =	sld [smem:$0x3FAE]  }
0x2c: {  	s7 =	sld [smem:$0x3FAF]  }
0x2d: {  	s3 =	simm.s32 $0x108;
	s8 =	sld [smem:$0x3FB0]  }
0x2e: {  	s3 =	simm.s32 @!p0 $0x1082;
	s9 =	sld [smem:$0x3FB1]  }
0x2f: {  	lr =	sadd.s32 s0, s3;
	s0 =	sld [smem:$0x3FA8]  }
0x30: {  	s3 =	sld [smem:$0x3FAB]  }
0x31: {  	[smem:$0x3FB4] =	sst s10  }
0x32: {  	s10 =	sld [smem:$0x3FB2];
	_ =	sdelay $0x3  }
0x33: {  	p0 =	seq.s32 s10, $0x1;
	s10 =	sld [smem:$0x3FB4];
	_ =	sdelay $0x3  }
0x34: {  	[smem:$0x3FB4] =	sst s10  }
0x35: {  	s10 =	sld [smem:$0x3FB3];
	_ =	sdelay $0x3  }
0x36: {  	p1 =	seq.s32 s10, $0x1;
	s10 =	sld [smem:$0x3FB4];
	_ =	sdelay $0x3  }
0x37: {  	[smem:$0x3FB4] =	sst s10  }
0x38: {  	s10 =	sld [smem:$0x3FB5]  }
0x39: {  	_ = 	snop;
	(pc) =	sbr.ind lr, $3  }
0x3a: {  	_ = 	snop  }
0x3b: {  	_ = 	snop  }
0x3c: {  	p2 =	seq.s32 s10, $0x1;
	s10 =	sld [smem:$0x3FB4]  }
0x3d: {  	_ =	shalt  }
0x3e: {  	_ =	shalt  }
0x3f: {  	_ =	shalt  }
0x40: {  	_ =	shalt  }
0x41: {  	_ =	shalt  }
0x42: {  	_ =	shalt  }
0x43: {  	_ =	shalt  }
0x44: {  	_ =	shalt  }
0x45: {  	_ =	shalt  }
0x46: {  	_ =	shalt  }
0x47: {  	_ =	shalt  }
0x48: {  	_ =	shalt  }
0x49: {  	_ =	shalt  }
0x4a: {  	_ =	shalt  }
0x4b: {  	_ =	shalt  }
0x4c: {  	_ =	shalt  }
0x4d: {  	_ =	shalt  }
0x4e: {  	_ =	shalt  }
0x4f: {  	_ =	shalt  }
0x50: {  	_ =	shalt  }
0x51: {  	_ =	shalt  }
0x52: {  	_ =	shalt  }
0x53: {  	_ =	shalt  }
0x54: {  	_ =	shalt  }
0x55: {  	_ =	shalt  }
0x56: {  	_ =	shalt  }
0x57: {  	_ =	shalt  }
0x58: {  	_ =	shalt  }
0x59: {  	_ =	shalt  }
0x5a: {  	_ =	shalt  }
0x5b: {  	_ =	shalt  }
0x5c: {  	_ =	shalt  }
0x5d: {  	_ =	shalt  }
0x5e: {  	_ =	shalt  }
0x5f: {  	_ =	shalt  }
0x60: {  	_ =	shalt  }
0x61: {  	_ =	shalt  }
0x62: {  	_ =	shalt  }
0x63: {  	_ =	shalt  }
0x64: {  	_ =	shalt  }
0x65: {  	_ =	shalt  }
0x66: {  	_ =	shalt  }
0x67: {  	_ =	shalt  }
0x68: {  	_ =	shalt  }
0x69: {  	_ =	shalt  }
0x6a: {  	_ =	shalt  }
0x6b: {  	_ =	shalt  }
0x6c: {  	_ =	shalt  }
0x6d: {  	_ =	shalt  }
0x6e: {  	_ =	shalt  }
0x6f: {  	_ =	shalt  }
0x70: {  	_ =	shalt  }
0x71: {  	_ =	shalt  }
0x72: {  	_ =	shalt  }
0x73: {  	_ =	shalt  }
0x74: {  	_ =	shalt  }
0x75: {  	_ =	shalt  }
0x76: {  	_ =	shalt  }
0x77: {  	_ =	shalt  }
0x78: {  	_ =	shalt  }
0x79: {  	_ =	shalt  }
0x7a: {  	_ =	shalt  }
0x7b: {  	_ =	shalt  }
0x7c: {  	_ =	shalt  }
0x7d: {  	_ =	shalt  }
0x7e: {  	_ =	shalt  }
0x7f: {  	_ =	shalt  }
0x80: {  	_ =	shalt  }
0x81: {  	_ =	shalt  }
0x82: {  	_ =	shalt  }
0x83: {  	_ =	shalt  }
0x84: {  	_ =	shalt  }
0x85: {  	_ =	shalt  }
0x86: {  	_ =	shalt  }
0x87: {  	_ =	shalt  }
.Lfunc_end0:
.L_simem_size_0:
called_computation.1_lowered:
.L_overlay_start_0:
0x88: {  	s2 =	sld [smem:$0x3FD9]  }
0x89: {  	s3 =	sld [smem:$0x3FFE];
	_ =	sdelay $0x1  }
0x8a: {  	s1 =	srdreg.scid  }
0x8b: {  	s0 =	sand.u32 $0x1, s1  }
0x8c: {  	s17 =	sshll.u32 s0, $0xA;
	s2 =	sadd.s32 s3, s2  }
0x8d: {  	s2 =	sadd.s32 s2, s17  }
0x8e: {  	[smem:$0x3FC0] =	sst s2  }
0x8f: {  	_ = 	snop  }
0x90: {  	s2 =	sld [smem:$0x3FD0];
	(tm) =	ssettm $0x1  }
0x91: {  	s18 =	sld [smem:$0x3FFB];
	_ =	sdelay $0x3  }
0x92: {  	_ =	strace s18  }
0x93: {  	s3 =	sld [smem:$0x3FFC];
	_ =	sdelay $0x3  }
0x94: {  	_ =	strace s3  }
0x95: {  	s3 =	sld [smem:$0x3FFD];
	_ =	sdelay $0x3  }
0x96: {  	_ =	strace s3  }
0x97: {  	_ =	strace $0x8FFFFFFF  }
0x98: {  	s19 =	sld [smem:$0x3FDB];
	_ =	sdelay $0x1  }
0x99: {  	s4 =	simm.s32 $_scs_section_size  }
0x9a: {  	s5 =	simm.s32 $_size__tile_overlayer_lowered;
	s6 =	simm.s32 $_tile_overlayer_lowered  }
0x9b: {  	s22 =	simm.s32 $0x1BFF;
	s21 =	sshll.u32 s6, $0x1;
	s3 =	sadd.s32 s4, s19  }
0x9c: {  	s7 =	simm.s32 $0x0;
	s20 =	sshll.u32 s5, $0x1;
	s5 =	sadd.s32 s21, s3  }
0x9d: {  	[timem:s7], [sflag:s22] =	dma.local [hbm:s5], s20  }
0x9e: {  	_ =	swait.ge [sflag:s22], s20  }
0x9f: {  	s4 =	ssub.s32 $0x0, s20;
	[sflag:s22] =	ssyncset.done $0x0  }
0xa0: {  	[sflag:s22] =	ssyncadd.s32 s4;
	_ =	sdelay $0x1  }
0xa1: {  	s23 =	simm.s32 $0x1B8B  }
0xa2: {  	_ =	swait.ge [sflag:s23], $0x1  }
0xa3: {  	[sflag:s23] =	ssyncset.done $0x0  }
0xa4: {  	s25 =	simm.s32 $0x1B8E;
	s24 =	sld [smem:$0x3FFE];
	[sflag:s23] =	ssyncadd.s32 $0xFFFFFFFF  }
0xa5: {  	s26 =	simm.s32 $execute0_lowered;
	[smem:$0x3FD2] =	sst s25  }
0xa6: {  	s5 =	sshll.u32 s26, $0x1;
	_ =	strace $0x80000049;
	[dreg:$0x1] =	wrdreg $0xFFFFFFFF  }
0xa7: {  	s28 =	simm.s32 $_size_execute0_lowered;
	s3 =	sadd.s32 s3, s5;
	[dreg:$0x0] =	wrdreg $0x0  }
0xa8: {  	s5 =	sshll.u32 s28, $0x1;
	[dreg:$0x2] =	wrdreg s3  }
0xa9: {  	[dreg:$0x3] =	wrdreg s5  }
0xaa: {  	[dreg:$0x4] =	wrdreg $0xC0  }
0xab: {  	_ =	task [dreg:s7], $0x5FFFF  }
0xac: {  	[dreg:$0x1] =	wrdreg $0xFFFFFFFF  }
0xad: {  	[dreg:$0x0] =	wrdreg $0x60  }
0xae: {  	[dreg:$0x2] =	wrdreg s24  }
0xaf: {  	[dreg:$0x3] =	wrdreg s2  }
0xb0: {  	[dreg:$0x4] =	wrdreg $0x0  }
0xb1: {  	[dreg:$0x5] =	wrdreg $0x9  }
0xb2: {  	_ =	task.clear_ibuf [dreg:s7], $0x6FFFF;
	_ =	strace $0x90000049  }
0xb3: {  	s29 =	simm.s32 $0x9;
	_ =	strace $0x8000004B  }
0xb4: {  	_ =	swait.ge [sflag:s29], $0x1  }
0xb5: {  	[sflag:s29] =	ssyncadd.s32 $0xFFFFFFFF  }
0xb6: {  	_ =	strace $0x9000004B  }
0xb7: {  	_ =	sfence  }
0xb8: {  	s30 =	sld [smem:$0x0];
	_ =	sdelay $0x2  }
0xb9: {  	s31 =	sshll.u32 s1, $0xD;
	s1 =	sshrl.u32 s1, $0x2  }
0xba: {  	s3 =	sand.u32 $0x4000, s31;
	s1 =	sadd.s32 s1, s30  }
0xbb: {  	s0 =	sor.u32 s3, s0;
	s1 =	sshll.u32 s1, $0x11  }
0xbc: {  	s0 =	sor.u32 s1, s0  }
0xbd: {  	s0 =	sadd.s32 $0x8F2B, s0  }
0xbe: {  	[sflag:s0] =	ssyncadd.remote.s32 $0x1  }
0xbf: {  	_ =	sfence.sel $0xFFFF  }
0xc0: {  	[dreg:$0x0] =	wrdreg $0xFFFFFFFF;
	(pc) =	sbr.abs _section_cstart, $3  }
0xc1: {  	[dreg:$0x1] =	wrdreg $0xFFFFFFFF  }
0xc2: {  	_ =	task.clear_ibuf [dreg:s7], $0x2FFFF;
	_ =	strace $0x9FFFFFFF  }
0xc3: {  	(tm) =	ssettm $0x7FFFFFFF  }
tec
execute0_lowered:
.L_overlay_start_1:
0x0: {  	(tag) =	ssettag $0x1  }
0x1: {  	s0 =	rddreg [dreg:$0x0]  }
0x2: {  	s1 =	rddreg [dreg:$0x1]  }
0x3: {  	s2 =	rddreg [dreg:$0x2]  }
0x4: {  	s3 =	srdreg.scid;
	s11 =	stileid.u32  }
0x5: {  	s4 =	simm.s32 $0x0;
	s28 =	simm.s32 $0x6;
	s8 =	smul.u32 $0x14000, s11  }
0x6: {  	s29 =	simm.s32 $0x18000;
	s30 =	simm.s32 $0x1;
	s9 =	smul.u32 $0x50000, s11  }
0x7: {  	s3 =	sand.u32 $0x1, s3;
	[smem:$0x7FF] =	sst s4;
	s11 =	smul.u32 $0x50, s11  }
0x8: {  	s5 =	sadd.s32 $0x5D800, s0;
	s6 =	sadd.s32 $0x3800, s0;
	s7 =	smul.u32 $0x140000, s3  }
0x9: {  	_ =	strace $0x8000004A;
	s17 =	ssub.s32 $0x2, s3;
	p0 =	seq.s32 s3, $0x0  }
0xa: {  	s10 =	sshrl.u32 s17, $0x1;
	s18 =	sshrl.u32 s9, $0x2;
	s3 =	sadd.s32 $0x500, s11  }
0xb: {  	s7 =	sadd.s32 s8, s7;
	s8 =	ssub.s32 s17, s10;
	s3 =	smov.u32 @p0 s11  }
0xc: {  	s7 =	sshrl.u32 s7, $0x3;
	s12 =	sshll.u32 s3, $0x4;
	s26 =	smax.u32 s8, $0x1  }
0xd: {  	s0 =	sadd.s32 s7, s0;
	s3 =	sadd.s32 s6, s12;
	[dreg:$0xd] =	wrdreg s26  }
0xe: {  	s7 =	sadd.s32 s18, s2;
	s23 =	sadd.s32 s1, s12;
	[dreg:$0x8] =	wrdreg s3  }
0xf: {  	s31 =	simm.s32 $0x7;
	s19 =	sadd.s32 $0x4000, s7;
	[dreg:$0x9] =	wrdreg s23  }
0x10: {  	s9 =	simm.s32 $0x4;
	s20 =	sadd.s32 $0x8000, s7;
	[dreg:$0x4] =	wrdreg s19  }
0x11: {  	s10 =	simm.s32 $0x0;
	s21 =	sadd.s32 $0xC000, s7;
	[dreg:$0x5] =	wrdreg s20  }
0x12: {  	s24 =	sor.u32 $0x10, s12;
	s22 =	sadd.s32 $0x10000, s7;
	[dreg:$0x6] =	wrdreg s21  }
0x13: {  	s8 =	simm.s32 $0x3;
	s25 =	sadd.s32 s6, s24;
	[dreg:$0x7] =	wrdreg s22  }
0x14: {  	s26 =	simm.s32 $0x80;
	s3 =	sadd.s32 s1, s24;
	[dreg:$0xa] =	wrdreg s25  }
0x15: {  	s0 =	sadd.s32 $0x84A00, s0;
	s23 =	simm.s32 $0x1C080;
	[dreg:$0xb] =	wrdreg s3  }
0x16: {  	s24 =	simm.s32 $0x1C180;
	[dreg:$0xc] =	wrdreg s0;
	s19 =	simm.s32 $0x14000  }
0x17: {  	s20 =	simm.s32 $0x9;
	s21 =	simm.s32 $0x1C000;
	s22 =	simm.s32 $0x1C100  }
0x18: {  	v0 =	vimm.f32 $0.0e+00;
	s25 =	simm.s32 $0x5;
	s0 =	simm.s32 $0x2;
	s3 =	simm.s32 $0x8  }
.LBB2_1:
0x19: {  	s11 =	simm.s32 $0x0;
	s13 =	simm.s32 $0x200  }
.LBB2_2:
0x1a: {  	p0 =	sne.s32 s13, $0xFE00;
	[tilespmem:s11+$0x14070] =	vst v0  }
0x1b: {  	[tilespmem:s11+$0x14000] =	vst v0  }
0x1c: {  	[tilespmem:s11+$0x14010] =	vst v0  }
.Ltmp0:
0x1d: {  	[tilespmem:s11+$0x14020] =	vst v0;
	(pc) =	sbr.rel @p0 .LBB2_2-.Ltmp0, $4  }
0x1e: {  	[tilespmem:s11+$0x14030] =	vst v0  }
0x1f: {  	[tilespmem:s11+$0x14040] =	vst v0  }
0x20: {  	[tilespmem:s11+$0x14050] =	vst v0  }
0x21: {  	[tilespmem:s11+$0x14060] =	vst v0;
	s11 =	sshra.s32 s13, $0x2;
	s13 =	sadd.s32 $0x200, s13  }
0x22: {  	[tilespmem:s11+$0x14070] =	vst v0  }
0x23: {  	[tilespmem:s11+$0x14000] =	vst v0  }
0x24: {  	[tilespmem:s11+$0x14010] =	vst v0  }
0x25: {  	[tilespmem:s11+$0x14020] =	vst v0  }
0x26: {  	[tilespmem:s11+$0x14030] =	vst v0  }
0x27: {  	[tilespmem:s11+$0x14040] =	vst v0  }
0x28: {  	[tilespmem:s11+$0x14050] =	vst v0  }
0x29: {  	[tilespmem:s11+$0x14060] =	vst v0  }
0x2a: {  	[spmem:s7] =	stream.linear.scatter [tilespmem:s19], [sflag:$0x9], $0x4000, $0x38;
	[tilespmem:$0x1C200] =	vst v63  }
0x2b: {  	_ =	swait.ge [sflag:s20], $0x4000  }
0x2c: {  	[sflag:s20] =	ssyncset.done $0x0  }
0x2d: {  	s16 =	rddreg [dreg:$0x4];
	[sflag:s20] =	ssyncadd.s32 $0xFFFFC000  }
0x2e: {  	[spmem:s16] =	stream.linear.scatter [tilespmem:s19], [sflag:$0x9], $0x4000, $0x38;
	[tilespmem:$0x1C200] =	vst v63  }
0x2f: {  	_ =	swait.ge [sflag:s20], $0x4000  }
0x30: {  	[sflag:s20] =	ssyncset.done $0x0  }
0x31: {  	s17 =	rddreg [dreg:$0x5];
	[sflag:s20] =	ssyncadd.s32 $0xFFFFC000  }
0x32: {  	[spmem:s17] =	stream.linear.scatter [tilespmem:s19], [sflag:$0x9], $0x4000, $0x38;
	[tilespmem:$0x1C200] =	vst v63  }
0x33: {  	_ =	swait.ge [sflag:s20], $0x4000  }
0x34: {  	[sflag:s20] =	ssyncset.done $0x0  }
0x35: {  	s18 =	rddreg [dreg:$0x6];
	[sflag:s20] =	ssyncadd.s32 $0xFFFFC000  }
0x36: {  	[spmem:s18] =	stream.linear.scatter [tilespmem:s19], [sflag:$0x9], $0x4000, $0x38;
	[tilespmem:$0x1C200] =	vst v63  }
0x37: {  	_ =	swait.ge [sflag:s20], $0x4000  }
0x38: {  	[sflag:s20] =	ssyncset.done $0x0  }
0x39: {  	s13 =	rddreg [dreg:$0x7];
	[sflag:s20] =	ssyncadd.s32 $0xFFFFC000  }
0x3a: {  	[spmem:s13] =	stream.linear.scatter [tilespmem:s19], [sflag:$0x9], $0x4000, $0x38;
	[tilespmem:$0x1C200] =	vst v63  }
0x3b: {  	_ =	swait.ge [sflag:s20], $0x4000  }
0x3c: {  	[sflag:s20] =	ssyncset.done $0x0  }
0x3d: {  	[sflag:s20] =	ssyncadd.s32 $0xFFFFC000  }
0x3e: {  	[bflag:$0x0] =	sbarrier.arrive $0xFFFF  }
0x3f: {  	s14 =	rddreg [dreg:$0x8]  }
0x40: {  	[tilespmem:s21], [sflag:$0x5] =	stream.linear.gather [hbm4b:s14+s4], $0x80, $0x38;
	[tilespmem:$0x1C200] =	vst v63  }
0x41: {  	s15 =	rddreg [dreg:$0x9]  }
0x42: {  	[tilespmem:s22], [sflag:$0x7] =	stream.linear.gather [hbm4b:s15+s4], $0x80, $0x38;
	[tilespmem:$0x1C200] =	vst v63  }
0x43: {  	s16 =	rddreg [dreg:$0xa]  }
0x44: {  	[tilespmem:s23], [sflag:$0x6] =	stream.linear.gather [hbm4b:s16+s4], $0x80, $0x38;
	[tilespmem:$0x1C200] =	vst v63  }
0x45: {  	s17 =	rddreg [dreg:$0xb]  }
0x46: {  	[tilespmem:s24], [sflag:$0x8] =	stream.linear.gather [hbm4b:s17+s4], $0x80, $0x38;
	[tilespmem:$0x1C200] =	vst v63  }
0x47: {  	_ =	swait.ge [sflag:s25], $0x80  }
0x48: {  	[sflag:s25] =	ssyncset.done $0x0  }
0x49: {  	[sflag:s25] =	ssyncadd.s32 $0xFFFFFF80  }
0x4a: {  	[tilespmem:s19], [sflag:$0x1] =	stream.indirect.gather [hbm4b:s5+s26], $0x80, s21, s26, $0xb8;
	[tilespmem:$0x1C200] =	vst v63  }
0x4b: {  	_ =	swait.ge [sflag:s28], $0x80  }
0x4c: {  	[sflag:s28] =	ssyncset.done $0x0  }
0x4d: {  	s18 =	sadd.s32 $0xFFFFFB20, s12;
	s13 =	simm.s32 $0x20;
	[sflag:s28] =	ssyncadd.s32 $0xFFFFFF80  }
0x4e: {  	[tilespmem:s29], [sflag:$0x2] =	stream.indirect.gather [hbm4b:s5+s26], $0x80, s23, s26, $0xb8;
	[tilespmem:$0x1C200] =	vst v63  }
0x4f: {  	s13 =	sand.u32 $0x60, s13;
	s14 =	sadd.s32 $0x500, s18;
	_ =	swait.ge [sflag:s30], $0x4000  }
0x50: {  	s14 =	sand.u32 $0xFFFFF80, s14;
	s15 =	sadd.s32 s6, s13;
	[sflag:s30] =	ssyncset.done $0x0  }
0x51: {  	s15 =	sadd.s32 s14, s15;
	[sflag:s30] =	ssyncadd.s32 $0xFFFFC000  }
0x52: {  	[tilespmem:s21], [sflag:$0x5] =	stream.linear.gather [hbm4b:s15+s4], $0x80, $0x38;
	[tilespmem:$0x1C200] =	vst v63  }
0x53: {  	_ =	swait.ge [sflag:s31], $0x80  }
0x54: {  	[sflag:s31] =	ssyncset.done $0x0  }
0x55: {  	s16 =	simm.s32 $0x30;
	[sflag:s31] =	ssyncadd.s32 $0xFFFFFF80  }
0x56: {  	[spmem:s2] =	stream.indirect.scatter.add.f32 [tilespmem:s19], [sflag:$0x3], $0x80, s22, s26, $0xb8;
	[tilespmem:$0x1C200] =	vst v63  }
0x57: {  	s11 =	sadd.s32 $0x510, s18;
	s15 =	sand.u32 $0x70, s16;
	_ =	swait.ge [sflag:s0], $0x4000  }
0x58: {  	s11 =	sand.u32 $0xFFFFF80, s11;
	s16 =	sadd.s32 s6, s15;
	[sflag:s0] =	ssyncset.done $0x0  }
0x59: {  	s16 =	sadd.s32 s11, s16;
	[sflag:s0] =	ssyncadd.s32 $0xFFFFC000  }
0x5a: {  	[tilespmem:s23], [sflag:$0x6] =	stream.linear.gather [hbm4b:s16+s4], $0x80, $0x38;
	[tilespmem:$0x1C200] =	vst v63  }
0x5b: {  	_ =	swait.ge [sflag:s3], $0x80  }
0x5c: {  	[sflag:s3] =	ssyncset.done $0x0  }
0x5d: {  	[sflag:s3] =	ssyncadd.s32 $0xFFFFFF80  }
0x5e: {  	[spmem:s2] =	stream.indirect.scatter.add.f32 [tilespmem:s29], [sflag:$0x4], $0x80, s24, s26, $0xb8;
	[tilespmem:$0x1C200] =	vst v63  }
0x5f: {  	_ =	swait.ge [sflag:s8], $0x4000  }
0x60: {  	s13 =	sadd.s32 s1, s13;
	[sflag:s8] =	ssyncset.done $0x0  }
0x61: {  	s13 =	sadd.s32 s14, s13;
	[sflag:s8] =	ssyncadd.s32 $0xFFFFC000  }
0x62: {  	[tilespmem:s22], [sflag:$0x7] =	stream.linear.gather [hbm4b:s13+s4], $0x80, $0x38;
	[tilespmem:$0x1C200] =	vst v63  }
0x63: {  	_ =	swait.ge [sflag:s25], $0x80  }
0x64: {  	[sflag:s25] =	ssyncset.done $0x0  }
0x65: {  	[sflag:s25] =	ssyncadd.s32 $0xFFFFFF80  }
0x66: {  	[tilespmem:s19], [sflag:$0x1] =	stream.indirect.gather [hbm4b:s5+s26], $0x80, s21, s26, $0xb8;
	[tilespmem:$0x1C200] =	vst v63  }
0x67: {  	_ =	swait.ge [sflag:s9], $0x4000  }
0x68: {  	s17 =	sadd.s32 s1, s15;
	[sflag:s9] =	ssyncset.done $0x0  }
0x69: {  	s11 =	sadd.s32 s11, s17;
	[sflag:s9] =	ssyncadd.s32 $0xFFFFC000  }
0x6a: {  	[tilespmem:s24], [sflag:$0x8] =	stream.linear.gather [hbm4b:s11+s4], $0x80, $0x38;
	[tilespmem:$0x1C200] =	vst v63  }
0x6b: {  	_ =	swait.ge [sflag:s28], $0x80  }
0x6c: {  	s18 =	simm.s32 $0x40;
	s15 =	sadd.s32 $0xFFFFFB40, s12;
	[sflag:s28] =	ssyncset.done $0x0  }
0x6d: {  	s17 =	sadd.s32 $0x500, s15;
	s16 =	sand.u32 $0x60, s18;
	[sflag:s28] =	ssyncadd.s32 $0xFFFFFF80  }
0x6e: {  	[tilespmem:s29], [sflag:$0x2] =	stream.indirect.gather [hbm4b:s5+s26], $0x80, s23, s26, $0xb8;
	[tilespmem:$0x1C200] =	vst v63  }
0x6f: {  	s14 =	sand.u32 $0xFFFFF80, s17;
	s17 =	sadd.s32 s6, s16;
	_ =	swait.ge [sflag:s30], $0x4000  }
0x70: {  	s13 =	simm.s32 $0xFFFFFB60;
	s11 =	simm.s32 $0xFFFFFB40;
	[sflag:s30] =	ssyncset.done $0x0  }
.LBB2_4:
0x71: {  	s17 =	sadd.s32 s14, s17  }
0x72: {  	s16 =	sadd.s32 s1, s16;
	[sflag:s30] =	ssyncadd.s32 $0xFFFFC000;
	s18 =	smov.u32 s13  }
0x73: {  	[tilespmem:s21], [sflag:$0x5] =	stream.linear.gather [hbm4b:s17+s4], $0x80, $0x38;
	[tilespmem:$0x1C200] =	vst v63  }
0x74: {  	s15 =	sadd.s32 $0x510, s15;
	s14 =	sadd.s32 s14, s16;
	_ =	swait.ge [sflag:s31], $0x80  }
0x75: {  	p0 =	sne.s32 s13, $0xFFFFFFE0;
	s13 =	sadd.s32 $0x20, s13;
	[sflag:s31] =	ssyncset.done $0x0  }
0x76: {  	s16 =	sadd.s32 $0x510, s11;
	s11 =	smov.u32 s18;
	[sflag:s31] =	ssyncadd.s32 $0xFFFFFF80  }
0x77: {  	[spmem:s2] =	stream.indirect.scatter.add.f32 [tilespmem:s19], [sflag:$0x3], $0x80, s22, s26, $0xb8;
	[tilespmem:$0x1C200] =	vst v63  }
0x78: {  	s16 =	sand.u32 $0x70, s16;
	_ =	swait.ge [sflag:s0], $0x4000  }
0x79: {  	s15 =	sand.u32 $0xFFFFF80, s15;
	s17 =	sadd.s32 s6, s16;
	[sflag:s0] =	ssyncset.done $0x0  }
0x7a: {  	s17 =	sadd.s32 s15, s17;
	[sflag:s0] =	ssyncadd.s32 $0xFFFFC000  }
0x7b: {  	[tilespmem:s23], [sflag:$0x6] =	stream.linear.gather [hbm4b:s17+s4], $0x80, $0x38;
	[tilespmem:$0x1C200] =	vst v63  }
0x7c: {  	_ =	swait.ge [sflag:s3], $0x80  }
0x7d: {  	[sflag:s3] =	ssyncset.done $0x0  }
0x7e: {  	[sflag:s3] =	ssyncadd.s32 $0xFFFFFF80  }
0x7f: {  	[spmem:s2] =	stream.indirect.scatter.add.f32 [tilespmem:s29], [sflag:$0x4], $0x80, s24, s26, $0xb8;
	[tilespmem:$0x1C200] =	vst v63  }
0x80: {  	_ =	swait.ge [sflag:s8], $0x4000  }
0x81: {  	[sflag:s8] =	ssyncset.done $0x0  }
0x82: {  	[sflag:s8] =	ssyncadd.s32 $0xFFFFC000  }
0x83: {  	[tilespmem:s22], [sflag:$0x7] =	stream.linear.gather [hbm4b:s14+s4], $0x80, $0x38;
	[tilespmem:$0x1C200] =	vst v63  }
0x84: {  	_ =	swait.ge [sflag:s25], $0x80  }
0x85: {  	[sflag:s25] =	ssyncset.done $0x0  }
0x86: {  	[sflag:s25] =	ssyncadd.s32 $0xFFFFFF80  }
0x87: {  	[tilespmem:s19], [sflag:$0x1] =	stream.indirect.gather [hbm4b:s5+s26], $0x80, s21, s26, $0xb8;
	[tilespmem:$0x1C200] =	vst v63  }
0x88: {  	_ =	swait.ge [sflag:s9], $0x4000  }
0x89: {  	s14 =	sadd.s32 s1, s16;
	[sflag:s9] =	ssyncset.done $0x0  }
0x8a: {  	s14 =	sadd.s32 s15, s14;
	[sflag:s9] =	ssyncadd.s32 $0xFFFFC000  }
0x8b: {  	[tilespmem:s24], [sflag:$0x8] =	stream.linear.gather [hbm4b:s14+s4], $0x80, $0x38;
	[tilespmem:$0x1C200] =	vst v63  }
0x8c: {  	_ =	swait.ge [sflag:s28], $0x80  }
.Ltmp1:
0x8d: {  	[sflag:s28] =	ssyncset.done $0x0;
	(pc) =	sbr.rel @p0 .LBB2_4-.Ltmp1, $4  }
0x8e: {  	s15 =	sadd.s32 s11, s12;
	s14 =	sadd.s32 $0x500, s11;
	[sflag:s28] =	ssyncadd.s32 $0xFFFFFF80  }
0x8f: {  	[tilespmem:s29], [sflag:$0x2] =	stream.indirect.gather [hbm4b:s5+s26], $0x80, s23, s26, $0xb8;
	[tilespmem:$0x1C200] =	vst v63  }
0x90: {  	s17 =	sadd.s32 $0x500, s15;
	s16 =	sand.u32 $0x60, s14;
	_ =	swait.ge [sflag:s30], $0x4000  }
0x91: {  	s14 =	sand.u32 $0xFFFFF80, s17;
	s17 =	sadd.s32 s6, s16;
	[sflag:s30] =	ssyncset.done $0x0  }
0x92: {  	s13 =	sadd.s32 s14, s17;
	[sflag:s30] =	ssyncadd.s32 $0xFFFFC000  }
0x93: {  	[tilespmem:s21], [sflag:$0x5] =	stream.linear.gather [hbm4b:s13+s4], $0x80, $0x38;
	[tilespmem:$0x1C200] =	vst v63  }
0x94: {  	_ =	swait.ge [sflag:s31], $0x80  }
0x95: {  	[sflag:s31] =	ssyncset.done $0x0  }
0x96: {  	s11 =	sadd.s32 $0x510, s11;
	[sflag:s31] =	ssyncadd.s32 $0xFFFFFF80  }
0x97: {  	[spmem:s2] =	stream.indirect.scatter.add.f32 [tilespmem:s19], [sflag:$0x3], $0x80, s22, s26, $0xb8;
	[tilespmem:$0x1C200] =	vst v63  }
0x98: {  	s17 =	sadd.s32 $0x510, s15;
	s11 =	sand.u32 $0x70, s11;
	_ =	swait.ge [sflag:s0], $0x4000  }
0x99: {  	s13 =	sand.u32 $0xFFFFF80, s17;
	s18 =	sadd.s32 s6, s11;
	[sflag:s0] =	ssyncset.done $0x0  }
0x9a: {  	s15 =	sadd.s32 s13, s18;
	[sflag:s0] =	ssyncadd.s32 $0xFFFFC000  }
0x9b: {  	[tilespmem:s23], [sflag:$0x6] =	stream.linear.gather [hbm4b:s15+s4], $0x80, $0x38;
	[tilespmem:$0x1C200] =	vst v63  }
0x9c: {  	_ =	swait.ge [sflag:s3], $0x80  }
0x9d: {  	[sflag:s3] =	ssyncset.done $0x0  }
0x9e: {  	[sflag:s3] =	ssyncadd.s32 $0xFFFFFF80  }
0x9f: {  	[spmem:s2] =	stream.indirect.scatter.add.f32 [tilespmem:s29], [sflag:$0x4], $0x80, s24, s26, $0xb8;
	[tilespmem:$0x1C200] =	vst v63  }
0xa0: {  	_ =	swait.ge [sflag:s8], $0x4000  }
0xa1: {  	s17 =	sadd.s32 s1, s16;
	[sflag:s8] =	ssyncset.done $0x0  }
0xa2: {  	s18 =	sadd.s32 s14, s17;
	[sflag:s8] =	ssyncadd.s32 $0xFFFFC000  }
0xa3: {  	[tilespmem:s22], [sflag:$0x7] =	stream.linear.gather [hbm4b:s18+s4], $0x80, $0x38;
	[tilespmem:$0x1C200] =	vst v63  }
0xa4: {  	_ =	swait.ge [sflag:s25], $0x80  }
0xa5: {  	[sflag:s25] =	ssyncset.done $0x0  }
0xa6: {  	[sflag:s25] =	ssyncadd.s32 $0xFFFFFF80  }
0xa7: {  	[tilespmem:s19], [sflag:$0x1] =	stream.indirect.gather [hbm4b:s5+s26], $0x80, s21, s26, $0xb8;
	[tilespmem:$0x1C200] =	vst v63  }
0xa8: {  	_ =	swait.ge [sflag:s9], $0x4000  }
0xa9: {  	s11 =	sadd.s32 s1, s11;
	[sflag:s9] =	ssyncset.done $0x0  }
0xaa: {  	s11 =	sadd.s32 s13, s11;
	[sflag:s9] =	ssyncadd.s32 $0xFFFFC000  }
0xab: {  	[tilespmem:s24], [sflag:$0x8] =	stream.linear.gather [hbm4b:s11+s4], $0x80, $0x38;
	[tilespmem:$0x1C200] =	vst v63  }
0xac: {  	_ =	swait.ge [sflag:s28], $0x80  }
0xad: {  	[sflag:s28] =	ssyncset.done $0x0  }
0xae: {  	[sflag:s28] =	ssyncadd.s32 $0xFFFFFF80  }
0xaf: {  	[tilespmem:s29], [sflag:$0x2] =	stream.indirect.gather [hbm4b:s5+s26], $0x80, s23, s26, $0xb8;
	[tilespmem:$0x1C200] =	vst v63  }
0xb0: {  	_ =	swait.ge [sflag:s30], $0x4000  }
0xb1: {  	[sflag:s30] =	ssyncset.done $0x0  }
0xb2: {  	[sflag:s30] =	ssyncadd.s32 $0xFFFFC000  }
0xb3: {  	_ =	swait.ge [sflag:s31], $0x80  }
0xb4: {  	[sflag:s31] =	ssyncset.done $0x0  }
0xb5: {  	[sflag:s31] =	ssyncadd.s32 $0xFFFFFF80  }
0xb6: {  	[spmem:s2] =	stream.indirect.scatter.add.f32 [tilespmem:s19], [sflag:$0x3], $0x80, s22, s26, $0xb8;
	[tilespmem:$0x1C200] =	vst v63  }
0xb7: {  	_ =	swait.ge [sflag:s0], $0x4000  }
0xb8: {  	[sflag:s0] =	ssyncset.done $0x0  }
0xb9: {  	[sflag:s0] =	ssyncadd.s32 $0xFFFFC000  }
0xba: {  	_ =	swait.ge [sflag:s3], $0x80  }
0xbb: {  	[sflag:s3] =	ssyncset.done $0x0  }
0xbc: {  	[sflag:s3] =	ssyncadd.s32 $0xFFFFFF80  }
0xbd: {  	[spmem:s2] =	stream.indirect.scatter.add.f32 [tilespmem:s29], [sflag:$0x4], $0x80, s24, s26, $0xb8;
	[tilespmem:$0x1C200] =	vst v63  }
0xbe: {  	_ =	swait.ge [sflag:s8], $0x4000  }
0xbf: {  	[sflag:s8] =	ssyncset.done $0x0  }
0xc0: {  	[sflag:s8] =	ssyncadd.s32 $0xFFFFC000  }
0xc1: {  	_ =	swait.ge [sflag:s9], $0x4000  }
0xc2: {  	[sflag:s9] =	ssyncset.done $0x0  }
0xc3: {  	s15 =	stileid.u32;
	[sflag:s9] =	ssyncadd.s32 $0xFFFFC000  }
0xc4: {  	s11 =	sshll.u32 s15, $0x6;
	[bflag:$0x0] =	sbarrier.arrive $0xFFFF  }
0xc5: {  	s16 =	sshrl.u32 s7, $0x3;
	s11 =	sor.u32 $0x1C09, s11;
	s17 =	rddreg [dreg:$0xc]  }
0xc6: {  	[hbm:s17], [sflag:s11] =	dma.local [spmem:s16], $0x2800  }
0xc7: {  	_ =	swait.ge [sflag:s20], $0x2800  }
0xc8: {  	s10 =	sadd.s32 $0x1, s10;
	s18 =	rddreg [dreg:$0xd]  }
0xc9: {  	p0 =	sne.s32 s10, s18  }
.Ltmp2:
0xca: {  	_ = 	snop;
	(pc) =	sbr.rel @p0 .LBB2_1-.Ltmp2, $3  }
0xcb: {  	_ =	sdelay $0x1  }
0xcc: {  	[sflag:s20] =	ssyncset.done $0x0  }
0xcd: {  	[sflag:s20] =	ssyncadd.s32 $0xFFFFD800  }
0xce: {  	_ =	sfence.sel $0x180000  }
0xcf: {  	[bflag:$0x0] =	sbarrier.arrive $0xFFFF  }
0xd0: {  	_ =	strace $0x9000004A  }
0xd1: {  	s0 =	stileid.u32;
	[bflag:$0x2] =	sbarrier.arrive $0xFFFF  }
0xd2: {  	p0 =	sne.s32 s0, $0x0;
	s0 =	rddreg [dreg:$0x3]  }
0xd3: {  	s0 =	sadd.s32 @!p0 $0x100000, s0  }
0xd4: {  	[sflag:s0] =	ssyncadd.tile.s32 @!p0 $0x1;
	_ =	shalt  }
.Lfunc_end2:
_tile_overlayer_lowered:
.L_overlay_start_2:
0xd5: {  	(tag) =	ssettag $0x2  }
0xd6: {  	s0 =	rddreg [dreg:$0x0];
	s2 =	stileid.u32  }
0xd7: {  	s1 =	rddreg [dreg:$0x1];
	p0 =	sne.s32 s2, $0x0  }
0xd8: {  	s3 =	rddreg [dreg:$0x2];
	[bflag:$0x3] =	sbarrier.arrive $0xFFFF;
	s2 =	simm.s32 @!p0 $0x1C09  }
0xd9: {  	[timem:s3], [sflag:s2] =	dma.local @!p0 [hbm:s0], s1  }
0xda: {  	s0 =	simm.s32 @!p0 $0x9  }
0xdb: {  	_ =	swait.ge @!p0 [sflag:s0], s1  }
0xdc: {  	s1 =	ssub.s32 @!p0 $0x0, s1;
	[sflag:s0] =	ssyncset.done @!p0 $0x0  }
0xdd: {  	[sflag:s0] =	ssyncadd.s32 @!p0 s1  }
0xde: {  	[bflag:$0x3] =	sbarrier.arrive $0xFFFF  }
0xdf: {  	_ =	shalt  }

// kernel: kernel.15.cloned.1.call-start
scs
__scs_entry_jumppad:
0x0: {  	(pc) =	sbr.rel $0x88, $3  }
0x1: {  	(tag) =	ssettag $0x0;
	lr =	simm.s32 $0x1  }
0x2: {  	[smem:$0x3F99] =	sst lr;
	_ =	strace $0xD0000000  }
0x3: {  	_ = 	snop  }
0x4: {  	_ = 	snop  }
0x5: {  	_ = 	snop  }
0x6: {  	_ = 	snop  }
0x7: {  	_ = 	snop  }
__scs_overlays_trampoline_lowered:
0x8: {  	[smem:$0x3FA8] =	sst s0  }
0x9: {  	[smem:$0x3FA9] =	sst s1  }
0xa: {  	[smem:$0x3FAA] =	sst s2  }
0xb: {  	[smem:$0x3FAB] =	sst s3  }
0xc: {  	[smem:$0x3FAC] =	sst s4  }
0xd: {  	[smem:$0x3FAD] =	sst s5  }
0xe: {  	[smem:$0x3FAE] =	sst s6  }
0xf: {  	[smem:$0x3FAF] =	sst s7  }
0x10: {  	[smem:$0x3FB0] =	sst s8  }
0x11: {  	[smem:$0x3FB1] =	sst s9;
	s0 =	simm.s32 @!p0 $0x0  }
0x12: {  	s1 =	sld [smem:$0x3F97];
	s0 =	simm.s32 @p0 $0x1  }
0x13: {  	[smem:$0x3FB2] =	sst s0;
	s0 =	simm.s32 @!p1 $0x0  }
0x14: {  	s2 =	sld [smem:$0x3F96];
	s0 =	simm.s32 @p1 $0x1  }
0x15: {  	[smem:$0x3FB3] =	sst s0;
	s0 =	simm.s32 @!p2 $0x0  }
0x16: {  	s3 =	sld [smem:$0x3FDB];
	s0 =	simm.s32 @p2 $0x1  }
0x17: {  	s4 =	simm.s32 $0x1BF5;
	[smem:$0x3FB5] =	sst s0  }
0x18: {  	s0 =	sld [smem:$0x3F98];
	_ =	swait.ge [sflag:s4], $0x0  }
0x19: {  	s7 =	sld [smem:$0x3F99]  }
0x1a: {  	s8 =	sadd.s32 $0xFFFFE003, lr  }
0x1b: {  	s9 =	sadd.s32 $0xFFFFFEF7, lr;
	s5 =	simm.s32 $0xFFFFFFFF;
	p2 =	slt.u32 s8, $0xFFFFF086  }
0x1c: {  	p1 =	slt.u32 s9, $0xF7A;
	s5 =	simm.s32 @!p2 $0x0  }
0x1d: {  	s5 =	simm.s32 @p1 $0x1;
	p0 =	seq.s32 s7, s2  }
0x1e: {  	s7 =	smul.u32 @!p0 $0xF7A, s2;
	p2 =	seq.s32 @!p0 s5, $0x0  }
0x1f: {  	s9 =	smul.u32 $0xF7A, s1;
	s8 =	simm.s32 @!p0 $0x1BF5;
	p2 =	por !p2, p0  }
0x20: {  	[sflag:s8] =	ssyncset.s32 @!p0 $0xFFFFF086;
	s6 =	sadd.s32 @!p0 s3, s7;
	s7 =	simm.s32 @!p0 $0x108  }
0x21: {  	s3 =	sadd.s32 s3, s9;
	s6 =	sadd.s32 @!p0 $0x88, s6;
	s7 =	simm.s32 @p2 $0x1082  }
0x22: {  	[simem:s7], [sflag:s8] =	dma.local @!p0 [hbm:s6], $0xF7A  }
0x23: {  	s9 =	sor.u32 $0xD0000000, s2;
	s6 =	simm.s32 $0x108;
	_ =	swait.ge @!p0 [sflag:s8], $0x0  }
0x24: {  	s3 =	sadd.s32 $0x88, s3;
	s6 =	simm.s32 @!p1 $0x1082;
	[sflag:s4] =	ssyncset.s32 $0xFFFFF086  }
0x25: {  	[simem:s6], [sflag:s4] =	dma.local [hbm:s3], $0xF7A  }
0x26: {  	[smem:$0x3F99] =	sst s1;
	(tag) =	ssettag s2;
	_ =	strace s9  }
0x27: {  	s1 =	sld [smem:$0x3FA9]  }
0x28: {  	s2 =	sld [smem:$0x3FAA]  }
0x29: {  	s4 =	sld [smem:$0x3FAC]  }
0x2a: {  	p0 =	seq.s32 s5, $0x0;
	s5 =	sld [smem:$0x3FAD]  }
0x2b: {  	s6 =	sld [smem:$0x3FAE]  }
0x2c: {  	s7 =	sld [smem:$0x3FAF]  }
0x2d: {  	s3 =	simm.s32 $0x108;
	s8 =	sld [smem:$0x3FB0]  }
0x2e: {  	s3 =	simm.s32 @!p0 $0x1082;
	s9 =	sld [smem:$0x3FB1]  }
0x2f: {  	lr =	sadd.s32 s0, s3;
	s0 =	sld [smem:$0x3FA8]  }
0x30: {  	s3 =	sld [smem:$0x3FAB]  }
0x31: {  	[smem:$0x3FB4] =	sst s10  }
0x32: {  	s10 =	sld [smem:$0x3FB2];
	_ =	sdelay $0x3  }
0x33: {  	p0 =	seq.s32 s10, $0x1;
	s10 =	sld [smem:$0x3FB4];
	_ =	sdelay $0x3  }
0x34: {  	[smem:$0x3FB4] =	sst s10  }
0x35: {  	s10 =	sld [smem:$0x3FB3];
	_ =	sdelay $0x3  }
0x36: {  	p1 =	seq.s32 s10, $0x1;
	s10 =	sld [smem:$0x3FB4];
	_ =	sdelay $0x3  }
0x37: {  	[smem:$0x3FB4] =	sst s10  }
0x38: {  	s10 =	sld [smem:$0x3FB5]  }
0x39: {  	_ = 	snop;
	(pc) =	sbr.ind lr, $3  }
0x3a: {  	_ = 	snop  }
0x3b: {  	_ = 	snop  }
0x3c: {  	p2 =	seq.s32 s10, $0x1;
	s10 =	sld [smem:$0x3FB4]  }
0x3d: {  	_ =	shalt  }
0x3e: {  	_ =	shalt  }
0x3f: {  	_ =	shalt  }
0x40: {  	_ =	shalt  }
0x41: {  	_ =	shalt  }
0x42: {  	_ =	shalt  }
0x43: {  	_ =	shalt  }
0x44: {  	_ =	shalt  }
0x45: {  	_ =	shalt  }
0x46: {  	_ =	shalt  }
0x47: {  	_ =	shalt  }
0x48: {  	_ =	shalt  }
0x49: {  	_ =	shalt  }
0x4a: {  	_ =	shalt  }
0x4b: {  	_ =	shalt  }
0x4c: {  	_ =	shalt  }
0x4d: {  	_ =	shalt  }
0x4e: {  	_ =	shalt  }
0x4f: {  	_ =	shalt  }
0x50: {  	_ =	shalt  }
0x51: {  	_ =	shalt  }
0x52: {  	_ =	shalt  }
0x53: {  	_ =	shalt  }
0x54: {  	_ =	shalt  }
0x55: {  	_ =	shalt  }
0x56: {  	_ =	shalt  }
0x57: {  	_ =	shalt  }
0x58: {  	_ =	shalt  }
0x59: {  	_ =	shalt  }
0x5a: {  	_ =	shalt  }
0x5b: {  	_ =	shalt  }
0x5c: {  	_ =	shalt  }
0x5d: {  	_ =	shalt  }
0x5e: {  	_ =	shalt  }
0x5f: {  	_ =	shalt  }
0x60: {  	_ =	shalt  }
0x61: {  	_ =	shalt  }
0x62: {  	_ =	shalt  }
0x63: {  	_ =	shalt  }
0x64: {  	_ =	shalt  }
0x65: {  	_ =	shalt  }
0x66: {  	_ =	shalt  }
0x67: {  	_ =	shalt  }
0x68: {  	_ =	shalt  }
0x69: {  	_ =	shalt  }
0x6a: {  	_ =	shalt  }
0x6b: {  	_ =	shalt  }
0x6c: {  	_ =	shalt  }
0x6d: {  	_ =	shalt  }
0x6e: {  	_ =	shalt  }
0x6f: {  	_ =	shalt  }
0x70: {  	_ =	shalt  }
0x71: {  	_ =	shalt  }
0x72: {  	_ =	shalt  }
0x73: {  	_ =	shalt  }
0x74: {  	_ =	shalt  }
0x75: {  	_ =	shalt  }
0x76: {  	_ =	shalt  }
0x77: {  	_ =	shalt  }
0x78: {  	_ =	shalt  }
0x79: {  	_ =	shalt  }
0x7a: {  	_ =	shalt  }
0x7b: {  	_ =	shalt  }
0x7c: {  	_ =	shalt  }
0x7d: {  	_ =	shalt  }
0x7e: {  	_ =	shalt  }
0x7f: {  	_ =	shalt  }
0x80: {  	_ =	shalt  }
0x81: {  	_ =	shalt  }
0x82: {  	_ =	shalt  }
0x83: {  	_ =	shalt  }
0x84: {  	_ =	shalt  }
0x85: {  	_ =	shalt  }
0x86: {  	_ =	shalt  }
0x87: {  	_ =	shalt  }
.Lfunc_end0:
.L_simem_size_0:
called_computation.2_lowered:
.L_overlay_start_0:
0x88: {  	s2 =	sld [smem:$0x3FD9]  }
0x89: {  	s3 =	sld [smem:$0x3FFE];
	_ =	sdelay $0x1  }
0x8a: {  	s1 =	srdreg.scid  }
0x8b: {  	s0 =	sand.u32 $0x1, s1  }
0x8c: {  	s17 =	sshll.u32 s0, $0xA;
	s2 =	sadd.s32 s3, s2  }
0x8d: {  	s2 =	sadd.s32 s2, s17  }
0x8e: {  	[smem:$0x3FC0] =	sst s2  }
0x8f: {  	_ = 	snop  }
0x90: {  	s2 =	sld [smem:$0x3FD0];
	(tm) =	ssettm $0x1  }
0x91: {  	s18 =	sld [smem:$0x3FFB];
	_ =	sdelay $0x3  }
0x92: {  	_ =	strace s18  }
0x93: {  	s3 =	sld [smem:$0x3FFC];
	_ =	sdelay $0x3  }
0x94: {  	_ =	strace s3  }
0x95: {  	s3 =	sld [smem:$0x3FFD];
	_ =	sdelay $0x3  }
0x96: {  	_ =	strace s3  }
0x97: {  	_ =	strace $0x8FFFFFFF  }
0x98: {  	s19 =	sld [smem:$0x3FDB];
	_ =	sdelay $0x1  }
0x99: {  	s4 =	simm.s32 $_scs_section_size  }
0x9a: {  	s5 =	simm.s32 $_size__tile_overlayer_lowered;
	s6 =	simm.s32 $_tile_overlayer_lowered  }
0x9b: {  	s22 =	simm.s32 $0x1BFF;
	s21 =	sshll.u32 s6, $0x1;
	s3 =	sadd.s32 s4, s19  }
0x9c: {  	s7 =	simm.s32 $0x0;
	s20 =	sshll.u32 s5, $0x1;
	s5 =	sadd.s32 s21, s3  }
0x9d: {  	[timem:s7], [sflag:s22] =	dma.local [hbm:s5], s20  }
0x9e: {  	_ =	swait.ge [sflag:s22], s20  }
0x9f: {  	s4 =	ssub.s32 $0x0, s20;
	[sflag:s22] =	ssyncset.done $0x0  }
0xa0: {  	[sflag:s22] =	ssyncadd.s32 s4;
	_ =	sdelay $0x1  }
0xa1: {  	s23 =	simm.s32 $0x1B8B  }
0xa2: {  	_ =	swait.ge [sflag:s23], $0x1  }
0xa3: {  	[sflag:s23] =	ssyncset.done $0x0  }
0xa4: {  	s25 =	simm.s32 $0x1B8E;
	s24 =	sld [smem:$0x3FFE];
	[sflag:s23] =	ssyncadd.s32 $0xFFFFFFFF  }
0xa5: {  	s26 =	simm.s32 $execute0_lowered;
	[smem:$0x3FD2] =	sst s25  }
0xa6: {  	s5 =	sshll.u32 s26, $0x1;
	_ =	strace $0x8000004C;
	[dreg:$0x1] =	wrdreg $0xFFFFFFFF  }
0xa7: {  	s28 =	simm.s32 $_size_execute0_lowered;
	s3 =	sadd.s32 s3, s5;
	[dreg:$0x0] =	wrdreg $0x0  }
0xa8: {  	s5 =	sshll.u32 s28, $0x1;
	[dreg:$0x2] =	wrdreg s3  }
0xa9: {  	[dreg:$0x3] =	wrdreg s5  }
0xaa: {  	[dreg:$0x4] =	wrdreg $0xC0  }
0xab: {  	_ =	task [dreg:s7], $0x5FFFF  }
0xac: {  	[dreg:$0x1] =	wrdreg $0xFFFFFFFF  }
0xad: {  	[dreg:$0x0] =	wrdreg $0x60  }
0xae: {  	[dreg:$0x2] =	wrdreg s24  }
0xaf: {  	[dreg:$0x3] =	wrdreg s2  }
0xb0: {  	[dreg:$0x4] =	wrdreg $0x0  }
0xb1: {  	[dreg:$0x5] =	wrdreg $0x9  }
0xb2: {  	_ =	task.clear_ibuf [dreg:s7], $0x6FFFF;
	_ =	strace $0x9000004C  }
0xb3: {  	s29 =	simm.s32 $0x9;
	_ =	strace $0x8000004E  }
0xb4: {  	_ =	swait.ge [sflag:s29], $0x1  }
0xb5: {  	[sflag:s29] =	ssyncadd.s32 $0xFFFFFFFF  }
0xb6: {  	_ =	strace $0x9000004E  }
0xb7: {  	_ =	sfence  }
0xb8: {  	s30 =	sld [smem:$0x0];
	_ =	sdelay $0x2  }
0xb9: {  	s31 =	sshll.u32 s1, $0xD;
	s1 =	sshrl.u32 s1, $0x2  }
0xba: {  	s3 =	sand.u32 $0x4000, s31;
	s1 =	sadd.s32 s1, s30  }
0xbb: {  	s0 =	sor.u32 s3, s0;
	s1 =	sshll.u32 s1, $0x11  }
0xbc: {  	s0 =	sor.u32 s1, s0  }
0xbd: {  	s0 =	sadd.s32 $0x8F2B, s0  }
0xbe: {  	[sflag:s0] =	ssyncadd.remote.s32 $0x1  }
0xbf: {  	_ =	sfence.sel $0xFFFF  }
0xc0: {  	[dreg:$0x0] =	wrdreg $0xFFFFFFFF;
	(pc) =	sbr.abs _section_cstart, $3  }
0xc1: {  	[dreg:$0x1] =	wrdreg $0xFFFFFFFF  }
0xc2: {  	_ =	task.clear_ibuf [dreg:s7], $0x2FFFF;
	_ =	strace $0x9FFFFFFF  }
0xc3: {  	(tm) =	ssettm $0x7FFFFFFF  }
tec
execute0_lowered:
.L_overlay_start_1:
0x0: {  	(tag) =	ssettag $0x1  }
0x1: {  	s0 =	rddreg [dreg:$0x0]  }
0x2: {  	s1 =	rddreg [dreg:$0x1]  }
0x3: {  	s13 =	rddreg [dreg:$0x2];
	s12 =	stileid.u32  }
0x4: {  	s4 =	srdreg.scid;
	s3 =	simm.s32 $0x0;
	s6 =	smul.u32 $0xA000, s12  }
0x5: {  	s30 =	simm.s32 $0xA000;
	s31 =	simm.s32 $0xA;
	s10 =	smul.u32 $0x28000, s12  }
0x6: {  	s5 =	sand.u32 $0x1, s4;
	[smem:$0x7FF] =	sst s3;
	s12 =	smul.u32 $0x50, s12  }
0x7: {  	s4 =	sadd.s32 $0x84A00, s0;
	s8 =	sadd.s32 $0x3800, s0;
	s7 =	smul.u32 $0xA0000, s5  }
0x8: {  	_ =	strace $0x8000004D;
	s9 =	ssub.s32 $0x2, s5;
	p0 =	seq.s32 s5, $0x0  }
0x9: {  	s11 =	sshrl.u32 s9, $0x1;
	s14 =	sshrl.u32 s10, $0x2;
	s5 =	sadd.s32 $0x500, s12  }
0xa: {  	s25 =	sadd.s32 s6, s13;
	s10 =	simm.s32 $0x5;
	s7 =	sadd.s32 s6, s7  }
0xb: {  	s11 =	ssub.s32 s9, s11;
	s9 =	sadd.s32 s14, s13;
	s5 =	smov.u32 @p0 s12  }
0xc: {  	[dreg:$0x4] =	wrdreg s25;
	s7 =	sshrl.u32 s7, $0x3;
	s15 =	sadd.s32 $0x2000, s9  }
0xd: {  	s16 =	sadd.s32 $0x4000, s9;
	s17 =	sadd.s32 $0x6000, s9;
	[dreg:$0x5] =	wrdreg s15  }
0xe: {  	s5 =	sshll.u32 s5, $0x4;
	s18 =	sadd.s32 $0x8000, s9;
	[dreg:$0x6] =	wrdreg s16  }
0xf: {  	s26 =	smax.u32 s11, $0x1;
	s11 =	simm.s32 $0x6;
	[dreg:$0x7] =	wrdreg s17  }
0x10: {  	s0 =	sadd.s32 s7, s0;
	[dreg:$0x8] =	wrdreg s18;
	s19 =	sor.u32 $0x10, s5  }
0x11: {  	s28 =	sadd.s32 s8, s5;
	[dreg:$0x10] =	wrdreg s26;
	s20 =	sadd.s32 s8, s19  }
0x12: {  	s21 =	sor.u32 $0x20, s5;
	s6 =	sadd.s32 s1, s19;
	[dreg:$0x9] =	wrdreg s20  }
0x13: {  	s29 =	sadd.s32 s1, s5;
	s22 =	sadd.s32 s8, s21;
	[dreg:$0xa] =	wrdreg s6  }
0x14: {  	s5 =	sor.u32 $0x30, s5;
	s23 =	sadd.s32 s1, s21;
	[dreg:$0xb] =	wrdreg s22  }
0x15: {  	s26 =	simm.s32 $0x11;
	s24 =	sadd.s32 s8, s5;
	[dreg:$0xc] =	wrdreg s23  }
0x16: {  	s18 =	simm.s32 $0x3;
	s1 =	sadd.s32 s1, s5;
	[dreg:$0xd] =	wrdreg s24  }
0x17: {  	s0 =	sadd.s32 $0x98400, s0;
	s8 =	simm.s32 $0x0;
	[dreg:$0xe] =	wrdreg s1  }
0x18: {  	s19 =	simm.s32 $0xF;
	s21 =	simm.s32 $0x10;
	[dreg:$0xf] =	wrdreg s0  }
0x19: {  	v0 =	vimm.f32 $0.0e+00;
	s6 =	simm.s32 $0x12200;
	s1 =	simm.s32 $0x9;
	s0 =	simm.s32 $0x80  }
.LBB2_1:
0x1a: {  	[dreg:$0x11] =	wrdreg s8;
	s23 =	simm.s32 $0x100;
	s22 =	simm.s32 $0x0  }
.LBB2_2:
0x1b: {  	p0 =	sne.s32 s23, $0x7F00;
	[tilespmem:s22+$0xA030] =	vst v0;
	s24 =	smov.u32 s23;
	s23 =	sadd.s32 $0x100, s23  }
.Ltmp0:
0x1c: {  	[tilespmem:s22+$0xA020] =	vst v0;
	(pc) =	sbr.rel @p0 .LBB2_2-.Ltmp0, $3  }
0x1d: {  	[tilespmem:s22+$0xA000] =	vst v0  }
0x1e: {  	[tilespmem:s22+$0xA010] =	vst v0;
	_ =	sdelay $0x1  }
0x1f: {  	s22 =	sshra.s32 s24, $0x2  }
0x20: {  	[tilespmem:s22+$0xA030] =	vst v0  }
0x21: {  	[tilespmem:s22+$0xA020] =	vst v0  }
0x22: {  	[tilespmem:s22+$0xA000] =	vst v0  }
0x23: {  	[tilespmem:s22+$0xA010] =	vst v0  }
0x24: {  	[spmem:s25] =	stream.linear.scatter [tilespmem:s30], [sflag:$0x11], $0x2000, $0x38;
	[tilespmem:$0x12400] =	vst v63  }
0x25: {  	_ =	swait.ge [sflag:s26], $0x2000  }
0x26: {  	[sflag:s26] =	ssyncset.done $0x0  }
0x27: {  	s7 =	rddreg [dreg:$0x5];
	[sflag:s26] =	ssyncadd.s32 $0xFFFFE000  }
0x28: {  	[spmem:s7] =	stream.linear.scatter [tilespmem:s30], [sflag:$0x11], $0x2000, $0x38;
	[tilespmem:$0x12400] =	vst v63  }
0x29: {  	_ =	swait.ge [sflag:s26], $0x2000  }
0x2a: {  	[sflag:s26] =	ssyncset.done $0x0  }
0x2b: {  	s8 =	rddreg [dreg:$0x6];
	[sflag:s26] =	ssyncadd.s32 $0xFFFFE000  }
0x2c: {  	[spmem:s8] =	stream.linear.scatter [tilespmem:s30], [sflag:$0x11], $0x2000, $0x38;
	[tilespmem:$0x12400] =	vst v63  }
0x2d: {  	_ =	swait.ge [sflag:s26], $0x2000  }
0x2e: {  	[sflag:s26] =	ssyncset.done $0x0  }
0x2f: {  	s9 =	rddreg [dreg:$0x7];
	[sflag:s26] =	ssyncadd.s32 $0xFFFFE000  }
0x30: {  	[spmem:s9] =	stream.linear.scatter [tilespmem:s30], [sflag:$0x11], $0x2000, $0x38;
	[tilespmem:$0x12400] =	vst v63  }
0x31: {  	_ =	swait.ge [sflag:s26], $0x2000  }
0x32: {  	[sflag:s26] =	ssyncset.done $0x0  }
0x33: {  	s12 =	rddreg [dreg:$0x8];
	[sflag:s26] =	ssyncadd.s32 $0xFFFFE000  }
0x34: {  	[spmem:s12] =	stream.linear.scatter [tilespmem:s30], [sflag:$0x11], $0x2000, $0x38;
	[tilespmem:$0x12400] =	vst v63  }
0x35: {  	_ =	swait.ge [sflag:s26], $0x2000  }
0x36: {  	[sflag:s26] =	ssyncset.done $0x0  }
0x37: {  	[sflag:s26] =	ssyncadd.s32 $0xFFFFE000  }
0x38: {  	s14 =	simm.s32 $0x0;
	s24 =	simm.s32 $0x12000;
	[bflag:$0x0] =	sbarrier.arrive $0xFFFF  }
0x39: {  	[tilespmem:s24], [sflag:$0x9] =	stream.linear.gather [hbm4b:s28+s14], $0x80, $0x38;
	[tilespmem:$0x12400] =	vst v63  }
0x3a: {  	_ = 	snop  }
0x3b: {  	[tilespmem:s6], [sflag:$0xD] =	stream.linear.gather [hbm4b:s29+s14], $0x80, $0x38;
	[tilespmem:$0x12400] =	vst v63  }
0x3c: {  	s9 =	simm.s32 $0x12080;
	s23 =	rddreg [dreg:$0x9]  }
0x3d: {  	[tilespmem:s9], [sflag:$0xA] =	stream.linear.gather [hbm4b:s23+s14], $0x80, $0x38;
	[tilespmem:$0x12400] =	vst v63  }
0x3e: {  	s20 =	simm.s32 $0x12280;
	s16 =	rddreg [dreg:$0xa]  }
0x3f: {  	[tilespmem:s20], [sflag:$0xE] =	stream.linear.gather [hbm4b:s16+s14], $0x80, $0x38;
	[tilespmem:$0x12400] =	vst v63  }
0x40: {  	s17 =	rddreg [dreg:$0xb];
	s16 =	simm.s32 $0x12100  }
0x41: {  	[tilespmem:s16], [sflag:$0xB] =	stream.linear.gather [hbm4b:s17+s14], $0x80, $0x38;
	[tilespmem:$0x12400] =	vst v63  }
0x42: {  	s12 =	simm.s32 $0x12300;
	s25 =	rddreg [dreg:$0xc]  }
0x43: {  	[tilespmem:s12], [sflag:$0xF] =	stream.linear.gather [hbm4b:s25+s14], $0x80, $0x38;
	[tilespmem:$0x12400] =	vst v63  }
0x44: {  	s15 =	simm.s32 $0x12180;
	s26 =	rddreg [dreg:$0xd]  }
0x45: {  	[tilespmem:s15], [sflag:$0xC] =	stream.linear.gather [hbm4b:s26+s14], $0x80, $0x38;
	[tilespmem:$0x12400] =	vst v63  }
0x46: {  	s2 =	rddreg [dreg:$0xe];
	s25 =	simm.s32 $0x12380  }
0x47: {  	[tilespmem:s25], [sflag:$0x10] =	stream.linear.gather [hbm4b:s2+s14], $0x80, $0x38;
	[tilespmem:$0x12400] =	vst v63  }
0x48: {  	_ =	swait.ge [sflag:s1], $0x80  }
0x49: {  	[sflag:s1] =	ssyncset.done $0x0  }
0x4a: {  	[sflag:s1] =	ssyncadd.s32 $0xFFFFFF80  }
0x4b: {  	[tilespmem:s30], [sflag:$0x1] =	stream.indirect.gather [hbm4b:s4+s0], $0x40, s24, s0, $0xb8;
	[tilespmem:$0x12400] =	vst v63  }
0x4c: {  	_ =	swait.ge [sflag:s31], $0x80  }
0x4d: {  	[sflag:s31] =	ssyncset.done $0x0  }
0x4e: {  	s8 =	simm.s32 $0xB;
	s2 =	simm.s32 $0xC000;
	[sflag:s31] =	ssyncadd.s32 $0xFFFFFF80  }
0x4f: {  	[tilespmem:s2], [sflag:$0x2] =	stream.indirect.gather [hbm4b:s4+s0], $0x40, s9, s0, $0xb8;
	[tilespmem:$0x12400] =	vst v63  }
0x50: {  	_ =	swait.ge [sflag:s8], $0x80  }
0x51: {  	[sflag:s8] =	ssyncset.done $0x0  }
0x52: {  	s17 =	simm.s32 $0xC;
	s14 =	simm.s32 $0xE000;
	[sflag:s8] =	ssyncadd.s32 $0xFFFFFF80  }
0x53: {  	[tilespmem:s14], [sflag:$0x3] =	stream.indirect.gather [hbm4b:s4+s0], $0x40, s16, s0, $0xb8;
	[tilespmem:$0x12400] =	vst v63  }
0x54: {  	_ =	swait.ge [sflag:s17], $0x80  }
0x55: {  	[sflag:s17] =	ssyncset.done $0x0  }
0x56: {  	s7 =	simm.s32 $0x1;
	s26 =	simm.s32 $0x10000;
	[sflag:s17] =	ssyncadd.s32 $0xFFFFFF80  }
0x57: {  	[tilespmem:s26], [sflag:$0x4] =	stream.indirect.gather [hbm4b:s4+s0], $0x40, s15, s0, $0xb8;
	[tilespmem:$0x12400] =	vst v63  }
0x58: {  	_ =	swait.ge [sflag:s7], $0x2000  }
0x59: {  	s22 =	sadd.s32 $0x0, s28;
	[sflag:s7] =	ssyncset.done $0x0  }
0x5a: {  	s5 =	sadd.s32 $0x40, s22;
	[sflag:s7] =	ssyncadd.s32 $0xFFFFE000  }
0x5b: {  	[tilespmem:s24], [sflag:$0x9] =	stream.linear.gather [hbm4b:s5+s3], $0x80, $0x38;
	[tilespmem:$0x12400] =	vst v63  }
0x5c: {  	s5 =	simm.s32 $0xD  }
0x5d: {  	_ =	swait.ge [sflag:s5], $0x80  }
0x5e: {  	[sflag:s5] =	ssyncset.done $0x0  }
0x5f: {  	s23 =	simm.s32 $0x2;
	[sflag:s5] =	ssyncadd.s32 $0xFFFFFF80  }
0x60: {  	[spmem:s13] =	stream.indirect.scatter.add.f32 [tilespmem:s30], [sflag:$0x5], $0x40, s6, s0, $0xb8;
	[tilespmem:$0x12400] =	vst v63  }
0x61: {  	_ =	swait.ge [sflag:s23], $0x2000  }
0x62: {  	[sflag:s23] =	ssyncset.done $0x0  }
0x63: {  	s5 =	sadd.s32 $0x50, s22;
	[sflag:s23] =	ssyncadd.s32 $0xFFFFE000;
	s23 =	simm.s32 $0xE  }
0x64: {  	[tilespmem:s9], [sflag:$0xA] =	stream.linear.gather [hbm4b:s5+s3], $0x80, $0x38;
	[tilespmem:$0x12400] =	vst v63  }
0x65: {  	_ =	swait.ge [sflag:s23], $0x80  }
0x66: {  	[sflag:s23] =	ssyncset.done $0x0  }
0x67: {  	[sflag:s23] =	ssyncadd.s32 $0xFFFFFF80  }
0x68: {  	[spmem:s13] =	stream.indirect.scatter.add.f32 [tilespmem:s2], [sflag:$0x6], $0x40, s20, s0, $0xb8;
	[tilespmem:$0x12400] =	vst v63  }
0x69: {  	_ =	swait.ge [sflag:s18], $0x2000  }
0x6a: {  	[sflag:s18] =	ssyncset.done $0x0  }
0x6b: {  	s5 =	sadd.s32 $0x60, s22;
	[sflag:s18] =	ssyncadd.s32 $0xFFFFE000  }
0x6c: {  	[tilespmem:s16], [sflag:$0xB] =	stream.linear.gather [hbm4b:s5+s3], $0x80, $0x38;
	[tilespmem:$0x12400] =	vst v63  }
0x6d: {  	_ =	swait.ge [sflag:s19], $0x80  }
0x6e: {  	[sflag:s19] =	ssyncset.done $0x0  }
0x6f: {  	s5 =	simm.s32 $0x4;
	[sflag:s19] =	ssyncadd.s32 $0xFFFFFF80  }
0x70: {  	[spmem:s13] =	stream.indirect.scatter.add.f32 [tilespmem:s14], [sflag:$0x7], $0x40, s12, s0, $0xb8;
	[tilespmem:$0x12400] =	vst v63  }
0x71: {  	_ =	swait.ge [sflag:s5], $0x2000  }
0x72: {  	[sflag:s5] =	ssyncset.done $0x0  }
0x73: {  	s22 =	sadd.s32 $0x70, s22;
	[sflag:s5] =	ssyncadd.s32 $0xFFFFE000  }
0x74: {  	[tilespmem:s15], [sflag:$0xC] =	stream.linear.gather [hbm4b:s22+s3], $0x80, $0x38;
	[tilespmem:$0x12400] =	vst v63  }
0x75: {  	_ =	swait.ge [sflag:s21], $0x80  }
0x76: {  	[sflag:s21] =	ssyncset.done $0x0  }
0x77: {  	[sflag:s21] =	ssyncadd.s32 $0xFFFFFF80  }
0x78: {  	[spmem:s13] =	stream.indirect.scatter.add.f32 [tilespmem:s26], [sflag:$0x8], $0x40, s25, s0, $0xb8;
	[tilespmem:$0x12400] =	vst v63  }
0x79: {  	_ =	swait.ge [sflag:s10], $0x2000  }
0x7a: {  	s22 =	sadd.s32 $0x0, s29;
	[sflag:s10] =	ssyncset.done $0x0  }
0x7b: {  	s23 =	sadd.s32 $0x40, s22;
	[sflag:s10] =	ssyncadd.s32 $0xFFFFE000  }
0x7c: {  	[tilespmem:s6], [sflag:$0xD] =	stream.linear.gather [hbm4b:s23+s3], $0x80, $0x38;
	[tilespmem:$0x12400] =	vst v63  }
0x7d: {  	_ =	swait.ge [sflag:s1], $0x80  }
0x7e: {  	[sflag:s1] =	ssyncset.done $0x0  }
0x7f: {  	[sflag:s1] =	ssyncadd.s32 $0xFFFFFF80  }
0x80: {  	[tilespmem:s30], [sflag:$0x1] =	stream.indirect.gather [hbm4b:s4+s0], $0x40, s24, s0, $0xb8;
	[tilespmem:$0x12400] =	vst v63  }
0x81: {  	_ =	swait.ge [sflag:s11], $0x2000  }
0x82: {  	[sflag:s11] =	ssyncset.done $0x0  }
0x83: {  	s30 =	sadd.s32 $0x50, s22;
	[sflag:s11] =	ssyncadd.s32 $0xFFFFE000  }
0x84: {  	[tilespmem:s20], [sflag:$0xE] =	stream.linear.gather [hbm4b:s30+s3], $0x80, $0x38;
	[tilespmem:$0x12400] =	vst v63  }
0x85: {  	_ =	swait.ge [sflag:s31], $0x80  }
0x86: {  	[sflag:s31] =	ssyncset.done $0x0  }
0x87: {  	s20 =	simm.s32 $0x7;
	[sflag:s31] =	ssyncadd.s32 $0xFFFFFF80  }
0x88: {  	[tilespmem:s2], [sflag:$0x2] =	stream.indirect.gather [hbm4b:s4+s0], $0x40, s9, s0, $0xb8;
	[tilespmem:$0x12400] =	vst v63  }
0x89: {  	_ =	swait.ge [sflag:s20], $0x2000  }
0x8a: {  	[sflag:s20] =	ssyncset.done $0x0  }
0x8b: {  	s31 =	sadd.s32 $0x60, s22;
	[sflag:s20] =	ssyncadd.s32 $0xFFFFE000  }
0x8c: {  	[tilespmem:s12], [sflag:$0xF] =	stream.linear.gather [hbm4b:s31+s3], $0x80, $0x38;
	[tilespmem:$0x12400] =	vst v63  }
0x8d: {  	_ =	swait.ge [sflag:s8], $0x80  }
0x8e: {  	[sflag:s8] =	ssyncset.done $0x0  }
0x8f: {  	s2 =	simm.s32 $0x8;
	[sflag:s8] =	ssyncadd.s32 $0xFFFFFF80  }
0x90: {  	[tilespmem:s14], [sflag:$0x3] =	stream.indirect.gather [hbm4b:s4+s0], $0x40, s16, s0, $0xb8;
	[tilespmem:$0x12400] =	vst v63  }
0x91: {  	_ =	swait.ge [sflag:s2], $0x2000  }
0x92: {  	[sflag:s2] =	ssyncset.done $0x0  }
0x93: {  	s22 =	sadd.s32 $0x70, s22;
	[sflag:s2] =	ssyncadd.s32 $0xFFFFE000  }
0x94: {  	[tilespmem:s25], [sflag:$0x10] =	stream.linear.gather [hbm4b:s22+s3], $0x80, $0x38;
	[tilespmem:$0x12400] =	vst v63  }
0x95: {  	_ =	swait.ge [sflag:s17], $0x80  }
0x96: {  	[sflag:s17] =	ssyncset.done $0x0  }
0x97: {  	[sflag:s17] =	ssyncadd.s32 $0xFFFFFF80  }
0x98: {  	[tilespmem:s26], [sflag:$0x4] =	stream.indirect.gather [hbm4b:s4+s0], $0x40, s15, s0, $0xb8;
	[tilespmem:$0x12400] =	vst v63  }
0x99: {  	s23 =	simm.s32 $0x80;
	s1 =	simm.s32 $0x9;
	_ =	swait.ge [sflag:s7], $0x2000  }
0x9a: {  	s24 =	sadd.s32 $0x40, s28;
	s22 =	simm.s32 $0x40;
	[sflag:s7] =	ssyncset.done $0x0  }
.LBB2_4:
0x9b: {  	s30 =	smov.u32 s29  }
0x9c: {  	s29 =	smov.u32 s28;
	s28 =	sadd.s32 $0x40, s24;
	[sflag:s7] =	ssyncadd.s32 $0xFFFFE000  }
0x9d: {  	s6 =	simm.s32 $0x12000;
	s25 =	smov.u32 s23;
	s26 =	sadd.s32 $0x40, s23  }
0x9e: {  	[tilespmem:s6], [sflag:$0x9] =	stream.linear.gather [hbm4b:s28+s3], $0x80, $0x38;
	[tilespmem:$0x12400] =	vst v63  }
0x9f: {  	s7 =	simm.s32 $0xD;
	s6 =	simm.s32 $0x12200  }
0xa0: {  	s28 =	smov.u32 s29;
	s29 =	smov.u32 s30;
	s30 =	simm.s32 $0xA000  }
0xa1: {  	p0 =	sne.s32 s23, $0x480;
	_ =	swait.ge [sflag:s7], $0x80  }
0xa2: {  	[sflag:s7] =	ssyncset.done $0x0  }
0xa3: {  	[sflag:s7] =	ssyncadd.s32 $0xFFFFFF80;
	s7 =	simm.s32 $0x2  }
0xa4: {  	[spmem:s13] =	stream.indirect.scatter.add.f32 [tilespmem:s30], [sflag:$0x5], $0x40, s6, s0, $0xb8;
	[tilespmem:$0x12400] =	vst v63  }
0xa5: {  	_ =	swait.ge [sflag:s7], $0x2000  }
0xa6: {  	s23 =	sadd.s32 $0x50, s24;
	[sflag:s7] =	ssyncset.done $0x0  }
0xa7: {  	s17 =	simm.s32 $0x12080;
	[sflag:s7] =	ssyncadd.s32 $0xFFFFE000;
	s7 =	simm.s32 $0xE  }
0xa8: {  	[tilespmem:s17], [sflag:$0xA] =	stream.linear.gather [hbm4b:s23+s3], $0x80, $0x38;
	[tilespmem:$0x12400] =	vst v63  }
0xa9: {  	_ =	swait.ge [sflag:s7], $0x80  }
0xaa: {  	[sflag:s7] =	ssyncset.done $0x0  }
0xab: {  	s31 =	simm.s32 $0x12280;
	s15 =	simm.s32 $0xC000;
	[sflag:s7] =	ssyncadd.s32 $0xFFFFFF80  }
0xac: {  	[spmem:s13] =	stream.indirect.scatter.add.f32 [tilespmem:s15], [sflag:$0x6], $0x40, s31, s0, $0xb8;
	[tilespmem:$0x12400] =	vst v63  }
0xad: {  	_ =	swait.ge [sflag:s18], $0x2000  }
0xae: {  	[sflag:s18] =	ssyncset.done $0x0  }
0xaf: {  	s9 =	simm.s32 $0x12100;
	s23 =	sadd.s32 $0x60, s24;
	[sflag:s18] =	ssyncadd.s32 $0xFFFFE000  }
0xb0: {  	[tilespmem:s9], [sflag:$0xB] =	stream.linear.gather [hbm4b:s23+s3], $0x80, $0x38;
	[tilespmem:$0x12400] =	vst v63  }
0xb1: {  	_ =	swait.ge [sflag:s19], $0x80  }
0xb2: {  	[sflag:s19] =	ssyncset.done $0x0  }
0xb3: {  	s8 =	simm.s32 $0x12300;
	s14 =	simm.s32 $0xE000;
	[sflag:s19] =	ssyncadd.s32 $0xFFFFFF80  }
0xb4: {  	[spmem:s13] =	stream.indirect.scatter.add.f32 [tilespmem:s14], [sflag:$0x7], $0x40, s8, s0, $0xb8;
	[tilespmem:$0x12400] =	vst v63  }
0xb5: {  	_ =	swait.ge [sflag:s5], $0x2000  }
0xb6: {  	[sflag:s5] =	ssyncset.done $0x0  }
0xb7: {  	s16 =	simm.s32 $0x12180;
	s23 =	sadd.s32 $0x70, s24;
	[sflag:s5] =	ssyncadd.s32 $0xFFFFE000  }
0xb8: {  	[tilespmem:s16], [sflag:$0xC] =	stream.linear.gather [hbm4b:s23+s3], $0x80, $0x38;
	[tilespmem:$0x12400] =	vst v63  }
0xb9: {  	_ =	swait.ge [sflag:s21], $0x80  }
0xba: {  	[sflag:s21] =	ssyncset.done $0x0  }
0xbb: {  	s12 =	simm.s32 $0x12380;
	s7 =	simm.s32 $0x10000;
	[sflag:s21] =	ssyncadd.s32 $0xFFFFFF80  }
0xbc: {  	[spmem:s13] =	stream.indirect.scatter.add.f32 [tilespmem:s7], [sflag:$0x8], $0x40, s12, s0, $0xb8;
	[tilespmem:$0x12400] =	vst v63  }
0xbd: {  	s23 =	sadd.s32 s22, s29;
	_ =	swait.ge [sflag:s10], $0x2000  }
0xbe: {  	s22 =	smov.u32 s25;
	s25 =	simm.s32 $0x12000;
	[sflag:s10] =	ssyncset.done $0x0  }
0xbf: {  	s24 =	sadd.s32 $0x40, s23;
	[sflag:s10] =	ssyncadd.s32 $0xFFFFE000  }
0xc0: {  	[tilespmem:s6], [sflag:$0xD] =	stream.linear.gather [hbm4b:s24+s3], $0x80, $0x38;
	[tilespmem:$0x12400] =	vst v63  }
0xc1: {  	_ =	swait.ge [sflag:s1], $0x80  }
0xc2: {  	[sflag:s1] =	ssyncset.done $0x0  }
0xc3: {  	[sflag:s1] =	ssyncadd.s32 $0xFFFFFF80  }
0xc4: {  	[tilespmem:s30], [sflag:$0x1] =	stream.indirect.gather [hbm4b:s4+s0], $0x40, s25, s0, $0xb8;
	[tilespmem:$0x12400] =	vst v63  }
0xc5: {  	_ =	swait.ge [sflag:s11], $0x2000  }
0xc6: {  	[sflag:s11] =	ssyncset.done $0x0  }
0xc7: {  	s24 =	sadd.s32 $0x50, s23;
	[sflag:s11] =	ssyncadd.s32 $0xFFFFE000  }
0xc8: {  	[tilespmem:s31], [sflag:$0xE] =	stream.linear.gather [hbm4b:s24+s3], $0x80, $0x38;
	[tilespmem:$0x12400] =	vst v63  }
0xc9: {  	s31 =	simm.s32 $0xA  }
0xca: {  	_ =	swait.ge [sflag:s31], $0x80  }
0xcb: {  	[sflag:s31] =	ssyncset.done $0x0  }
0xcc: {  	[sflag:s31] =	ssyncadd.s32 $0xFFFFFF80  }
0xcd: {  	[tilespmem:s15], [sflag:$0x2] =	stream.indirect.gather [hbm4b:s4+s0], $0x40, s17, s0, $0xb8;
	[tilespmem:$0x12400] =	vst v63  }
0xce: {  	_ =	swait.ge [sflag:s20], $0x2000  }
0xcf: {  	[sflag:s20] =	ssyncset.done $0x0  }
0xd0: {  	s24 =	sadd.s32 $0x60, s23;
	[sflag:s20] =	ssyncadd.s32 $0xFFFFE000  }
0xd1: {  	[tilespmem:s8], [sflag:$0xF] =	stream.linear.gather [hbm4b:s24+s3], $0x80, $0x38;
	[tilespmem:$0x12400] =	vst v63  }
0xd2: {  	s8 =	simm.s32 $0xB  }
0xd3: {  	_ =	swait.ge [sflag:s8], $0x80  }
0xd4: {  	[sflag:s8] =	ssyncset.done $0x0  }
0xd5: {  	[sflag:s8] =	ssyncadd.s32 $0xFFFFFF80  }
0xd6: {  	[tilespmem:s14], [sflag:$0x3] =	stream.indirect.gather [hbm4b:s4+s0], $0x40, s9, s0, $0xb8;
	[tilespmem:$0x12400] =	vst v63  }
0xd7: {  	_ =	swait.ge [sflag:s2], $0x2000  }
0xd8: {  	[sflag:s2] =	ssyncset.done $0x0  }
0xd9: {  	s23 =	sadd.s32 $0x70, s23;
	s8 =	simm.s32 $0xC;
	[sflag:s2] =	ssyncadd.s32 $0xFFFFE000  }
0xda: {  	[tilespmem:s12], [sflag:$0x10] =	stream.linear.gather [hbm4b:s23+s3], $0x80, $0x38;
	[tilespmem:$0x12400] =	vst v63  }
0xdb: {  	_ =	swait.ge [sflag:s8], $0x80  }
0xdc: {  	[sflag:s8] =	ssyncset.done $0x0  }
.Ltmp1:
0xdd: {  	[sflag:s8] =	ssyncadd.s32 $0xFFFFFF80;
	(pc) =	sbr.rel @p0 .LBB2_4-.Ltmp1, $4  }
0xde: {  	[tilespmem:s7], [sflag:$0x4] =	stream.indirect.gather [hbm4b:s4+s0], $0x40, s16, s0, $0xb8;
	[tilespmem:$0x12400] =	vst v63  }
0xdf: {  	s7 =	simm.s32 $0x1  }
0xe0: {  	_ =	swait.ge [sflag:s7], $0x2000  }
0xe1: {  	s24 =	sadd.s32 s22, s28;
	s23 =	smov.u32 s26;
	[sflag:s7] =	ssyncset.done $0x0  }
0xe2: {  	s23 =	sadd.s32 $0x40, s24;
	[sflag:s7] =	ssyncadd.s32 $0xFFFFE000;
	s9 =	simm.s32 $0xD  }
0xe3: {  	[tilespmem:s25], [sflag:$0x9] =	stream.linear.gather [hbm4b:s23+s3], $0x80, $0x38;
	[tilespmem:$0x12400] =	vst v63  }
0xe4: {  	_ =	swait.ge [sflag:s9], $0x80  }
0xe5: {  	[sflag:s9] =	ssyncset.done $0x0  }
0xe6: {  	s8 =	simm.s32 $0x2;
	[sflag:s9] =	ssyncadd.s32 $0xFFFFFF80  }
0xe7: {  	[spmem:s13] =	stream.indirect.scatter.add.f32 [tilespmem:s30], [sflag:$0x5], $0x40, s6, s0, $0xb8;
	[tilespmem:$0x12400] =	vst v63  }
0xe8: {  	_ =	swait.ge [sflag:s8], $0x2000  }
0xe9: {  	s15 =	sadd.s32 $0x50, s24;
	[sflag:s8] =	ssyncset.done $0x0  }
0xea: {  	s17 =	simm.s32 $0x12080;
	s7 =	simm.s32 $0xE;
	[sflag:s8] =	ssyncadd.s32 $0xFFFFE000  }
0xeb: {  	[tilespmem:s17], [sflag:$0xA] =	stream.linear.gather [hbm4b:s15+s3], $0x80, $0x38;
	[tilespmem:$0x12400] =	vst v63  }
0xec: {  	_ =	swait.ge [sflag:s7], $0x80  }
0xed: {  	[sflag:s7] =	ssyncset.done $0x0  }
0xee: {  	s12 =	simm.s32 $0x12280;
	s14 =	simm.s32 $0xC000;
	[sflag:s7] =	ssyncadd.s32 $0xFFFFFF80  }
0xef: {  	[spmem:s13] =	stream.indirect.scatter.add.f32 [tilespmem:s14], [sflag:$0x6], $0x40, s12, s0, $0xb8;
	[tilespmem:$0x12400] =	vst v63  }
0xf0: {  	_ =	swait.ge [sflag:s18], $0x2000  }
0xf1: {  	[sflag:s18] =	ssyncset.done $0x0  }
0xf2: {  	s16 =	sadd.s32 $0x60, s24;
	s12 =	simm.s32 $0x12100;
	[sflag:s18] =	ssyncadd.s32 $0xFFFFE000  }
0xf3: {  	[tilespmem:s12], [sflag:$0xB] =	stream.linear.gather [hbm4b:s16+s3], $0x80, $0x38;
	[tilespmem:$0x12400] =	vst v63  }
0xf4: {  	_ =	swait.ge [sflag:s19], $0x80  }
0xf5: {  	[sflag:s19] =	ssyncset.done $0x0  }
0xf6: {  	s23 =	simm.s32 $0x12300;
	s15 =	simm.s32 $0xE000;
	[sflag:s19] =	ssyncadd.s32 $0xFFFFFF80  }
0xf7: {  	[spmem:s13] =	stream.indirect.scatter.add.f32 [tilespmem:s15], [sflag:$0x7], $0x40, s23, s0, $0xb8;
	[tilespmem:$0x12400] =	vst v63  }
0xf8: {  	_ =	swait.ge [sflag:s5], $0x2000  }
0xf9: {  	[sflag:s5] =	ssyncset.done $0x0  }
0xfa: {  	s26 =	sadd.s32 $0x70, s24;
	s16 =	simm.s32 $0x12180;
	[sflag:s5] =	ssyncadd.s32 $0xFFFFE000  }
0xfb: {  	[tilespmem:s16], [sflag:$0xC] =	stream.linear.gather [hbm4b:s26+s3], $0x80, $0x38;
	[tilespmem:$0x12400] =	vst v63  }
0xfc: {  	_ =	swait.ge [sflag:s21], $0x80  }
0xfd: {  	[sflag:s21] =	ssyncset.done $0x0  }
0xfe: {  	s24 =	simm.s32 $0x12380;
	s14 =	simm.s32 $0x10000;
	[sflag:s21] =	ssyncadd.s32 $0xFFFFFF80  }
0xff: {  	[spmem:s13] =	stream.indirect.scatter.add.f32 [tilespmem:s14], [sflag:$0x8], $0x40, s24, s0, $0xb8;
	[tilespmem:$0x12400] =	vst v63  }
0x100: {  	_ =	swait.ge [sflag:s10], $0x2000  }
0x101: {  	s22 =	sadd.s32 s22, s29;
	[sflag:s10] =	ssyncset.done $0x0  }
0x102: {  	s23 =	sadd.s32 $0x40, s22;
	[sflag:s10] =	ssyncadd.s32 $0xFFFFE000  }
0x103: {  	[tilespmem:s6], [sflag:$0xD] =	stream.linear.gather [hbm4b:s23+s3], $0x80, $0x38;
	[tilespmem:$0x12400] =	vst v63  }
0x104: {  	_ =	swait.ge [sflag:s1], $0x80  }
0x105: {  	[sflag:s1] =	ssyncset.done $0x0  }
0x106: {  	[sflag:s1] =	ssyncadd.s32 $0xFFFFFF80  }
0x107: {  	[tilespmem:s30], [sflag:$0x1] =	stream.indirect.gather [hbm4b:s4+s0], $0x40, s25, s0, $0xb8;
	[tilespmem:$0x12400] =	vst v63  }
0x108: {  	_ =	swait.ge [sflag:s11], $0x2000  }
0x109: {  	[sflag:s11] =	ssyncset.done $0x0  }
0x10a: {  	s1 =	sadd.s32 $0x50, s22;
	s25 =	simm.s32 $0x12280;
	[sflag:s11] =	ssyncadd.s32 $0xFFFFE000  }
0x10b: {  	[tilespmem:s25], [sflag:$0xE] =	stream.linear.gather [hbm4b:s1+s3], $0x80, $0x38;
	[tilespmem:$0x12400] =	vst v63  }
0x10c: {  	_ =	swait.ge [sflag:s31], $0x80  }
0x10d: {  	[sflag:s31] =	ssyncset.done $0x0  }
0x10e: {  	s25 =	simm.s32 $0xC000;
	[sflag:s31] =	ssyncadd.s32 $0xFFFFFF80  }
0x10f: {  	[tilespmem:s25], [sflag:$0x2] =	stream.indirect.gather [hbm4b:s4+s0], $0x40, s17, s0, $0xb8;
	[tilespmem:$0x12400] =	vst v63  }
0x110: {  	_ =	swait.ge [sflag:s20], $0x2000  }
0x111: {  	s23 =	simm.s32 $0xB;
	[sflag:s20] =	ssyncset.done $0x0  }
0x112: {  	s1 =	sadd.s32 $0x60, s22;
	s17 =	simm.s32 $0x12300;
	[sflag:s20] =	ssyncadd.s32 $0xFFFFE000  }
0x113: {  	[tilespmem:s17], [sflag:$0xF] =	stream.linear.gather [hbm4b:s1+s3], $0x80, $0x38;
	[tilespmem:$0x12400] =	vst v63  }
0x114: {  	_ =	swait.ge [sflag:s23], $0x80  }
0x115: {  	[sflag:s23] =	ssyncset.done $0x0  }
0x116: {  	[sflag:s23] =	ssyncadd.s32 $0xFFFFFF80  }
0x117: {  	[tilespmem:s15], [sflag:$0x3] =	stream.indirect.gather [hbm4b:s4+s0], $0x40, s12, s0, $0xb8;
	[tilespmem:$0x12400] =	vst v63  }
0x118: {  	_ =	swait.ge [sflag:s2], $0x2000  }
0x119: {  	[sflag:s2] =	ssyncset.done $0x0  }
0x11a: {  	s22 =	sadd.s32 $0x70, s22;
	s23 =	simm.s32 $0xC;
	[sflag:s2] =	ssyncadd.s32 $0xFFFFE000  }
0x11b: {  	[tilespmem:s24], [sflag:$0x10] =	stream.linear.gather [hbm4b:s22+s3], $0x80, $0x38;
	[tilespmem:$0x12400] =	vst v63  }
0x11c: {  	_ =	swait.ge [sflag:s23], $0x80  }
0x11d: {  	[sflag:s23] =	ssyncset.done $0x0  }
0x11e: {  	s26 =	simm.s32 $0x1;
	[sflag:s23] =	ssyncadd.s32 $0xFFFFFF80  }
0x11f: {  	[tilespmem:s14], [sflag:$0x4] =	stream.indirect.gather [hbm4b:s4+s0], $0x40, s16, s0, $0xb8;
	[tilespmem:$0x12400] =	vst v63  }
0x120: {  	_ =	swait.ge [sflag:s26], $0x2000  }
0x121: {  	[sflag:s26] =	ssyncset.done $0x0  }
0x122: {  	[sflag:s26] =	ssyncadd.s32 $0xFFFFE000  }
0x123: {  	_ =	swait.ge [sflag:s9], $0x80  }
0x124: {  	[sflag:s9] =	ssyncset.done $0x0  }
0x125: {  	[sflag:s9] =	ssyncadd.s32 $0xFFFFFF80  }
0x126: {  	[spmem:s13] =	stream.indirect.scatter.add.f32 [tilespmem:s30], [sflag:$0x5], $0x40, s6, s0, $0xb8;
	[tilespmem:$0x12400] =	vst v63  }
0x127: {  	_ =	swait.ge [sflag:s8], $0x2000  }
0x128: {  	[sflag:s8] =	ssyncset.done $0x0  }
0x129: {  	[sflag:s8] =	ssyncadd.s32 $0xFFFFE000  }
0x12a: {  	_ =	swait.ge [sflag:s7], $0x80  }
0x12b: {  	[sflag:s7] =	ssyncset.done $0x0  }
0x12c: {  	s12 =	simm.s32 $0x12280;
	[sflag:s7] =	ssyncadd.s32 $0xFFFFFF80  }
0x12d: {  	[spmem:s13] =	stream.indirect.scatter.add.f32 [tilespmem:s25], [sflag:$0x6], $0x40, s12, s0, $0xb8;
	[tilespmem:$0x12400] =	vst v63  }
0x12e: {  	_ =	swait.ge [sflag:s18], $0x2000  }
0x12f: {  	[sflag:s18] =	ssyncset.done $0x0  }
0x130: {  	[sflag:s18] =	ssyncadd.s32 $0xFFFFE000  }
0x131: {  	_ =	swait.ge [sflag:s19], $0x80  }
0x132: {  	[sflag:s19] =	ssyncset.done $0x0  }
0x133: {  	s17 =	simm.s32 $0x12300;
	[sflag:s19] =	ssyncadd.s32 $0xFFFFFF80  }
0x134: {  	[spmem:s13] =	stream.indirect.scatter.add.f32 [tilespmem:s15], [sflag:$0x7], $0x40, s17, s0, $0xb8;
	[tilespmem:$0x12400] =	vst v63  }
0x135: {  	_ =	swait.ge [sflag:s5], $0x2000  }
0x136: {  	[sflag:s5] =	ssyncset.done $0x0  }
0x137: {  	[sflag:s5] =	ssyncadd.s32 $0xFFFFE000  }
0x138: {  	_ =	swait.ge [sflag:s21], $0x80  }
0x139: {  	[sflag:s21] =	ssyncset.done $0x0  }
0x13a: {  	[sflag:s21] =	ssyncadd.s32 $0xFFFFFF80  }
0x13b: {  	[spmem:s13] =	stream.indirect.scatter.add.f32 [tilespmem:s14], [sflag:$0x8], $0x40, s24, s0, $0xb8;
	[tilespmem:$0x12400] =	vst v63  }
0x13c: {  	_ =	swait.ge [sflag:s10], $0x2000  }
0x13d: {  	[sflag:s10] =	ssyncset.done $0x0  }
0x13e: {  	[sflag:s10] =	ssyncadd.s32 $0xFFFFE000  }
0x13f: {  	_ =	swait.ge [sflag:s11], $0x2000  }
0x140: {  	[sflag:s11] =	ssyncset.done $0x0  }
0x141: {  	[sflag:s11] =	ssyncadd.s32 $0xFFFFE000  }
0x142: {  	_ =	swait.ge [sflag:s20], $0x2000  }
0x143: {  	[sflag:s20] =	ssyncset.done $0x0  }
0x144: {  	[sflag:s20] =	ssyncadd.s32 $0xFFFFE000  }
0x145: {  	_ =	swait.ge [sflag:s2], $0x2000  }
0x146: {  	[sflag:s2] =	ssyncset.done $0x0  }
0x147: {  	s16 =	stileid.u32;
	[sflag:s2] =	ssyncadd.s32 $0xFFFFE000  }
0x148: {  	s22 =	sshll.u32 s16, $0x6;
	[bflag:$0x0] =	sbarrier.arrive $0xFFFF  }
0x149: {  	s22 =	sor.u32 $0x1C11, s22;
	s25 =	rddreg [dreg:$0x4]  }
0x14a: {  	s26 =	simm.s32 $0x11;
	s20 =	rddreg [dreg:$0xf];
	s17 =	sshrl.u32 s25, $0x3  }
0x14b: {  	[hbm:s20], [sflag:s22] =	dma.local [spmem:s17], $0x1400  }
0x14c: {  	_ =	swait.ge [sflag:s26], $0x1400  }
0x14d: {  	s23 =	rddreg [dreg:$0x11]  }
0x14e: {  	s24 =	rddreg [dreg:$0x10];
	s8 =	sadd.s32 $0x1, s23  }
0x14f: {  	p0 =	sne.s32 s8, s24  }
.Ltmp2:
0x150: {  	_ = 	snop;
	(pc) =	sbr.rel @p0 .LBB2_1-.Ltmp2, $3  }
0x151: {  	_ =	sdelay $0x1  }
0x152: {  	[sflag:s26] =	ssyncset.done $0x0  }
0x153: {  	s1 =	simm.s32 $0x9;
	[sflag:s26] =	ssyncadd.s32 $0xFFFFEC00  }
0x154: {  	_ =	sfence.sel $0x180000  }
0x155: {  	[bflag:$0x0] =	sbarrier.arrive $0xFFFF  }
0x156: {  	_ =	strace $0x9000004D  }
0x157: {  	s0 =	stileid.u32;
	[bflag:$0x2] =	sbarrier.arrive $0xFFFF  }
0x158: {  	p0 =	sne.s32 s0, $0x0;
	s0 =	rddreg [dreg:$0x3]  }
0x159: {  	s0 =	sadd.s32 @!p0 $0x100000, s0  }
0x15a: {  	[sflag:s0] =	ssyncadd.tile.s32 @!p0 $0x1;
	_ =	shalt  }
.Lfunc_end2:
_tile_overlayer_lowered:
.L_overlay_start_2:
0x15b: {  	(tag) =	ssettag $0x2  }
0x15c: {  	s0 =	rddreg [dreg:$0x0];
	s2 =	stileid.u32  }
0x15d: {  	s1 =	rddreg [dreg:$0x1];
	p0 =	sne.s32 s2, $0x0  }
0x15e: {  	s3 =	rddreg [dreg:$0x2];
	[bflag:$0x3] =	sbarrier.arrive $0xFFFF;
	s2 =	simm.s32 @!p0 $0x1C11  }
0x15f: {  	[timem:s3], [sflag:s2] =	dma.local @!p0 [hbm:s0], s1  }
0x160: {  	s0 =	simm.s32 @!p0 $0x11  }
0x161: {  	_ =	swait.ge @!p0 [sflag:s0], s1  }
0x162: {  	s1 =	ssub.s32 @!p0 $0x0, s1;
	[sflag:s0] =	ssyncset.done @!p0 $0x0  }
0x163: {  	[sflag:s0] =	ssyncadd.s32 @!p0 s1  }
0x164: {  	[bflag:$0x3] =	sbarrier.arrive $0xFFFF  }
0x165: {  	_ =	shalt  }

// kernel: kernel.9.cloned.1.call-start
scs
__scs_entry_jumppad:
0x0: {  	(pc) =	sbr.rel $0x88, $3  }
0x1: {  	(tag) =	ssettag $0x0;
	lr =	simm.s32 $0x1  }
0x2: {  	[smem:$0x3F99] =	sst lr;
	_ =	strace $0xD0000000  }
0x3: {  	_ = 	snop  }
0x4: {  	_ = 	snop  }
0x5: {  	_ = 	snop  }
0x6: {  	_ = 	snop  }
0x7: {  	_ = 	snop  }
__scs_overlays_trampoline_lowered:
0x8: {  	[smem:$0x3FA8] =	sst s0  }
0x9: {  	[smem:$0x3FA9] =	sst s1  }
0xa: {  	[smem:$0x3FAA] =	sst s2  }
0xb: {  	[smem:$0x3FAB] =	sst s3  }
0xc: {  	[smem:$0x3FAC] =	sst s4  }
0xd: {  	[smem:$0x3FAD] =	sst s5  }
0xe: {  	[smem:$0x3FAE] =	sst s6  }
0xf: {  	[smem:$0x3FAF] =	sst s7  }
0x10: {  	[smem:$0x3FB0] =	sst s8  }
0x11: {  	[smem:$0x3FB1] =	sst s9;
	s0 =	simm.s32 @!p0 $0x0  }
0x12: {  	s1 =	sld [smem:$0x3F97];
	s0 =	simm.s32 @p0 $0x1  }
0x13: {  	[smem:$0x3FB2] =	sst s0;
	s0 =	simm.s32 @!p1 $0x0  }
0x14: {  	s2 =	sld [smem:$0x3F96];
	s0 =	simm.s32 @p1 $0x1  }
0x15: {  	[smem:$0x3FB3] =	sst s0;
	s0 =	simm.s32 @!p2 $0x0  }
0x16: {  	s3 =	sld [smem:$0x3FDB];
	s0 =	simm.s32 @p2 $0x1  }
0x17: {  	s4 =	simm.s32 $0x1BF5;
	[smem:$0x3FB5] =	sst s0  }
0x18: {  	s0 =	sld [smem:$0x3F98];
	_ =	swait.ge [sflag:s4], $0x0  }
0x19: {  	s7 =	sld [smem:$0x3F99]  }
0x1a: {  	s8 =	sadd.s32 $0xFFFFE003, lr  }
0x1b: {  	s9 =	sadd.s32 $0xFFFFFEF7, lr;
	s5 =	simm.s32 $0xFFFFFFFF;
	p2 =	slt.u32 s8, $0xFFFFF086  }
0x1c: {  	p1 =	slt.u32 s9, $0xF7A;
	s5 =	simm.s32 @!p2 $0x0  }
0x1d: {  	s5 =	simm.s32 @p1 $0x1;
	p0 =	seq.s32 s7, s2  }
0x1e: {  	s7 =	smul.u32 @!p0 $0xF7A, s2;
	p2 =	seq.s32 @!p0 s5, $0x0  }
0x1f: {  	s9 =	smul.u32 $0xF7A, s1;
	s8 =	simm.s32 @!p0 $0x1BF5;
	p2 =	por !p2, p0  }
0x20: {  	[sflag:s8] =	ssyncset.s32 @!p0 $0xFFFFF086;
	s6 =	sadd.s32 @!p0 s3, s7;
	s7 =	simm.s32 @!p0 $0x108  }
0x21: {  	s3 =	sadd.s32 s3, s9;
	s6 =	sadd.s32 @!p0 $0x88, s6;
	s7 =	simm.s32 @p2 $0x1082  }
0x22: {  	[simem:s7], [sflag:s8] =	dma.local @!p0 [hbm:s6], $0xF7A  }
0x23: {  	s9 =	sor.u32 $0xD0000000, s2;
	s6 =	simm.s32 $0x108;
	_ =	swait.ge @!p0 [sflag:s8], $0x0  }
0x24: {  	s3 =	sadd.s32 $0x88, s3;
	s6 =	simm.s32 @!p1 $0x1082;
	[sflag:s4] =	ssyncset.s32 $0xFFFFF086  }
0x25: {  	[simem:s6], [sflag:s4] =	dma.local [hbm:s3], $0xF7A  }
0x26: {  	[smem:$0x3F99] =	sst s1;
	(tag) =	ssettag s2;
	_ =	strace s9  }
0x27: {  	s1 =	sld [smem:$0x3FA9]  }
0x28: {  	s2 =	sld [smem:$0x3FAA]  }
0x29: {  	s4 =	sld [smem:$0x3FAC]  }
0x2a: {  	p0 =	seq.s32 s5, $0x0;
	s5 =	sld [smem:$0x3FAD]  }
0x2b: {  	s6 =	sld [smem:$0x3FAE]  }
0x2c: {  	s7 =	sld [smem:$0x3FAF]  }
0x2d: {  	s3 =	simm.s32 $0x108;
	s8 =	sld [smem:$0x3FB0]  }
0x2e: {  	s3 =	simm.s32 @!p0 $0x1082;
	s9 =	sld [smem:$0x3FB1]  }
0x2f: {  	lr =	sadd.s32 s0, s3;
	s0 =	sld [smem:$0x3FA8]  }
0x30: {  	s3 =	sld [smem:$0x3FAB]  }
0x31: {  	[smem:$0x3FB4] =	sst s10  }
0x32: {  	s10 =	sld [smem:$0x3FB2];
	_ =	sdelay $0x3  }
0x33: {  	p0 =	seq.s32 s10, $0x1;
	s10 =	sld [smem:$0x3FB4];
	_ =	sdelay $0x3  }
0x34: {  	[smem:$0x3FB4] =	sst s10  }
0x35: {  	s10 =	sld [smem:$0x3FB3];
	_ =	sdelay $0x3  }
0x36: {  	p1 =	seq.s32 s10, $0x1;
	s10 =	sld [smem:$0x3FB4];
	_ =	sdelay $0x3  }
0x37: {  	[smem:$0x3FB4] =	sst s10  }
0x38: {  	s10 =	sld [smem:$0x3FB5]  }
0x39: {  	_ = 	snop;
	(pc) =	sbr.ind lr, $3  }
0x3a: {  	_ = 	snop  }
0x3b: {  	_ = 	snop  }
0x3c: {  	p2 =	seq.s32 s10, $0x1;
	s10 =	sld [smem:$0x3FB4]  }
0x3d: {  	_ =	shalt  }
0x3e: {  	_ =	shalt  }
0x3f: {  	_ =	shalt  }
0x40: {  	_ =	shalt  }
0x41: {  	_ =	shalt  }
0x42: {  	_ =	shalt  }
0x43: {  	_ =	shalt  }
0x44: {  	_ =	shalt  }
0x45: {  	_ =	shalt  }
0x46: {  	_ =	shalt  }
0x47: {  	_ =	shalt  }
0x48: {  	_ =	shalt  }
0x49: {  	_ =	shalt  }
0x4a: {  	_ =	shalt  }
0x4b: {  	_ =	shalt  }
0x4c: {  	_ =	shalt  }
0x4d: {  	_ =	shalt  }
0x4e: {  	_ =	shalt  }
0x4f: {  	_ =	shalt  }
0x50: {  	_ =	shalt  }
0x51: {  	_ =	shalt  }
0x52: {  	_ =	shalt  }
0x53: {  	_ =	shalt  }
0x54: {  	_ =	shalt  }
0x55: {  	_ =	shalt  }
0x56: {  	_ =	shalt  }
0x57: {  	_ =	shalt  }
0x58: {  	_ =	shalt  }
0x59: {  	_ =	shalt  }
0x5a: {  	_ =	shalt  }
0x5b: {  	_ =	shalt  }
0x5c: {  	_ =	shalt  }
0x5d: {  	_ =	shalt  }
0x5e: {  	_ =	shalt  }
0x5f: {  	_ =	shalt  }
0x60: {  	_ =	shalt  }
0x61: {  	_ =	shalt  }
0x62: {  	_ =	shalt  }
0x63: {  	_ =	shalt  }
0x64: {  	_ =	shalt  }
0x65: {  	_ =	shalt  }
0x66: {  	_ =	shalt  }
0x67: {  	_ =	shalt  }
0x68: {  	_ =	shalt  }
0x69: {  	_ =	shalt  }
0x6a: {  	_ =	shalt  }
0x6b: {  	_ =	shalt  }
0x6c: {  	_ =	shalt  }
0x6d: {  	_ =	shalt  }
0x6e: {  	_ =	shalt  }
0x6f: {  	_ =	shalt  }
0x70: {  	_ =	shalt  }
0x71: {  	_ =	shalt  }
0x72: {  	_ =	shalt  }
0x73: {  	_ =	shalt  }
0x74: {  	_ =	shalt  }
0x75: {  	_ =	shalt  }
0x76: {  	_ =	shalt  }
0x77: {  	_ =	shalt  }
0x78: {  	_ =	shalt  }
0x79: {  	_ =	shalt  }
0x7a: {  	_ =	shalt  }
0x7b: {  	_ =	shalt  }
0x7c: {  	_ =	shalt  }
0x7d: {  	_ =	shalt  }
0x7e: {  	_ =	shalt  }
0x7f: {  	_ =	shalt  }
0x80: {  	_ =	shalt  }
0x81: {  	_ =	shalt  }
0x82: {  	_ =	shalt  }
0x83: {  	_ =	shalt  }
0x84: {  	_ =	shalt  }
0x85: {  	_ =	shalt  }
0x86: {  	_ =	shalt  }
0x87: {  	_ =	shalt  }
.Lfunc_end0:
.L_simem_size_0:
called_computation_lowered:
.L_overlay_start_0:
0x88: {  	s2 =	sld [smem:$0x3FD9]  }
0x89: {  	s3 =	sld [smem:$0x3FFE];
	_ =	sdelay $0x1  }
0x8a: {  	s1 =	srdreg.scid  }
0x8b: {  	s0 =	sand.u32 $0x1, s1  }
0x8c: {  	s17 =	sshll.u32 s0, $0xA;
	s2 =	sadd.s32 s3, s2  }
0x8d: {  	s2 =	sadd.s32 s2, s17  }
0x8e: {  	[smem:$0x3FC0] =	sst s2  }
0x8f: {  	_ = 	snop  }
0x90: {  	s2 =	sld [smem:$0x3FD0];
	(tm) =	ssettm $0x1  }
0x91: {  	s18 =	sld [smem:$0x3FFB];
	_ =	sdelay $0x3  }
0x92: {  	_ =	strace s18  }
0x93: {  	s3 =	sld [smem:$0x3FFC];
	_ =	sdelay $0x3  }
0x94: {  	_ =	strace s3  }
0x95: {  	s3 =	sld [smem:$0x3FFD];
	_ =	sdelay $0x3  }
0x96: {  	_ =	strace s3  }
0x97: {  	_ =	strace $0x8FFFFFFF  }
0x98: {  	s19 =	sld [smem:$0x3FDB];
	_ =	sdelay $0x1  }
0x99: {  	s4 =	simm.s32 $_scs_section_size  }
0x9a: {  	s5 =	simm.s32 $_size__tile_overlayer_lowered;
	s6 =	simm.s32 $_tile_overlayer_lowered  }
0x9b: {  	s22 =	simm.s32 $0x1BFF;
	s21 =	sshll.u32 s6, $0x1;
	s3 =	sadd.s32 s4, s19  }
0x9c: {  	s7 =	simm.s32 $0x0;
	s20 =	sshll.u32 s5, $0x1;
	s5 =	sadd.s32 s21, s3  }
0x9d: {  	[timem:s7], [sflag:s22] =	dma.local [hbm:s5], s20  }
0x9e: {  	_ =	swait.ge [sflag:s22], s20  }
0x9f: {  	s4 =	ssub.s32 $0x0, s20;
	[sflag:s22] =	ssyncset.done $0x0  }
0xa0: {  	[sflag:s22] =	ssyncadd.s32 s4;
	_ =	sdelay $0x1  }
0xa1: {  	s23 =	simm.s32 $0x1B8B  }
0xa2: {  	_ =	swait.ge [sflag:s23], $0x1  }
0xa3: {  	[sflag:s23] =	ssyncset.done $0x0  }
0xa4: {  	s25 =	simm.s32 $0x1B8E;
	s24 =	sld [smem:$0x3FFE];
	[sflag:s23] =	ssyncadd.s32 $0xFFFFFFFF  }
0xa5: {  	s26 =	simm.s32 $execute0_lowered;
	[smem:$0x3FD2] =	sst s25  }
0xa6: {  	s5 =	sshll.u32 s26, $0x1;
	_ =	strace $0x80000046;
	[dreg:$0x1] =	wrdreg $0xFFFFFFFF  }
0xa7: {  	s28 =	simm.s32 $_size_execute0_lowered;
	s3 =	sadd.s32 s3, s5;
	[dreg:$0x0] =	wrdreg $0x0  }
0xa8: {  	s5 =	sshll.u32 s28, $0x1;
	[dreg:$0x2] =	wrdreg s3  }
0xa9: {  	[dreg:$0x3] =	wrdreg s5  }
0xaa: {  	[dreg:$0x4] =	wrdreg $0xC0  }
0xab: {  	_ =	task [dreg:s7], $0x5FFFF  }
0xac: {  	[dreg:$0x1] =	wrdreg $0xFFFFFFFF  }
0xad: {  	[dreg:$0x0] =	wrdreg $0x60  }
0xae: {  	[dreg:$0x2] =	wrdreg s2  }
0xaf: {  	[dreg:$0x3] =	wrdreg s24  }
0xb0: {  	[dreg:$0x4] =	wrdreg $0x0  }
0xb1: {  	[dreg:$0x5] =	wrdreg $0x9  }
0xb2: {  	_ =	task.clear_ibuf [dreg:s7], $0x6FFFF;
	_ =	strace $0x90000046  }
0xb3: {  	s29 =	simm.s32 $0x9;
	_ =	strace $0x80000048  }
0xb4: {  	_ =	swait.ge [sflag:s29], $0x1  }
0xb5: {  	[sflag:s29] =	ssyncadd.s32 $0xFFFFFFFF  }
0xb6: {  	_ =	strace $0x90000048  }
0xb7: {  	_ =	sfence  }
0xb8: {  	s30 =	sld [smem:$0x0];
	_ =	sdelay $0x2  }
0xb9: {  	s31 =	sshll.u32 s1, $0xD;
	s1 =	sshrl.u32 s1, $0x2  }
0xba: {  	s3 =	sand.u32 $0x4000, s31;
	s1 =	sadd.s32 s1, s30  }
0xbb: {  	s0 =	sor.u32 s3, s0;
	s1 =	sshll.u32 s1, $0x11  }
0xbc: {  	s0 =	sor.u32 s1, s0  }
0xbd: {  	s0 =	sadd.s32 $0x8F2B, s0  }
0xbe: {  	[sflag:s0] =	ssyncadd.remote.s32 $0x1  }
0xbf: {  	_ =	sfence.sel $0xFFFF  }
0xc0: {  	[dreg:$0x0] =	wrdreg $0xFFFFFFFF;
	(pc) =	sbr.abs _section_cstart, $3  }
0xc1: {  	[dreg:$0x1] =	wrdreg $0xFFFFFFFF  }
0xc2: {  	_ =	task.clear_ibuf [dreg:s7], $0x2FFFF;
	_ =	strace $0x9FFFFFFF  }
0xc3: {  	(tm) =	ssettm $0x7FFFFFFF  }
tec
execute0_lowered:
.L_overlay_start_1:
0x0: {  	(tag) =	ssettag $0x1  }
0x1: {  	s9 =	rddreg [dreg:$0x0];
	s1 =	srdreg.scid  }
0x2: {  	s0 =	stileid.u32;
	s4 =	rddreg [dreg:$0x1]  }
0x3: {  	s2 =	rddreg [dreg:$0x2];
	s3 =	simm.s32 $0x0;
	s13 =	simm.s32 $0x5  }
0x4: {  	s14 =	simm.s32 $0x6000;
	s15 =	simm.s32 $0x80;
	s16 =	simm.s32 $0x6080  }
0x5: {  	s17 =	simm.s32 $0x6100;
	s18 =	simm.s32 $0x6180;
	s6 =	smul.u32 $0x5000, s0  }
0x6: {  	s5 =	sand.u32 $0x1, s1;
	s1 =	rddreg [dreg:$0x3];
	s8 =	smul.u32 $0x14000, s0  }
0x7: {  	[smem:$0x7FF] =	sst s3;
	s7 =	smul.u32 $0x50000, s5;
	s30 =	ssub.s32 $0x2, s5  }
0x8: {  	_ =	strace $0x80000047;
	s5 =	sshll.u32 s5, $0x4;
	s31 =	sshrl.u32 s30, $0x1  }
0x9: {  	s8 =	sshrl.u32 s8, $0x2;
	s5 =	sor.u32 s0, s5;
	s7 =	sadd.s32 s6, s7  }
.Ltmp0:
0xa: {  	s11 =	ssub.s32 s30, s31;
	s8 =	sadd.s32 s8, s2;
	(pc) =	sbr.rel .LBB2_1-.Ltmp0, $4  }
0xb: {  	s12 =	smul.u32 $0x500, s5;
	s7 =	sshrl.u32 s7, $0x3;
	s5 =	sadd.s32 $0x1000, s8  }
0xc: {  	s11 =	smax.u32 s11, $0x1;
	s10 =	sadd.s32 s7, s4;
	s4 =	sadd.s32 s6, s2  }
0xd: {  	s6 =	sadd.s32 $0x2000, s8;
	s7 =	sadd.s32 $0x3000, s8;
	s8 =	sadd.s32 $0x4000, s8  }
0xe: {  	v0 =	vimm.f32 $0.0e+00;
	v1 =	vimm.f32 $1.000000000e+00;
	s9 =	sadd.s32 s9, s12;
	s12 =	simm.s32 $0x5000;
	s10 =	sadd.s32 $0xD800, s10  }
.LBB2_13:
0xf: {  	s3 =	sadd.s32 $0x1, s3  }
0x10: {  	s19 =	sshll.u32 s0, $0x6;
	[bflag:$0x0] =	sbarrier.arrive $0xFFFF;
	p0 =	sne.s32 s3, s11  }
.Ltmp1:
0x11: {  	s20 =	sshrl.u32 s4, $0x3;
	s19 =	sor.u32 $0x1C05, s19;
	(pc) =	sbr.rel @!p0 .LBB2_14-.Ltmp1, $4  }
0x12: {  	[hbm:s10], [sflag:s19] =	dma.local [spmem:s20], $0xA00  }
0x13: {  	_ =	swait.ge [sflag:s13], $0xA00  }
0x14: {  	[sflag:s13] =	ssyncset.done $0x0  }
0x15: {  	[sflag:s13] =	ssyncadd.s32 $0xFFFFF600  }
.LBB2_1:
0x16: {  	s19 =	simm.s32 $0x80;
	s20 =	simm.s32 $0x0  }
.LBB2_2:
0x17: {  	p0 =	sne.s32 s19, $0x3F80;
	[tilespmem:s20+$0x5000] =	vst v0;
	s21 =	smov.u32 s19;
	s19 =	sadd.s32 $0x80, s19  }
.Ltmp2:
0x18: {  	[tilespmem:s20+$0x5010] =	vst v0;
	(pc) =	sbr.rel @p0 .LBB2_2-.Ltmp2, $2  }
0x19: {  	_ =	sdelay $0x2  }
0x1a: {  	s20 =	sshra.s32 s21, $0x2  }
0x1b: {  	[tilespmem:s20+$0x5000] =	vst v0  }
0x1c: {  	[tilespmem:s20+$0x5010] =	vst v0  }
0x1d: {  	[spmem:s4] =	stream.linear.scatter [tilespmem:s12], [sflag:$0x5], $0x1000, $0x38;
	[tilespmem:$0x8800] =	vst v63  }
0x1e: {  	_ =	swait.ge [sflag:s13], $0x1000  }
0x1f: {  	[sflag:s13] =	ssyncset.done $0x0  }
0x20: {  	[sflag:s13] =	ssyncadd.s32 $0xFFFFF000  }
0x21: {  	[spmem:s5] =	stream.linear.scatter [tilespmem:s12], [sflag:$0x5], $0x1000, $0x38;
	[tilespmem:$0x8800] =	vst v63  }
0x22: {  	_ =	swait.ge [sflag:s13], $0x1000  }
0x23: {  	[sflag:s13] =	ssyncset.done $0x0  }
0x24: {  	[sflag:s13] =	ssyncadd.s32 $0xFFFFF000  }
0x25: {  	[spmem:s6] =	stream.linear.scatter [tilespmem:s12], [sflag:$0x5], $0x1000, $0x38;
	[tilespmem:$0x8800] =	vst v63  }
0x26: {  	_ =	swait.ge [sflag:s13], $0x1000  }
0x27: {  	[sflag:s13] =	ssyncset.done $0x0  }
0x28: {  	[sflag:s13] =	ssyncadd.s32 $0xFFFFF000  }
0x29: {  	[spmem:s7] =	stream.linear.scatter [tilespmem:s12], [sflag:$0x5], $0x1000, $0x38;
	[tilespmem:$0x8800] =	vst v63  }
0x2a: {  	_ =	swait.ge [sflag:s13], $0x1000  }
0x2b: {  	[sflag:s13] =	ssyncset.done $0x0  }
0x2c: {  	[sflag:s13] =	ssyncadd.s32 $0xFFFFF000  }
0x2d: {  	[spmem:s8] =	stream.linear.scatter [tilespmem:s12], [sflag:$0x5], $0x1000, $0x38;
	[tilespmem:$0x8800] =	vst v63  }
0x2e: {  	_ =	swait.ge [sflag:s13], $0x1000  }
0x2f: {  	[sflag:s13] =	ssyncset.done $0x0  }
0x30: {  	s19 =	simm.s32 $0x80;
	s20 =	simm.s32 $0x0;
	[sflag:s13] =	ssyncadd.s32 $0xFFFFF000  }
.LBB2_4:
0x31: {  	p0 =	sne.s32 s19, $0x3F80;
	[tilespmem:s20+$0x5000] =	vst v1;
	s21 =	smov.u32 s19;
	s19 =	sadd.s32 $0x80, s19  }
.Ltmp3:
0x32: {  	[tilespmem:s20+$0x5010] =	vst v1;
	(pc) =	sbr.rel @p0 .LBB2_4-.Ltmp3, $2  }
0x33: {  	_ =	sdelay $0x2  }
0x34: {  	s20 =	sshra.s32 s21, $0x2  }
0x35: {  	[tilespmem:s20+$0x5000] =	vst v1  }
0x36: {  	[tilespmem:s20+$0x5010] =	vst v1  }
0x37: {  	s19 =	simm.s32 $0x0;
	[bflag:$0x0] =	sbarrier.arrive $0xFFFF  }
0x38: {  	[tilespmem:s14], [sflag:$0x5] =	stream.linear.gather [hbm4b:s9+s19], $0x2800, $0x38;
	[tilespmem:$0x8800] =	vst v63  }
0x39: {  	_ =	swait.ge [sflag:s13], $0x2800  }
0x3a: {  	[sflag:s13] =	ssyncset.done $0x0  }
0x3b: {  	[sflag:s13] =	ssyncadd.s32 $0xFFFFD800  }
0x3c: {  	[spmem:s2] =	stream.indirect.scatter.add.f32 [tilespmem:s12], [sflag:$0x1], $0x20, s14, s15, $0xb8;
	[tilespmem:$0x8800] =	vst v63  }
0x3d: {  	_ = 	snop  }
0x3e: {  	[spmem:s2] =	stream.indirect.scatter.add.f32 [tilespmem:s12], [sflag:$0x2], $0x20, s16, s15, $0xb8;
	[tilespmem:$0x8800] =	vst v63  }
.Ltmp4:
0x3f: {  	_ = 	snop;
	(pc) =	sbr.rel .LBB2_6-.Ltmp4, $4  }
0x40: {  	_ = 	snop  }
0x41: {  	[spmem:s2] =	stream.indirect.scatter.add.f32 [tilespmem:s12], [sflag:$0x3], $0x20, s17, s15, $0xb8;
	[tilespmem:$0x8800] =	vst v63  }
0x42: {  	s20 =	simm.s32 $0x6200  }
0x43: {  	[spmem:s2] =	stream.indirect.scatter.add.f32 [tilespmem:s12], [sflag:$0x4], $0x20, s18, s15, $0xb8;
	[tilespmem:$0x8800] =	vst v63  }
.LBB2_11:
0x44: {  	[spmem:s2] =	stream.indirect.scatter.add.f32 [tilespmem:s12], [sflag:s21], $0x20, s20, s15, $0xb8;
	[tilespmem:$0x8800] =	vst v63  }
.LBB2_12:
0x45: {  	s19 =	sadd.s32 $0x1, s19  }
0x46: {  	p0 =	sne.s32 s19, $0x50  }
.Ltmp5:
0x47: {  	_ = 	snop;
	(pc) =	sbr.rel @!p0 .LBB2_13-.Ltmp5, $2  }
0x48: {  	_ =	sdelay $0x2  }
0x49: {  	s20 =	sadd.s32 $0x80, s20  }
.LBB2_6:
0x4a: {  	s21 =	sand.u32 $0x3, s19  }
0x4b: {  	p0 =	sgt.s32 s21, $0x1  }
.Ltmp6:
0x4c: {  	_ = 	snop;
	(pc) =	sbr.rel @p0 .LBB2_10-.Ltmp6, $1  }
0x4d: {  	_ =	sdelay $0x3  }
0x4e: {  	p0 =	seq.s32 s21, $0x0  }
.Ltmp7:
0x4f: {  	_ = 	snop;
	(pc) =	sbr.rel @!p0 .LBB2_9-.Ltmp7, $1  }
0x50: {  	_ =	sdelay $0x3  }
0x51: {  	p0 =	slt.u32 s19, $0x4C  }
.Ltmp8:
0x52: {  	_ = 	snop;
	(pc) =	sbr.rel @p0 .LBB2_11-.Ltmp8, $4  }
.Ltmp9:
0x53: {  	s21 =	simm.s32 $0x1;
	(pc) =	sbr.rel @!p0 .LBB2_12-.Ltmp9, $4  }
0x54: {  	_ =	swait.ge [sflag:s21], $0x1000  }
0x55: {  	[sflag:s21] =	ssyncset.done $0x0  }
0x56: {  	[sflag:s21] =	ssyncadd.s32 $0xFFFFF000  }
0x57: {  	_ = 	snop  }
.LBB2_10:
0x58: {  	p1 =	seq.s32 s21, $0x2;
	p0 =	slt.u32 s19, $0x4C  }
.Ltmp10:
0x59: {  	s21 =	simm.s32 @!p1 $0x4;
	(pc) =	sbr.rel @!p0 .LBB2_12-.Ltmp10, $4  }
.Ltmp11:
0x5a: {  	s21 =	simm.s32 @p1 $0x3;
	(pc) =	sbr.rel @p0 .LBB2_11-.Ltmp11, $4  }
0x5b: {  	_ =	swait.ge [sflag:s21], $0x1000  }
0x5c: {  	[sflag:s21] =	ssyncset.done $0x0  }
0x5d: {  	[sflag:s21] =	ssyncadd.s32 $0xFFFFF000  }
0x5e: {  	_ = 	snop  }
.LBB2_9:
0x5f: {  	p0 =	slt.u32 s19, $0x4C  }
.Ltmp12:
0x60: {  	_ = 	snop;
	(pc) =	sbr.rel @p0 .LBB2_11-.Ltmp12, $4  }
.Ltmp13:
0x61: {  	s21 =	simm.s32 $0x2;
	(pc) =	sbr.rel @!p0 .LBB2_12-.Ltmp13, $4  }
0x62: {  	_ =	swait.ge [sflag:s21], $0x1000  }
0x63: {  	[sflag:s21] =	ssyncset.done $0x0  }
0x64: {  	[sflag:s21] =	ssyncadd.s32 $0xFFFFF000  }
0x65: {  	_ = 	snop  }
.LBB2_14:
0x66: {  	_ =	sfence.sel $0x180000  }
0x67: {  	[bflag:$0x0] =	sbarrier.arrive $0xFFFF  }
0x68: {  	p0 =	sne.s32 s0, $0x0;
	_ =	strace $0x90000047  }
0x69: {  	s0 =	sadd.s32 @!p0 $0x100000, s1;
	[bflag:$0x2] =	sbarrier.arrive $0xFFFF  }
0x6a: {  	[sflag:s0] =	ssyncadd.tile.s32 @!p0 $0x1;
	_ =	shalt  }
.Lfunc_end2:
_tile_overlayer_lowered:
.L_overlay_start_2:
0x6b: {  	(tag) =	ssettag $0x2  }
0x6c: {  	s0 =	rddreg [dreg:$0x0];
	s2 =	stileid.u32  }
0x6d: {  	s1 =	rddreg [dreg:$0x1];
	p0 =	sne.s32 s2, $0x0  }
0x6e: {  	s3 =	rddreg [dreg:$0x2];
	[bflag:$0x3] =	sbarrier.arrive $0xFFFF;
	s2 =	simm.s32 @!p0 $0x1C05  }
0x6f: {  	[timem:s3], [sflag:s2] =	dma.local @!p0 [hbm:s0], s1  }
0x70: {  	s0 =	simm.s32 @!p0 $0x5  }
0x71: {  	_ =	swait.ge @!p0 [sflag:s0], s1  }
0x72: {  	s1 =	ssub.s32 @!p0 $0x0, s1;
	[sflag:s0] =	ssyncset.done @!p0 $0x0  }
0x73: {  	[sflag:s0] =	ssyncadd.s32 @!p0 s1  }
0x74: {  	[bflag:$0x3] =	sbarrier.arrive $0xFFFF  }
0x75: {  	_ =	shalt  }

</sc_bundles>
